<compile_context>
chip_gen: v7x
topology: tpu7x:2x2x1
jax: 0.10.2.dev20260603
libtpu: 0.0.44.dev20260713+nightly
codegen_flags: <defaults>
</compile_context>

<pallas_src>
import functools

import jax
import jax.numpy as jnp
from jax import lax
from jax.experimental import pallas as pl
from jax.experimental.pallas import tpu as pltpu
from jax.experimental.pallas import tpu_sc as plsc

N = 10000
E = 160000
B = 64
NF = 128
P1 = 128
P2 = 32
NL = 3

NW = 32
CH = 128
EPW = 5120
E_PAD = NW * EPW
NCHUNK = EPW // CH
N_ACC = 10240
EB = 2048
NEB = E_PAD // EB
E4 = E_PAD // 4
EB4 = 512
NE4 = E // 4
NB_N = 10
NBR = N // NB_N


def _leaky(t):
    return jnp.where(t >= 0, t, 0.01 * t)



def _pre1_body(x_ref, w_ref, b_ref, u_ref, s_ref, q_ref):
    i = pl.program_id(0)
    u = jnp.dot(x_ref[...], w_ref[...], preferred_element_type=jnp.float32)
    u = u + b_ref[...]
    u_ref[...] = u

    @pl.when(i == 0)
    def _():
        s_ref[...] = jnp.zeros_like(s_ref)
        q_ref[...] = jnp.zeros_like(q_ref)

    s_ref[...] += jnp.sum(u, axis=0, keepdims=True)
    q_ref[...] += jnp.sum(u * u, axis=0, keepdims=True)


def _pre1(x, w1t, b1):
    return pl.pallas_call(
        _pre1_body,
        grid=(NB_N,),
        in_specs=[
            pl.BlockSpec((NBR, NF), lambda i: (i, 0)),
            pl.BlockSpec((NF, 80), lambda i: (0, 0)),
            pl.BlockSpec((1, 80), lambda i: (0, 0)),
        ],
        out_specs=[
            pl.BlockSpec((NBR, 80), lambda i: (i, 0)),
            pl.BlockSpec((1, 80), lambda i: (0, 0)),
            pl.BlockSpec((1, 80), lambda i: (0, 0)),
        ],
        out_shape=[
            jax.ShapeDtypeStruct((N, 80), jnp.float32),
            jax.ShapeDtypeStruct((1, 80), jnp.float32),
            jax.ShapeDtypeStruct((1, 80), jnp.float32),
        ],
    )(x, w1t, b1)


def _pre2_body(u_ref, ac_ref, w_ref, b_ref, u2_ref, s_ref, q_ref):
    i = pl.program_id(0)
    h0 = _leaky(u_ref[...] * ac_ref[0:1, :] + ac_ref[1:2, :])
    u2 = jnp.dot(h0, w_ref[...], preferred_element_type=jnp.float32) + b_ref[...]
    u2_ref[...] = u2

    @pl.when(i == 0)
    def _():
        s_ref[...] = jnp.zeros_like(s_ref)
        q_ref[...] = jnp.zeros_like(q_ref)

    s_ref[...] += jnp.sum(u2, axis=0, keepdims=True)
    q_ref[...] += jnp.sum(u2 * u2, axis=0, keepdims=True)


def _pre2(u1, ac, w2t, b2):
    return pl.pallas_call(
        _pre2_body,
        grid=(NB_N,),
        in_specs=[
            pl.BlockSpec((NBR, 80), lambda i: (i, 0)),
            pl.BlockSpec((2, 80), lambda i: (0, 0)),
            pl.BlockSpec((80, P2), lambda i: (0, 0)),
            pl.BlockSpec((1, P2), lambda i: (0, 0)),
        ],
        out_specs=[
            pl.BlockSpec((NBR, P2), lambda i: (i, 0)),
            pl.BlockSpec((1, P2), lambda i: (0, 0)),
            pl.BlockSpec((1, P2), lambda i: (0, 0)),
        ],
        out_shape=[
            jax.ShapeDtypeStruct((N, P2), jnp.float32),
            jax.ShapeDtypeStruct((1, P2), jnp.float32),
            jax.ShapeDtypeStruct((1, P2), jnp.float32),
        ],
    )(u1, ac, w2t, b2)


def _prefin_body(u_ref, ac_ref, o_ref):
    o_ref[...] = _leaky(u_ref[...] * ac_ref[0:1, :] + ac_ref[1:2, :])


def _prefin(u2, ac):
    return pl.pallas_call(
        _prefin_body,
        out_shape=jax.ShapeDtypeStruct((N, P2), jnp.float32),
    )(u2, ac)



def _rstats_body(r4_ref, s_ref, q_ref):
    i = pl.program_id(0)
    r4 = r4_ref[...]
    row = i * EB4 + lax.broadcasted_iota(jnp.int32, (EB4, 1), 0)
    r4 = r4 * (row < NE4).astype(jnp.float32)

    @pl.when(i == 0)
    def _():
        s_ref[...] = jnp.zeros_like(s_ref)
        q_ref[...] = jnp.zeros_like(q_ref)

    s_ref[...] += jnp.sum(r4, axis=0, keepdims=True)
    q_ref[...] += jnp.sum(r4 * r4, axis=0, keepdims=True)


def _rstats(ea4):
    return pl.pallas_call(
        _rstats_body,
        grid=(NEB,),
        in_specs=[pl.BlockSpec((EB4, 4), lambda i: (i, 0))],
        out_specs=[
            pl.BlockSpec((1, 4), lambda i: (0, 0)),
            pl.BlockSpec((1, 4), lambda i: (0, 0)),
        ],
        out_shape=[
            jax.ShapeDtypeStruct((1, 4), jnp.float32),
            jax.ShapeDtypeStruct((1, 4), jnp.float32),
        ],
    )(ea4)


def _e1mat4_body(r4_ref, qexp_ref, w01_ref, ac_ref, e14_ref, g_ref, m_ref):
    i = pl.program_id(0)
    re = jnp.dot(r4_ref[...], qexp_ref[...],
                 preferred_element_type=jnp.float32)
    pre = re * w01_ref[0:1, :] + (1.0 - re) * w01_ref[1:2, :]
    e1p = _leaky(pre * ac_ref[0:1, :] + ac_ref[1:2, :])
    row = i * EB4 + lax.broadcasted_iota(jnp.int32, (EB4, 1), 0)
    e1p = e1p * (row < NE4).astype(jnp.float32)
    e14_ref[...] = e1p

    @pl.when(i == 0)
    def _():
        g_ref[...] = jnp.zeros_like(g_ref)
        m_ref[...] = jnp.zeros_like(m_ref)

    g = g_ref[...]
    mm = m_ref[...]
    for q in range(4):
        sl = e1p[:, P1 * q:P1 * (q + 1)]
        g += lax.dot_general(sl, sl, (((0,), (0,)), ((), ())),
                             preferred_element_type=jnp.float32)
        mm += jnp.sum(sl, axis=0, keepdims=True)
    g_ref[...] = g
    m_ref[...] = mm


def _e1mat4(ea4, qexp, w01t4, ac4):
    return pl.pallas_call(
        _e1mat4_body,
        grid=(NEB,),
        in_specs=[
            pl.BlockSpec((EB4, 4), lambda i: (i, 0)),
            pl.BlockSpec((4, 4 * P1), lambda i: (0, 0)),
            pl.BlockSpec((2, 4 * P1), lambda i: (0, 0)),
            pl.BlockSpec((2, 4 * P1), lambda i: (0, 0)),
        ],
        out_specs=[
            pl.BlockSpec((EB4, 4 * P1), lambda i: (i, 0)),
            pl.BlockSpec((P1, P1), lambda i: (0, 0)),
            pl.BlockSpec((1, P1), lambda i: (0, 0)),
        ],
        out_shape=[
            jax.ShapeDtypeStruct((E4, 4 * P1), jnp.float32),
            jax.ShapeDtypeStruct((P1, P1), jnp.float32),
            jax.ShapeDtypeStruct((1, P1), jnp.float32),
        ],
    )(ea4, qexp, w01t4, ac4)


def _e2aff_body(g_ref, m_ref, w2_ref, g2_ref, b2_ref, a_ref, c_ref):
    w2 = w2_ref[...]
    mu = lax.dot_general(w2, m_ref[...], (((1,), (1,)), ((), ())),
                         preferred_element_type=jnp.float32) / E
    t = lax.dot_general(w2, g_ref[...], (((1,), (0,)), ((), ())),
                        preferred_element_type=jnp.float32)
    ssq = jnp.sum(t * w2, axis=1, keepdims=True) / E
    var = ssq - mu * mu
    a = g2_ref[...] / jnp.sqrt(var + 1e-5)
    a_ref[...] = a
    c_ref[...] = b2_ref[...] - mu * a


def _e2aff(g, m, w2, g2c, b2c):
    return pl.pallas_call(
        _e2aff_body,
        out_shape=[
            jax.ShapeDtypeStruct((P2 * P2, 1), jnp.float32),
            jax.ShapeDtypeStruct((P2 * P2, 1), jnp.float32),
        ],
    )(g, m, w2, g2c, b2c)



def _msg4_body(e14_ref, hs4_ref, w2a_ref, cmat_ref, rexp_ref, ssel_ref,
               msg4_ref):
    hs4 = hs4_ref[...]
    for q in range(4):
        e2a = jnp.dot(e14_ref[:, P1 * q:P1 * (q + 1)], w2a_ref[...],
                      preferred_element_type=jnp.float32)
        hsq = hs4[:, P2 * q:P2 * (q + 1)]
        hsw = jnp.dot(hsq, rexp_ref[...], preferred_element_type=jnp.float32)
        msg4_ref[:, P2 * q:P2 * (q + 1)] = (
            jnp.dot(hsw * e2a, ssel_ref[...], preferred_element_type=jnp.float32)
            + jnp.dot(hsq, cmat_ref[...], preferred_element_type=jnp.float32))


def _msg4(e14, hs4, w2a, cmat, rexp, ssel):
    return pl.pallas_call(
        _msg4_body,
        grid=(NEB,),
        in_specs=[
            pl.BlockSpec((EB4, 4 * P1), lambda i: (i, 0)),
            pl.BlockSpec((EB4, 4 * P2), lambda i: (i, 0)),
            pl.BlockSpec((P1, P2 * P2), lambda i: (0, 0)),
            pl.BlockSpec((P2, P2), lambda i: (0, 0)),
            pl.BlockSpec((P2, P2 * P2), lambda i: (0, 0)),
            pl.BlockSpec((P2 * P2, P2), lambda i: (0, 0)),
        ],
        out_specs=pl.BlockSpec((EB4, 4 * P2), lambda i: (i, 0)),
        out_shape=jax.ShapeDtypeStruct((E4, 4 * P2), jnp.float32),
    )(e14, hs4, w2a, cmat, rexp, ssel)



def _gru_body(aggp_ref, degp_ref, h_ref, crw_ref, cb_ref, wih_ref, whh_ref,
              bih_ref, bhh_ref, out_ref):
    agg = aggp_ref[0, 0:N, :] + aggp_ref[1, 0:N, :]
    deg = degp_ref[0, 0:N, 0:1] + degp_ref[1, 0:N, 0:1]
    invd = 1.0 / jnp.maximum(deg, 1.0)
    h = h_ref[...]
    m = _leaky(agg * invd
               + jnp.dot(h, crw_ref[...], preferred_element_type=jnp.float32)
               + cb_ref[...])
    gi = jnp.dot(m, wih_ref[...], preferred_element_type=jnp.float32) + bih_ref[...]
    gh = jnp.dot(h, whh_ref[...], preferred_element_type=jnp.float32) + bhh_ref[...]
    r = jax.nn.sigmoid(gi[:, :P2] + gh[:, :P2])
    z = jax.nn.sigmoid(gi[:, P2:2 * P2] + gh[:, P2:2 * P2])
    n = jnp.tanh(gi[:, 2 * P2:] + r * gh[:, 2 * P2:])
    out_ref[...] = (1.0 - z) * n + z * h


def _gru(aggp, degp, h, crw, cb, wiht, whht, bih, bhh):
    return pl.pallas_call(
        _gru_body,
        out_shape=jax.ShapeDtypeStruct((N, P2), jnp.float32),
    )(aggp, degp, h, crw, cb, wiht, whht, bih, bhh)



def _s2s_body(h_ref, brow_ref, bcol_ref, wih_ref, whh_ref, bih_ref, bhh_ref,
              l1_ref, l1b_ref, l2_ref, l2b_ref, lf_ref, lfb_ref, y_ref):
    h = h_ref[...]
    iota_bn = lax.broadcasted_iota(jnp.int32, (B, N), 0).astype(jnp.float32)
    oh_t = (brow_ref[...] == iota_bn).astype(jnp.float32)
    iota_nb = lax.broadcasted_iota(jnp.int32, (N, B), 1).astype(jnp.float32)
    oh = (bcol_ref[...] == iota_nb).astype(jnp.float32)
    q_star = jnp.zeros((B, 2 * P2), jnp.float32)
    hl = jnp.zeros((B, P2), jnp.float32)
    cl = jnp.zeros((B, P2), jnp.float32)
    for _ in range(3):
        g = (jnp.dot(q_star, wih_ref[...], preferred_element_type=jnp.float32)
             + bih_ref[...]
             + jnp.dot(hl, whh_ref[...], preferred_element_type=jnp.float32)
             + bhh_ref[...])
        i_g = jax.nn.sigmoid(g[:, :P2])
        f_g = jax.nn.sigmoid(g[:, P2:2 * P2])
        g_g = jnp.tanh(g[:, 2 * P2:3 * P2])
        o_g = jax.nn.sigmoid(g[:, 3 * P2:])
        cl = f_g * cl + i_g * g_g
        hl = o_g * jnp.tanh(cl)
        q = hl
        qb = jnp.dot(oh, q, preferred_element_type=jnp.float32)
        e = jnp.sum(h * qb, axis=1, keepdims=True)
        ex = jnp.exp(e - jnp.max(e))
        zc = jnp.concatenate([ex, ex * h], axis=1)
        s = jnp.dot(oh_t, zc, preferred_element_type=jnp.float32)
        r_ = s[:, 1:] / jnp.maximum(s[:, 0:1], 1e-30)
        q_star = jnp.concatenate([q, r_], axis=1)
    y = _leaky(jnp.dot(q_star, l1_ref[...], preferred_element_type=jnp.float32)
               + l1b_ref[...])
    y = _leaky(jnp.dot(y, l2_ref[...], preferred_element_type=jnp.float32)
               + l2b_ref[...])
    y_ref[...] = (jnp.dot(y, lf_ref[...], preferred_element_type=jnp.float32)
                  + lfb_ref[...])


def _s2s(h, brow, bcol, wiht, whht, bih, bhh, l1t, l1b, l2t, l2b, lft, lfb):
    return pl.pallas_call(
        _s2s_body,
        out_shape=jax.ShapeDtypeStruct((B, 1), jnp.float32),
    )(h, brow, bcol, wiht, whht, bih, bhh, l1t, l1b, l2t, l2b, lft, lfb)



def _sc_mesh():
    return plsc.VectorSubcoreMesh(core_axis_name="c", subcore_axis_name="s",
                                  num_cores=2, num_subcores=16)


@functools.lru_cache(maxsize=None)
def _sc_gather_kernel():
    @functools.partial(
        pl.kernel,
        out_type=jax.ShapeDtypeStruct((E_PAD, P2), jnp.float32),
        mesh=_sc_mesh(),
        compiler_params=pltpu.CompilerParams(use_tc_tiling_on_sc=False),
        scratch_types=[
            pltpu.VMEM((CH,), jnp.int32),
            pltpu.VMEM((CH, P2), jnp.float32),
            pltpu.SemaphoreType.DMA,
        ],
    )
    def _k(h_hbm, idx_hbm, out_hbm, idx_v, rows_v, sem):
        wid = lax.axis_index("s") * 2 + lax.axis_index("c")

        def chunk(j, carry):
            base = wid * EPW + j * CH
            pltpu.sync_copy(idx_hbm.at[pl.ds(base, CH)], idx_v)
            pltpu.async_copy(h_hbm.at[idx_v], rows_v, sem).wait()
            pltpu.sync_copy(rows_v, out_hbm.at[pl.ds(base, CH)])
            return carry

        lax.fori_loop(0, NCHUNK, chunk, 0)

    return _k


def _sc_gather(h, idx):
    return _sc_gather_kernel()(h, idx)


@functools.lru_cache(maxsize=None)
def _sc_scatter_kernel():
    @functools.partial(
        pl.kernel,
        out_type=jax.ShapeDtypeStruct((2, N_ACC, P2), jnp.float32),
        mesh=_sc_mesh(),
        compiler_params=pltpu.CompilerParams(use_tc_tiling_on_sc=False),
        scratch_types=[
            pltpu.VMEM((CH,), jnp.int32),
            pltpu.VMEM((CH, P2), jnp.float32),
            pltpu.VMEM_SHARED((N_ACC, P2), jnp.float32),
        ],
    )
    def _k(msg_hbm, idx_hbm, zero_hbm, out_hbm, idx_v, rows_v, acc):
        cid = lax.axis_index("c")
        sid = lax.axis_index("s")
        wid = sid * 2 + cid
        rows_per = N_ACC // 16
        pltpu.sync_copy(zero_hbm.at[pl.ds(sid * rows_per, rows_per)],
                        acc.at[pl.ds(sid * rows_per, rows_per)])
        plsc.subcore_barrier()

        def chunk(j, carry):
            base = wid * EPW + j * CH
            pltpu.sync_copy(idx_hbm.at[pl.ds(base, CH)], idx_v)
            pltpu.sync_copy(msg_hbm.at[pl.ds(base, CH)], rows_v)
            pltpu.sync_copy(rows_v, acc.at[idx_v], add=True)
            return carry

        lax.fori_loop(0, NCHUNK, chunk, 0)
        plsc.subcore_barrier()
        pltpu.sync_copy(acc.at[pl.ds(sid * rows_per, rows_per)],
                        out_hbm.at[cid, pl.ds(sid * rows_per, rows_per)])

    return _k


def _sc_scatter(msg, idx, zeros):
    return _sc_scatter_kernel()(msg, idx, zeros)


@functools.lru_cache(maxsize=None)
def _sc_deg_kernel():
    @functools.partial(
        pl.kernel,
        out_type=jax.ShapeDtypeStruct((2, N_ACC, 16), jnp.float32),
        mesh=_sc_mesh(),
        compiler_params=pltpu.CompilerParams(use_tc_tiling_on_sc=False),
        scratch_types=[
            pltpu.VMEM((CH,), jnp.int32),
            pltpu.VMEM((CH, 16), jnp.float32),
            pltpu.VMEM_SHARED((N_ACC, 16), jnp.float32),
        ],
    )
    def _k(idx_hbm, ones_hbm, zero_hbm, out_hbm, idx_v, ones_v, acc):
        cid = lax.axis_index("c")
        sid = lax.axis_index("s")
        wid = sid * 2 + cid
        rows_per = N_ACC // 16
        pltpu.sync_copy(zero_hbm.at[pl.ds(sid * rows_per, rows_per)],
                        acc.at[pl.ds(sid * rows_per, rows_per)])
        pltpu.sync_copy(ones_hbm, ones_v)
        plsc.subcore_barrier()

        def chunk(j, carry):
            base = wid * EPW + j * CH
            pltpu.sync_copy(idx_hbm.at[pl.ds(base, CH)], idx_v)
            pltpu.sync_copy(ones_v, acc.at[idx_v], add=True)
            return carry

        lax.fori_loop(0, NCHUNK, chunk, 0)
        plsc.subcore_barrier()
        pltpu.sync_copy(acc.at[pl.ds(sid * rows_per, rows_per)],
                        out_hbm.at[cid, pl.ds(sid * rows_per, rows_per)])

    return _k


def _sc_deg(idx, ones, zeros):
    return _sc_deg_kernel()(idx, ones, zeros)



def kernel(x, edge_index, edge_attr, batch, params):
    p = params
    f32 = jnp.float32
    pad_e = E_PAD - E
    src_p = jnp.concatenate([edge_index[0].astype(jnp.int32),
                             jnp.zeros((pad_e,), jnp.int32)])
    dst_p = jnp.concatenate([edge_index[1].astype(jnp.int32),
                             jnp.full((pad_e,), N, jnp.int32)])
    ea4 = jnp.concatenate([edge_attr.astype(f32),
                           jnp.zeros((pad_e, 1), f32)], axis=0).reshape(E4, 4)

    u1, s1, q1 = _pre1(x, p['pre_W1'].T, p['pre_b1'].reshape(1, 80))
    mu1 = s1 / N
    var1 = q1 / N - mu1 * mu1
    a1 = p['pre_g1'].reshape(1, 80) / jnp.sqrt(var1 + 1e-5)
    c1 = p['pre_beta1'].reshape(1, 80) - mu1 * a1
    ac1 = jnp.concatenate([a1, c1], axis=0)
    u2, s2, q2 = _pre2(u1, ac1, p['pre_W2'].T, p['pre_b2'].reshape(1, P2))
    mu2 = s2 / N
    var2 = q2 / N - mu2 * mu2
    a2 = p['pre_g2'].reshape(1, P2) / jnp.sqrt(var2 + 1e-5)
    c2 = p['pre_beta2'].reshape(1, P2) - mu2 * a2
    out = _prefin(u2, jnp.concatenate([a2, c2], axis=0))

    sr, qr = _rstats(ea4)
    m_r = jnp.sum(sr) / E
    v_r = jnp.sum(qr) / E - m_r * m_r
    w0 = p['enn_W1'][:, 0]
    w1 = p['enn_W1'][:, 1]
    emu = m_r * w0 + (1.0 - m_r) * w1
    evar = v_r * (w0 - w1) ** 2
    ea1 = p['enn_g1'] / jnp.sqrt(evar + 1e-5)
    ec1 = p['enn_beta1'] - emu * ea1
    qexp = (jnp.arange(4 * P1)[None, :] // P1
            == jnp.arange(4)[:, None]).astype(f32)
    w01t4 = jnp.stack([jnp.tile(w0, 4), jnp.tile(w1, 4)])
    ac4 = jnp.stack([jnp.tile(ea1, 4), jnp.tile(ec1, 4)])
    e14, gram, msum = _e1mat4(ea4, qexp, w01t4, ac4)
    a2c, c2c = _e2aff(gram, msum, p['enn_W2'],
                      p['enn_g2'].reshape(P2 * P2, 1),
                      p['enn_beta2'].reshape(P2 * P2, 1))
    w2a = p['enn_W2'].T * a2c.reshape(1, P2 * P2)
    cmat = c2c.reshape(P2, P2)
    lanes = jnp.arange(P2 * P2)
    rexp = (lanes[None, :] // P2 == jnp.arange(P2)[:, None]).astype(f32)
    ssel = (lanes[:, None] % P2 == jnp.arange(P2)[None, :]).astype(f32)

    degp = _sc_deg(dst_p, jnp.ones((CH, 16), f32), jnp.zeros((N_ACC, 16), f32))
    zeros32 = jnp.zeros((N_ACC, P2), f32)

    crw = p['conv_root']
    cb = p['conv_bias'].reshape(1, P2)
    wiht = p['gru_Wih'].T
    whht = p['gru_Whh'].T
    bih = p['gru_bih'].reshape(1, 3 * P2)
    bhh = p['gru_bhh'].reshape(1, 3 * P2)

    h = out
    for _ in range(NL):
        hs4 = _sc_gather(h, src_p).reshape(E4, 4 * P2)
        msg4 = _msg4(e14, hs4, w2a, cmat, rexp, ssel)
        aggp = _sc_scatter(msg4.reshape(E_PAD, P2), dst_p, zeros32)
        h = _gru(aggp, degp, h, crw, cb, wiht, whht, bih, bhh)

    y = _s2s(h, batch.astype(f32).reshape(1, N), batch.astype(f32).reshape(N, 1),
             p['lstm_Wih'].T, p['lstm_Whh'].T,
             p['lstm_bih'].reshape(1, 4 * P2), p['lstm_bhh'].reshape(1, 4 * P2),
             p['lin1_W'].T, p['lin1_b'].reshape(1, P2),
             p['lin2_W'].T, p['lin2_b'].reshape(1, P2 // 2),
             p['linf_W'].T, p['linf_b'].reshape(1, 1))
    return y.reshape(B)

# --- scband reference (transcript-rebuilt; emitter-appended) ---
"""Pipeline reference for scband-net-85547158602251 (READ-ONLY COPY).

The authoritative reference and input builder live on the scoring server;
editing this copy changes nothing except your own understanding.
"""

import jax, jax.numpy as jnp
import numpy as np

N = 10000
E = 160000
B = 64
NF = 128
P1 = 128
P2 = 32
NL = 3
MAXR = 1.0


def _lin_w(key, out_f, in_f):
    return jax.random.normal(key, (out_f, in_f), dtype=jnp.float32) / np.sqrt(in_f)


def setup_inputs(seed: int = 0):
    key = jax.random.key(seed)
    ks = jax.random.split(key, 20)
    x = jax.random.normal(ks[0], (N, NF), dtype=jnp.float32)
    edge_index = jax.random.randint(ks[1], (2, E), 0, N)
    edge_attr = jax.random.uniform(ks[2], (E, 1), dtype=jnp.float32)
    batch = jnp.sort(jax.random.randint(ks[3], (N,), 0, B))
    params = {
        'pre_W1': _lin_w(ks[4], 80, NF), 'pre_b1': jnp.zeros(80), 'pre_g1': jnp.ones(80), 'pre_beta1': jnp.zeros(80),
        'pre_W2': _lin_w(ks[5], P2, 80), 'pre_b2': jnp.zeros(P2), 'pre_g2': jnp.ones(P2), 'pre_beta2': jnp.zeros(P2),
        'enn_W1': _lin_w(ks[6], P1, 2), 'enn_g1': jnp.ones(P1), 'enn_beta1': jnp.zeros(P1),
        'enn_W2': _lin_w(ks[7], P2 * P2, P1), 'enn_g2': jnp.ones(P2 * P2), 'enn_beta2': jnp.zeros(P2 * P2),
        'conv_root': _lin_w(ks[8], P2, P2), 'conv_bias': jnp.zeros(P2),
        'gru_Wih': _lin_w(ks[9], 3 * P2, P2), 'gru_Whh': _lin_w(ks[10], 3 * P2, P2),
        'gru_bih': jnp.zeros(3 * P2), 'gru_bhh': jnp.zeros(3 * P2),
        'lstm_Wih': _lin_w(ks[11], 4 * P2, 2 * P2), 'lstm_Whh': _lin_w(ks[12], 4 * P2, P2),
        'lstm_bih': jnp.zeros(4 * P2), 'lstm_bhh': jnp.zeros(4 * P2),
        'lin1_W': _lin_w(ks[13], P2, 2 * P2), 'lin1_b': jnp.zeros(P2),
        'lin2_W': _lin_w(ks[14], P2 // 2, P2), 'lin2_b': jnp.zeros(P2 // 2),
        'linf_W': _lin_w(ks[15], 1, P2 // 2), 'linf_b': jnp.zeros(1),
    }
    return {'x': x, 'edge_index': edge_index, 'edge_attr': edge_attr, 'batch': batch, 'params': params}


def _bn(h, g, b):
    mu = jnp.mean(h, axis=0)
    var = jnp.var(h, axis=0)
    return g * (h - mu) / jnp.sqrt(var + 1e-5) + b


def _leaky(t):
    return jax.nn.leaky_relu(t, negative_slope=0.01)


def _forward(x, edge_attr, p, edge_index, batch):
    ea = jnp.concatenate([edge_attr / MAXR, (MAXR - edge_attr) / MAXR], axis=1)
    h0 = _leaky(_bn(x @ p['pre_W1'].T + p['pre_b1'], p['pre_g1'], p['pre_beta1']))
    out = _leaky(_bn(h0 @ p['pre_W2'].T + p['pre_b2'], p['pre_g2'], p['pre_beta2']))
    e1 = _leaky(_bn(ea @ p['enn_W1'].T, p['enn_g1'], p['enn_beta1']))
    e2 = _bn(e1 @ p['enn_W2'].T, p['enn_g2'], p['enn_beta2'])
    W_edge = e2.reshape(-1, P2, P2)
    src = edge_index[0]
    dst = edge_index[1]
    Nn = x.shape[0]
    deg = jnp.maximum(jnp.zeros(Nn, jnp.float32).at[dst].add(1.0), 1.0)
    h = out
    gru_h = out
    for _ in range(NL):
        msg = jnp.einsum('ei,eio->eo', h[src], W_edge)
        agg = jax.ops.segment_sum(msg, dst, num_segments=Nn) / deg[:, None]
        m = _leaky(agg + h @ p['conv_root'] + p['conv_bias'])
        gi = m @ p['gru_Wih'].T + p['gru_bih']
        gh = gru_h @ p['gru_Whh'].T + p['gru_bhh']
        r = jax.nn.sigmoid(gi[:, :P2] + gh[:, :P2])
        z = jax.nn.sigmoid(gi[:, P2:2 * P2] + gh[:, P2:2 * P2])
        n = jnp.tanh(gi[:, 2 * P2:] + r * gh[:, 2 * P2:])
        gru_h = (1.0 - z) * n + z * gru_h
        h = gru_h
    q_star = jnp.zeros((B, 2 * P2), jnp.float32)
    hl = jnp.zeros((B, P2), jnp.float32)
    cl = jnp.zeros((B, P2), jnp.float32)
    for _ in range(3):
        g = q_star @ p['lstm_Wih'].T + p['lstm_bih'] + hl @ p['lstm_Whh'].T + p['lstm_bhh']
        i_g = jax.nn.sigmoid(g[:, :P2])
        f_g = jax.nn.sigmoid(g[:, P2:2 * P2])
        g_g = jnp.tanh(g[:, 2 * P2:3 * P2])
        o_g = jax.nn.sigmoid(g[:, 3 * P2:])
        cl = f_g * cl + i_g * g_g
        hl = o_g * jnp.tanh(cl)
        q = hl
        e = jnp.sum(h * q[batch], axis=-1)
        emax = jax.lax.stop_gradient(jax.ops.segment_max(e, batch, num_segments=B))
        emax = jnp.where(jnp.isfinite(emax), emax, 0.0)
        ex = jnp.exp(e - emax[batch])
        den = jax.ops.segment_sum(ex, batch, num_segments=B)
        a = ex / den[batch]
        r_ = jax.ops.segment_sum(a[:, None] * h, batch, num_segments=B)
        q_star = jnp.concatenate([q, r_], axis=1)
    y = _leaky(q_star @ p['lin1_W'].T + p['lin1_b'])
    y = _leaky(y @ p['lin2_W'].T + p['lin2_b'])
    y = y @ p['linf_W'].T + p['linf_b']
    return jnp.squeeze(y, -1)


def reference(x, edge_index, edge_attr, batch, params):
    return _forward(x, edge_attr, params, edge_index, batch)

if __name__ == "__main__":
    import jax
    _d = setup_inputs()
    print(jax.jit(kernel)(*tuple(_d.values())))

</pallas_src>

<mosaic_0001>
#map = affine_map<(d0, d1) -> (0, 0)>
#map1 = affine_map<(d0, d1) -> (0)>
module attributes {stable_mosaic.version = 14 : i64} {
  func.func @_k(%arg0: i32, %arg1: i32, %arg2: memref<10000x32xf32, #tpu.memory_space<hbm>>, %arg3: memref<163840xi32, #tpu.memory_space<hbm>>, %arg4: memref<163840x32xf32, #tpu.memory_space<hbm>>, %arg5: memref<128xi32, #tpu.memory_space<vmem>>, %arg6: memref<128x32xf32, #tpu.memory_space<vmem>>, %arg7: memref<!tpu.dma_semaphore, #tpu.memory_space<semaphore_mem>>) attributes {dimension_semantics = [#tpu.dimension_semantics<core_parallel>, #tpu.dimension_semantics<subcore_parallel>], iteration_bounds = array<i64: 2, 16>, scalar_prefetch = 0 : i64, scratch_operands = 3 : i64, tpu.core_type = #tpu.core_type<sc_vector_subcore>, window_params = [{transform_indices = #map}, {transform_indices = #map1}, {transform_indices = #map}]} {
    %mul3A = arith.constant 2 : i32
    %mul3A_0 = arith.muli %arg1, %mul3A : i32
    %add3A = arith.addi %mul3A_0, %arg0 : i32
    %scan3A = arith.constant 0 : i32
    %scan3A_1 = arith.constant 0 : i32
    %scan3A_2 = arith.constant 40 : i32
    %scan3A_3 = arith.addi %scan3A_1, %scan3A_2 : i32
    %scan3A_4 = arith.constant 1 : i32
    scf.for %scan3A_6 = %scan3A_1 to %scan3A_3 step %scan3A_4  : i32 {
      %mul3A_7 = arith.constant 5120 : i32
      %mul3A_8 = arith.muli %add3A, %mul3A_7 : i32
      %mul3A_9 = arith.constant 128 : i32
      %mul3A_10 = arith.muli %scan3A_6, %mul3A_9 : i32
      %add3A_11 = arith.addi %mul3A_8, %mul3A_10 : i32
      "tpu.region"() ({
        %run_scoped3A = tpu.sem_alloc : memref<!tpu.dma_semaphore, #tpu.memory_space<semaphore_mem>>
        %dma_start3A_16 = tpu.memref_slice %arg3[%add3A_11] : memref<163840xi32, #tpu.memory_space<hbm>> -> memref<128xi32, #tpu.memory_space<hbm>>
        %dma_start3A_17 = tpu.memref_slice %arg3[%add3A_11] : memref<163840xi32, #tpu.memory_space<hbm>> -> memref<128xi32, #tpu.memory_space<hbm>>
        tpu.enqueue_dma source(%dma_start3A_17 : memref<128xi32, #tpu.memory_space<hbm>>) target(%arg5 : memref<128xi32, #tpu.memory_space<vmem>>) target_semaphore(%run_scoped3A : memref<!tpu.dma_semaphore, #tpu.memory_space<semaphore_mem>>)
        %dma_wait3A_18 = tpu.memref_slice %arg3[%add3A_11] : memref<163840xi32, #tpu.memory_space<hbm>> -> memref<128xi32, #tpu.memory_space<hbm>>
        %dma_wait3A_19 = tpu.memref_slice %arg3[%add3A_11] : memref<163840xi32, #tpu.memory_space<hbm>> -> memref<128xi32, #tpu.memory_space<hbm>>
        tpu.wait_dma2 semaphore(%run_scoped3A : memref<!tpu.dma_semaphore, #tpu.memory_space<semaphore_mem>>) src(%dma_wait3A_19 : memref<128xi32, #tpu.memory_space<hbm>>) dst(%arg5 : memref<128xi32, #tpu.memory_space<vmem>>)
        tpu.yield
      }) : () -> ()
      %dma_start3A = arith.constant 0 : i32
      %dma_start3A_12 = arith.constant 0 : i32
      %dma_start3A_13 = tpu.memref_slice %arg2[%dma_start3A, %dma_start3A_12] : memref<10000x32xf32, #tpu.memory_space<hbm>> -> memref<10000x32xf32, #tpu.memory_space<hbm>>
      tpu.enqueue_indirect_dma source(%dma_start3A_13 : memref<10000x32xf32, #tpu.memory_space<hbm>>) target(%arg6 : memref<128x32xf32, #tpu.memory_space<vmem>>) offsets(%arg5 : memref<128xi32, #tpu.memory_space<vmem>>) semaphore(%arg7 : memref<!tpu.dma_semaphore, #tpu.memory_space<semaphore_mem>>)
      %dma_wait3A = arith.constant 0 : i32
      %dma_wait3A_14 = arith.constant 0 : i32
      %dma_wait3A_15 = tpu.memref_slice %arg2[%dma_wait3A, %dma_wait3A_14] : memref<10000x32xf32, #tpu.memory_space<hbm>> -> memref<10000x32xf32, #tpu.memory_space<hbm>>
      tpu.wait_indirect_dma semaphore(%arg7 : memref<!tpu.dma_semaphore, #tpu.memory_space<semaphore_mem>>) src(%dma_wait3A_15 : memref<10000x32xf32, #tpu.memory_space<hbm>>) dst(%arg6 : memref<128x32xf32, #tpu.memory_space<vmem>>)
      "tpu.region"() ({
        %run_scoped3A = tpu.sem_alloc : memref<!tpu.dma_semaphore, #tpu.memory_space<semaphore_mem>>
        %dma_start3A_16 = arith.constant 0 : i32
        %dma_start3A_17 = tpu.memref_slice %arg4[%add3A_11, %dma_start3A_16] : memref<163840x32xf32, #tpu.memory_space<hbm>> -> memref<128x32xf32, #tpu.memory_space<hbm>>
        %dma_start3A_18 = arith.constant 0 : i32
        %dma_start3A_19 = tpu.memref_slice %arg4[%add3A_11, %dma_start3A_18] : memref<163840x32xf32, #tpu.memory_space<hbm>> -> memref<128x32xf32, #tpu.memory_space<hbm>>
        tpu.enqueue_dma source(%arg6 : memref<128x32xf32, #tpu.memory_space<vmem>>) target(%dma_start3A_19 : memref<128x32xf32, #tpu.memory_space<hbm>>) target_semaphore(%run_scoped3A : memref<!tpu.dma_semaphore, #tpu.memory_space<semaphore_mem>>)
        %dma_wait3A_20 = arith.constant 0 : i32
        %dma_wait3A_21 = tpu.memref_slice %arg4[%add3A_11, %dma_wait3A_20] : memref<163840x32xf32, #tpu.memory_space<hbm>> -> memref<128x32xf32, #tpu.memory_space<hbm>>
        %dma_wait3A_22 = arith.constant 0 : i32
        %dma_wait3A_23 = tpu.memref_slice %arg4[%add3A_11, %dma_wait3A_22] : memref<163840x32xf32, #tpu.memory_space<hbm>> -> memref<128x32xf32, #tpu.memory_space<hbm>>
        tpu.wait_dma2 semaphore(%run_scoped3A : memref<!tpu.dma_semaphore, #tpu.memory_space<semaphore_mem>>) src(%arg6 : memref<128x32xf32, #tpu.memory_space<vmem>>) dst(%dma_wait3A_23 : memref<128x32xf32, #tpu.memory_space<hbm>>)
        tpu.yield
      }) : () -> ()
    }
    %scan3A_5 = arith.constant 40 : i32
    return
  }
}

#map = affine_map<(d0, d1) -> (0, 0)>
#map1 = affine_map<(d0, d1) -> (0)>
module attributes {stable_mosaic.version = 14 : i64} {
  func.func @_k(%arg0: i32, %arg1: i32, %arg2: memref<10000x32xf32, #tpu.memory_space<hbm>>, %arg3: memref<163840xi32, #tpu.memory_space<hbm>>, %arg4: memref<163840x32xf32, #tpu.memory_space<hbm>>, %arg5: memref<128xi32, #tpu.memory_space<vmem>>, %arg6: memref<128x32xf32, #tpu.memory_space<vmem>>, %arg7: memref<!tpu.dma_semaphore, #tpu.memory_space<semaphore_mem>>) attributes {dimension_semantics = [#tpu.dimension_semantics<core_parallel>, #tpu.dimension_semantics<subcore_parallel>], iteration_bounds = array<i64: 2, 16>, scalar_prefetch = 0 : i64, scratch_operands = 3 : i64, tpu.core_type = #tpu.core_type<sc_vector_subcore>, window_params = [{transform_indices = #map}, {transform_indices = #map1}, {transform_indices = #map}]} {
    %mul3A = arith.constant 2 : i32
    %mul3A_0 = arith.muli %arg1, %mul3A : i32
    %add3A = arith.addi %mul3A_0, %arg0 : i32
    %scan3A = arith.constant 0 : i32
    %scan3A_1 = arith.constant 0 : i32
    %scan3A_2 = arith.constant 40 : i32
    %scan3A_3 = arith.addi %scan3A_1, %scan3A_2 : i32
    %scan3A_4 = arith.constant 1 : i32
    scf.for %scan3A_6 = %scan3A_1 to %scan3A_3 step %scan3A_4  : i32 {
      %mul3A_7 = arith.constant 5120 : i32
      %mul3A_8 = arith.muli %add3A, %mul3A_7 : i32
      %mul3A_9 = arith.constant 128 : i32
      %mul3A_10 = arith.muli %scan3A_6, %mul3A_9 : i32
      %add3A_11 = arith.addi %mul3A_8, %mul3A_10 : i32
      "tpu.region"() ({
        %run_scoped3A = tpu.sem_alloc : memref<!tpu.dma_semaphore, #tpu.memory_space<semaphore_mem>>
        %dma_start3A_16 = tpu.memref_slice %arg3[%add3A_11] : memref<163840xi32, #tpu.memory_space<hbm>> -> memref<128xi32, #tpu.memory_space<hbm>>
        %dma_start3A_17 = tpu.memref_slice %arg3[%add3A_11] : memref<163840xi32, #tpu.memory_space<hbm>> -> memref<128xi32, #tpu.memory_space<hbm>>
        tpu.enqueue_dma source(%dma_start3A_17 : memref<128xi32, #tpu.memory_space<hbm>>) target(%arg5 : memref<128xi32, #tpu.memory_space<vmem>>) target_semaphore(%run_scoped3A : memref<!tpu.dma_semaphore, #tpu.memory_space<semaphore_mem>>)
        %dma_wait3A_18 = tpu.memref_slice %arg3[%add3A_11] : memref<163840xi32, #tpu.memory_space<hbm>> -> memref<128xi32, #tpu.memory_space<hbm>>
        %dma_wait3A_19 = tpu.memref_slice %arg3[%add3A_11] : memref<163840xi32, #tpu.memory_space<hbm>> -> memref<128xi32, #tpu.memory_space<hbm>>
        tpu.wait_dma2 semaphore(%run_scoped3A : memref<!tpu.dma_semaphore, #tpu.memory_space<semaphore_mem>>) src(%dma_wait3A_19 : memref<128xi32, #tpu.memory_space<hbm>>) dst(%arg5 : memref<128xi32, #tpu.memory_space<vmem>>)
        tpu.yield
      }) : () -> ()
      %dma_start3A = arith.constant 0 : i32
      %dma_start3A_12 = arith.constant 0 : i32
      %dma_start3A_13 = tpu.memref_slice %arg2[%dma_start3A, %dma_start3A_12] : memref<10000x32xf32, #tpu.memory_space<hbm>> -> memref<10000x32xf32, #tpu.memory_space<hbm>>
      tpu.enqueue_indirect_dma source(%dma_start3A_13 : memref<10000x32xf32, #tpu.memory_space<hbm>>) target(%arg6 : memref<128x32xf32, #tpu.memory_space<vmem>>) offsets(%arg5 : memref<128xi32, #tpu.memory_space<vmem>>) semaphore(%arg7 : memref<!tpu.dma_semaphore, #tpu.memory_space<semaphore_mem>>)
      %dma_wait3A = arith.constant 0 : i32
      %dma_wait3A_14 = arith.constant 0 : i32
      %dma_wait3A_15 = tpu.memref_slice %arg2[%dma_wait3A, %dma_wait3A_14] : memref<10000x32xf32, #tpu.memory_space<hbm>> -> memref<10000x32xf32, #tpu.memory_space<hbm>>
      tpu.wait_indirect_dma semaphore(%arg7 : memref<!tpu.dma_semaphore, #tpu.memory_space<semaphore_mem>>) src(%dma_wait3A_15 : memref<10000x32xf32, #tpu.memory_space<hbm>>) dst(%arg6 : memref<128x32xf32, #tpu.memory_space<vmem>>)
      "tpu.region"() ({
        %run_scoped3A = tpu.sem_alloc : memref<!tpu.dma_semaphore, #tpu.memory_space<semaphore_mem>>
        %dma_start3A_16 = arith.constant 0 : i32
        %dma_start3A_17 = tpu.memref_slice %arg4[%add3A_11, %dma_start3A_16] : memref<163840x32xf32, #tpu.memory_space<hbm>> -> memref<128x32xf32, #tpu.memory_space<hbm>>
        %dma_start3A_18 = arith.constant 0 : i32
        %dma_start3A_19 = tpu.memref_slice %arg4[%add3A_11, %dma_start3A_18] : memref<163840x32xf32, #tpu.memory_space<hbm>> -> memref<128x32xf32, #tpu.memory_space<hbm>>
        tpu.enqueue_dma source(%arg6 : memref<128x32xf32, #tpu.memory_space<vmem>>) target(%dma_start3A_19 : memref<128x32xf32, #tpu.memory_space<hbm>>) target_semaphore(%run_scoped3A : memref<!tpu.dma_semaphore, #tpu.memory_space<semaphore_mem>>)
        %dma_wait3A_20 = arith.constant 0 : i32
        %dma_wait3A_21 = tpu.memref_slice %arg4[%add3A_11, %dma_wait3A_20] : memref<163840x32xf32, #tpu.memory_space<hbm>> -> memref<128x32xf32, #tpu.memory_space<hbm>>
        %dma_wait3A_22 = arith.constant 0 : i32
        %dma_wait3A_23 = tpu.memref_slice %arg4[%add3A_11, %dma_wait3A_22] : memref<163840x32xf32, #tpu.memory_space<hbm>> -> memref<128x32xf32, #tpu.memory_space<hbm>>
        tpu.wait_dma2 semaphore(%run_scoped3A : memref<!tpu.dma_semaphore, #tpu.memory_space<semaphore_mem>>) src(%arg6 : memref<128x32xf32, #tpu.memory_space<vmem>>) dst(%dma_wait3A_23 : memref<128x32xf32, #tpu.memory_space<hbm>>)
        tpu.yield
      }) : () -> ()
    }
    %scan3A_5 = arith.constant 40 : i32
    return
  }
}

#map = affine_map<(d0, d1) -> (0)>
#map1 = affine_map<(d0, d1) -> (0, 0)>
#map2 = affine_map<(d0, d1) -> (0, 0, 0)>
module attributes {stable_mosaic.version = 14 : i64} {
  func.func @_k(%arg0: i32, %arg1: i32, %arg2: memref<163840xi32, #tpu.memory_space<hbm>>, %arg3: memref<128x16xf32, #tpu.memory_space<hbm>>, %arg4: memref<10240x16xf32, #tpu.memory_space<hbm>>, %arg5: memref<2x10240x16xf32, #tpu.memory_space<hbm>>, %arg6: memref<128xi32, #tpu.memory_space<vmem>>, %arg7: memref<128x16xf32, #tpu.memory_space<vmem>>, %arg8: memref<10240x16xf32, #tpu.memory_space<vmem_shared>>) attributes {dimension_semantics = [#tpu.dimension_semantics<core_parallel>, #tpu.dimension_semantics<subcore_parallel>], iteration_bounds = array<i64: 2, 16>, scalar_prefetch = 0 : i64, scratch_operands = 3 : i64, tpu.core_type = #tpu.core_type<sc_vector_subcore>, window_params = [{transform_indices = #map}, {transform_indices = #map1}, {transform_indices = #map1}, {transform_indices = #map2}]} {
    %mul3A = arith.constant 2 : i32
    %mul3A_0 = arith.muli %arg1, %mul3A : i32
    %add3A = arith.addi %mul3A_0, %arg0 : i32
    %mul3A_1 = arith.constant 640 : i32
    %mul3A_2 = arith.muli %arg1, %mul3A_1 : i32
    %mul3A_3 = arith.constant 640 : i32
    %mul3A_4 = arith.muli %arg1, %mul3A_3 : i32
    "tpu.region"() ({
      %run_scoped3A = tpu.sem_alloc : memref<!tpu.dma_semaphore, #tpu.memory_space<semaphore_mem>>
      %dma_start3A = arith.constant 0 : i32
      %dma_start3A_15 = tpu.memref_slice %arg8[%mul3A_4, %dma_start3A] : memref<10240x16xf32, #tpu.memory_space<vmem_shared>> -> memref<640x16xf32, #tpu.memory_space<vmem_shared>>
      %dma_start3A_16 = arith.constant 0 : i32
      %dma_start3A_17 = tpu.memref_slice %arg4[%mul3A_2, %dma_start3A_16] : memref<10240x16xf32, #tpu.memory_space<hbm>> -> memref<640x16xf32, #tpu.memory_space<hbm>>
      tpu.enqueue_dma source(%dma_start3A_17 : memref<640x16xf32, #tpu.memory_space<hbm>>) target(%dma_start3A_15 : memref<640x16xf32, #tpu.memory_space<vmem_shared>>) target_semaphore(%run_scoped3A : memref<!tpu.dma_semaphore, #tpu.memory_space<semaphore_mem>>)
      %dma_wait3A = arith.constant 0 : i32
      %dma_wait3A_18 = tpu.memref_slice %arg8[%mul3A_4, %dma_wait3A] : memref<10240x16xf32, #tpu.memory_space<vmem_shared>> -> memref<640x16xf32, #tpu.memory_space<vmem_shared>>
      %dma_wait3A_19 = arith.constant 0 : i32
      %dma_wait3A_20 = tpu.memref_slice %arg4[%mul3A_2, %dma_wait3A_19] : memref<10240x16xf32, #tpu.memory_space<hbm>> -> memref<640x16xf32, #tpu.memory_space<hbm>>
      tpu.wait_dma2 semaphore(%run_scoped3A : memref<!tpu.dma_semaphore, #tpu.memory_space<semaphore_mem>>) src(%dma_wait3A_20 : memref<640x16xf32, #tpu.memory_space<hbm>>) dst(%dma_wait3A_18 : memref<640x16xf32, #tpu.memory_space<vmem_shared>>)
      tpu.yield
    }) : () -> ()
    "tpu.region"() ({
      %run_scoped3A = tpu.sem_alloc : memref<!tpu.dma_semaphore, #tpu.memory_space<semaphore_mem>>
      tpu.enqueue_dma source(%arg3 : memref<128x16xf32, #tpu.memory_space<hbm>>) target(%arg7 : memref<128x16xf32, #tpu.memory_space<vmem>>) target_semaphore(%run_scoped3A : memref<!tpu.dma_semaphore, #tpu.memory_space<semaphore_mem>>)
      tpu.wait_dma2 semaphore(%run_scoped3A : memref<!tpu.dma_semaphore, #tpu.memory_space<semaphore_mem>>) src(%arg3 : memref<128x16xf32, #tpu.memory_space<hbm>>) dst(%arg7 : memref<128x16xf32, #tpu.memory_space<vmem>>)
      tpu.yield
    }) : () -> ()
    %barrier3A = arith.constant 0 : index
    tpu.barrier barrier_id(%barrier3A)
    %scan3A = arith.constant 0 : i32
    %scan3A_5 = arith.constant 0 : i32
    %scan3A_6 = arith.constant 40 : i32
    %scan3A_7 = arith.addi %scan3A_5, %scan3A_6 : i32
    %scan3A_8 = arith.constant 1 : i32
    scf.for %scan3A_15 = %scan3A_5 to %scan3A_7 step %scan3A_8  : i32 {
      %mul3A_16 = arith.constant 5120 : i32
      %mul3A_17 = arith.muli %add3A, %mul3A_16 : i32
      %mul3A_18 = arith.constant 128 : i32
      %mul3A_19 = arith.muli %scan3A_15, %mul3A_18 : i32
      %add3A_20 = arith.addi %mul3A_17, %mul3A_19 : i32
      "tpu.region"() ({
        %run_scoped3A = tpu.sem_alloc : memref<!tpu.dma_semaphore, #tpu.memory_space<semaphore_mem>>
        %dma_start3A = tpu.memref_slice %arg2[%add3A_20] : memref<163840xi32, #tpu.memory_space<hbm>> -> memref<128xi32, #tpu.memory_space<hbm>>
        %dma_start3A_21 = tpu.memref_slice %arg2[%add3A_20] : memref<163840xi32, #tpu.memory_space<hbm>> -> memref<128xi32, #tpu.memory_space<hbm>>
        tpu.enqueue_dma source(%dma_start3A_21 : memref<128xi32, #tpu.memory_space<hbm>>) target(%arg6 : memref<128xi32, #tpu.memory_space<vmem>>) target_semaphore(%run_scoped3A : memref<!tpu.dma_semaphore, #tpu.memory_space<semaphore_mem>>)
        %dma_wait3A = tpu.memref_slice %arg2[%add3A_20] : memref<163840xi32, #tpu.memory_space<hbm>> -> memref<128xi32, #tpu.memory_space<hbm>>
        %dma_wait3A_22 = tpu.memref_slice %arg2[%add3A_20] : memref<163840xi32, #tpu.memory_space<hbm>> -> memref<128xi32, #tpu.memory_space<hbm>>
        tpu.wait_dma2 semaphore(%run_scoped3A : memref<!tpu.dma_semaphore, #tpu.memory_space<semaphore_mem>>) src(%dma_wait3A_22 : memref<128xi32, #tpu.memory_space<hbm>>) dst(%arg6 : memref<128xi32, #tpu.memory_space<vmem>>)
        tpu.yield
      }) : () -> ()
      "tpu.region"() ({
        %run_scoped3A = tpu.sem_alloc : memref<!tpu.dma_semaphore, #tpu.memory_space<semaphore_mem>>
        %dma_start3A = arith.constant 0 : i32
        %dma_start3A_21 = arith.constant 0 : i32
        %dma_start3A_22 = tpu.memref_slice %arg8[%dma_start3A, %dma_start3A_21] : memref<10240x16xf32, #tpu.memory_space<vmem_shared>> -> memref<10240x16xf32, #tpu.memory_space<vmem_shared>>
        tpu.enqueue_indirect_dma source(%arg7 : memref<128x16xf32, #tpu.memory_space<vmem>>) target(%dma_start3A_22 : memref<10240x16xf32, #tpu.memory_space<vmem_shared>>) offsets(%arg6 : memref<128xi32, #tpu.memory_space<vmem>>) semaphore(%run_scoped3A : memref<!tpu.dma_semaphore, #tpu.memory_space<semaphore_mem>>) {add = true}
        %dma_wait3A = arith.constant 0 : i32
        %dma_wait3A_23 = arith.constant 0 : i32
        %dma_wait3A_24 = tpu.memref_slice %arg8[%dma_wait3A, %dma_wait3A_23] : memref<10240x16xf32, #tpu.memory_space<vmem_shared>> -> memref<10240x16xf32, #tpu.memory_space<vmem_shared>>
        tpu.wait_indirect_dma semaphore(%run_scoped3A : memref<!tpu.dma_semaphore, #tpu.memory_space<semaphore_mem>>) src(%arg7 : memref<128x16xf32, #tpu.memory_space<vmem>>) dst(%dma_wait3A_24 : memref<10240x16xf32, #tpu.memory_space<vmem_shared>>)
        tpu.yield
      }) : () -> ()
    }
    %scan3A_9 = arith.constant 40 : i32
    %barrier3A_10 = arith.constant 0 : index
    tpu.barrier barrier_id(%barrier3A_10)
    %mul3A_11 = arith.constant 640 : i32
    %mul3A_12 = arith.muli %arg1, %mul3A_11 : i32
    %mul3A_13 = arith.constant 640 : i32
    %mul3A_14 = arith.muli %arg1, %mul3A_13 : i32
    "tpu.region"() ({
      %run_scoped3A = tpu.sem_alloc : memref<!tpu.dma_semaphore, #tpu.memory_space<semaphore_mem>>
      %dma_start3A = arith.constant 0 : i32
      %dma_start3A_15 = tpu.memref_slice %arg5[%arg0, %mul3A_14, %dma_start3A] : memref<2x10240x16xf32, #tpu.memory_space<hbm>> -> memref<1x640x16xf32, #tpu.memory_space<hbm>>
      %dma_start3A_16 = tpu.memref_squeeze %dma_start3A_15 : memref<1x640x16xf32, #tpu.memory_space<hbm>> -> memref<640x16xf32, #tpu.memory_space<hbm>>
      %dma_start3A_17 = arith.constant 0 : i32
      %dma_start3A_18 = tpu.memref_slice %arg8[%mul3A_12, %dma_start3A_17] : memref<10240x16xf32, #tpu.memory_space<vmem_shared>> -> memref<640x16xf32, #tpu.memory_space<vmem_shared>>
      tpu.enqueue_dma source(%dma_start3A_18 : memref<640x16xf32, #tpu.memory_space<vmem_shared>>) target(%dma_start3A_16 : memref<640x16xf32, #tpu.memory_space<hbm>>) target_semaphore(%run_scoped3A : memref<!tpu.dma_semaphore, #tpu.memory_space<semaphore_mem>>)
      %dma_wait3A = arith.constant 0 : i32
      %dma_wait3A_19 = tpu.memref_slice %arg5[%arg0, %mul3A_14, %dma_wait3A] : memref<2x10240x16xf32, #tpu.memory_space<hbm>> -> memref<1x640x16xf32, #tpu.memory_space<hbm>>
      %dma_wait3A_20 = tpu.memref_squeeze %dma_wait3A_19 : memref<1x640x16xf32, #tpu.memory_space<hbm>> -> memref<640x16xf32, #tpu.memory_space<hbm>>
      %dma_wait3A_21 = arith.constant 0 : i32
      %dma_wait3A_22 = tpu.memref_slice %arg8[%mul3A_12, %dma_wait3A_21] : memref<10240x16xf32, #tpu.memory_space<vmem_shared>> -> memref<640x16xf32, #tpu.memory_space<vmem_shared>>
      tpu.wait_dma2 semaphore(%run_scoped3A : memref<!tpu.dma_semaphore, #tpu.memory_space<semaphore_mem>>) src(%dma_wait3A_22 : memref<640x16xf32, #tpu.memory_space<vmem_shared>>) dst(%dma_wait3A_20 : memref<640x16xf32, #tpu.memory_space<hbm>>)
      tpu.yield
    }) : () -> ()
    return
  }
}

#map = affine_map<(d0, d1) -> (0, 0)>
#map1 = affine_map<(d0, d1) -> (0)>
#map2 = affine_map<(d0, d1) -> (0, 0, 0)>
module attributes {stable_mosaic.version = 14 : i64} {
  func.func @_k(%arg0: i32, %arg1: i32, %arg2: memref<163840x32xf32, #tpu.memory_space<hbm>>, %arg3: memref<163840xi32, #tpu.memory_space<hbm>>, %arg4: memref<10240x32xf32, #tpu.memory_space<hbm>>, %arg5: memref<2x10240x32xf32, #tpu.memory_space<hbm>>, %arg6: memref<128xi32, #tpu.memory_space<vmem>>, %arg7: memref<128x32xf32, #tpu.memory_space<vmem>>, %arg8: memref<10240x32xf32, #tpu.memory_space<vmem_shared>>) attributes {dimension_semantics = [#tpu.dimension_semantics<core_parallel>, #tpu.dimension_semantics<subcore_parallel>], iteration_bounds = array<i64: 2, 16>, scalar_prefetch = 0 : i64, scratch_operands = 3 : i64, tpu.core_type = #tpu.core_type<sc_vector_subcore>, window_params = [{transform_indices = #map}, {transform_indices = #map1}, {transform_indices = #map}, {transform_indices = #map2}]} {
    %mul3A = arith.constant 2 : i32
    %mul3A_0 = arith.muli %arg1, %mul3A : i32
    %add3A = arith.addi %mul3A_0, %arg0 : i32
    %mul3A_1 = arith.constant 640 : i32
    %mul3A_2 = arith.muli %arg1, %mul3A_1 : i32
    %mul3A_3 = arith.constant 640 : i32
    %mul3A_4 = arith.muli %arg1, %mul3A_3 : i32
    "tpu.region"() ({
      %run_scoped3A = tpu.sem_alloc : memref<!tpu.dma_semaphore, #tpu.memory_space<semaphore_mem>>
      %dma_start3A = arith.constant 0 : i32
      %dma_start3A_15 = tpu.memref_slice %arg8[%mul3A_4, %dma_start3A] : memref<10240x32xf32, #tpu.memory_space<vmem_shared>> -> memref<640x32xf32, #tpu.memory_space<vmem_shared>>
      %dma_start3A_16 = arith.constant 0 : i32
      %dma_start3A_17 = tpu.memref_slice %arg4[%mul3A_2, %dma_start3A_16] : memref<10240x32xf32, #tpu.memory_space<hbm>> -> memref<640x32xf32, #tpu.memory_space<hbm>>
      tpu.enqueue_dma source(%dma_start3A_17 : memref<640x32xf32, #tpu.memory_space<hbm>>) target(%dma_start3A_15 : memref<640x32xf32, #tpu.memory_space<vmem_shared>>) target_semaphore(%run_scoped3A : memref<!tpu.dma_semaphore, #tpu.memory_space<semaphore_mem>>)
      %dma_wait3A = arith.constant 0 : i32
      %dma_wait3A_18 = tpu.memref_slice %arg8[%mul3A_4, %dma_wait3A] : memref<10240x32xf32, #tpu.memory_space<vmem_shared>> -> memref<640x32xf32, #tpu.memory_space<vmem_shared>>
      %dma_wait3A_19 = arith.constant 0 : i32
      %dma_wait3A_20 = tpu.memref_slice %arg4[%mul3A_2, %dma_wait3A_19] : memref<10240x32xf32, #tpu.memory_space<hbm>> -> memref<640x32xf32, #tpu.memory_space<hbm>>
      tpu.wait_dma2 semaphore(%run_scoped3A : memref<!tpu.dma_semaphore, #tpu.memory_space<semaphore_mem>>) src(%dma_wait3A_20 : memref<640x32xf32, #tpu.memory_space<hbm>>) dst(%dma_wait3A_18 : memref<640x32xf32, #tpu.memory_space<vmem_shared>>)
      tpu.yield
    }) : () -> ()
    %barrier3A = arith.constant 0 : index
    tpu.barrier barrier_id(%barrier3A)
    %scan3A = arith.constant 0 : i32
    %scan3A_5 = arith.constant 0 : i32
    %scan3A_6 = arith.constant 40 : i32
    %scan3A_7 = arith.addi %scan3A_5, %scan3A_6 : i32
    %scan3A_8 = arith.constant 1 : i32
    scf.for %scan3A_15 = %scan3A_5 to %scan3A_7 step %scan3A_8  : i32 {
      %mul3A_16 = arith.constant 5120 : i32
      %mul3A_17 = arith.muli %add3A, %mul3A_16 : i32
      %mul3A_18 = arith.constant 128 : i32
      %mul3A_19 = arith.muli %scan3A_15, %mul3A_18 : i32
      %add3A_20 = arith.addi %mul3A_17, %mul3A_19 : i32
      "tpu.region"() ({
        %run_scoped3A = tpu.sem_alloc : memref<!tpu.dma_semaphore, #tpu.memory_space<semaphore_mem>>
        %dma_start3A = tpu.memref_slice %arg3[%add3A_20] : memref<163840xi32, #tpu.memory_space<hbm>> -> memref<128xi32, #tpu.memory_space<hbm>>
        %dma_start3A_21 = tpu.memref_slice %arg3[%add3A_20] : memref<163840xi32, #tpu.memory_space<hbm>> -> memref<128xi32, #tpu.memory_space<hbm>>
        tpu.enqueue_dma source(%dma_start3A_21 : memref<128xi32, #tpu.memory_space<hbm>>) target(%arg6 : memref<128xi32, #tpu.memory_space<vmem>>) target_semaphore(%run_scoped3A : memref<!tpu.dma_semaphore, #tpu.memory_space<semaphore_mem>>)
        %dma_wait3A = tpu.memref_slice %arg3[%add3A_20] : memref<163840xi32, #tpu.memory_space<hbm>> -> memref<128xi32, #tpu.memory_space<hbm>>
        %dma_wait3A_22 = tpu.memref_slice %arg3[%add3A_20] : memref<163840xi32, #tpu.memory_space<hbm>> -> memref<128xi32, #tpu.memory_space<hbm>>
        tpu.wait_dma2 semaphore(%run_scoped3A : memref<!tpu.dma_semaphore, #tpu.memory_space<semaphore_mem>>) src(%dma_wait3A_22 : memref<128xi32, #tpu.memory_space<hbm>>) dst(%arg6 : memref<128xi32, #tpu.memory_space<vmem>>)
        tpu.yield
      }) : () -> ()
      "tpu.region"() ({
        %run_scoped3A = tpu.sem_alloc : memref<!tpu.dma_semaphore, #tpu.memory_space<semaphore_mem>>
        %dma_start3A = arith.constant 0 : i32
        %dma_start3A_21 = tpu.memref_slice %arg2[%add3A_20, %dma_start3A] : memref<163840x32xf32, #tpu.memory_space<hbm>> -> memref<128x32xf32, #tpu.memory_space<hbm>>
        %dma_start3A_22 = arith.constant 0 : i32
        %dma_start3A_23 = tpu.memref_slice %arg2[%add3A_20, %dma_start3A_22] : memref<163840x32xf32, #tpu.memory_space<hbm>> -> memref<128x32xf32, #tpu.memory_space<hbm>>
        tpu.enqueue_dma source(%dma_start3A_23 : memref<128x32xf32, #tpu.memory_space<hbm>>) target(%arg7 : memref<128x32xf32, #tpu.memory_space<vmem>>) target_semaphore(%run_scoped3A : memref<!tpu.dma_semaphore, #tpu.memory_space<semaphore_mem>>)
        %dma_wait3A = arith.constant 0 : i32
        %dma_wait3A_24 = tpu.memref_slice %arg2[%add3A_20, %dma_wait3A] : memref<163840x32xf32, #tpu.memory_space<hbm>> -> memref<128x32xf32, #tpu.memory_space<hbm>>
        %dma_wait3A_25 = arith.constant 0 : i32
        %dma_wait3A_26 = tpu.memref_slice %arg2[%add3A_20, %dma_wait3A_25] : memref<163840x32xf32, #tpu.memory_space<hbm>> -> memref<128x32xf32, #tpu.memory_space<hbm>>
        tpu.wait_dma2 semaphore(%run_scoped3A : memref<!tpu.dma_semaphore, #tpu.memory_space<semaphore_mem>>) src(%dma_wait3A_26 : memref<128x32xf32, #tpu.memory_space<hbm>>) dst(%arg7 : memref<128x32xf32, #tpu.memory_space<vmem>>)
        tpu.yield
      }) : () -> ()
      "tpu.region"() ({
        %run_scoped3A = tpu.sem_alloc : memref<!tpu.dma_semaphore, #tpu.memory_space<semaphore_mem>>
        %dma_start3A = arith.constant 0 : i32
        %dma_start3A_21 = arith.constant 0 : i32
        %dma_start3A_22 = tpu.memref_slice %arg8[%dma_start3A, %dma_start3A_21] : memref<10240x32xf32, #tpu.memory_space<vmem_shared>> -> memref<10240x32xf32, #tpu.memory_space<vmem_shared>>
        tpu.enqueue_indirect_dma source(%arg7 : memref<128x32xf32, #tpu.memory_space<vmem>>) target(%dma_start3A_22 : memref<10240x32xf32, #tpu.memory_space<vmem_shared>>) offsets(%arg6 : memref<128xi32, #tpu.memory_space<vmem>>) semaphore(%run_scoped3A : memref<!tpu.dma_semaphore, #tpu.memory_space<semaphore_mem>>) {add = true}
        %dma_wait3A = arith.constant 0 : i32
        %dma_wait3A_23 = arith.constant 0 : i32
        %dma_wait3A_24 = tpu.memref_slice %arg8[%dma_wait3A, %dma_wait3A_23] : memref<10240x32xf32, #tpu.memory_space<vmem_shared>> -> memref<10240x32xf32, #tpu.memory_space<vmem_shared>>
        tpu.wait_indirect_dma semaphore(%run_scoped3A : memref<!tpu.dma_semaphore, #tpu.memory_space<semaphore_mem>>) src(%arg7 : memref<128x32xf32, #tpu.memory_space<vmem>>) dst(%dma_wait3A_24 : memref<10240x32xf32, #tpu.memory_space<vmem_shared>>)
        tpu.yield
      }) : () -> ()
    }
    %scan3A_9 = arith.constant 40 : i32
    %barrier3A_10 = arith.constant 0 : index
    tpu.barrier barrier_id(%barrier3A_10)
    %mul3A_11 = arith.constant 640 : i32
    %mul3A_12 = arith.muli %arg1, %mul3A_11 : i32
    %mul3A_13 = arith.constant 640 : i32
    %mul3A_14 = arith.muli %arg1, %mul3A_13 : i32
    "tpu.region"() ({
      %run_scoped3A = tpu.sem_alloc : memref<!tpu.dma_semaphore, #tpu.memory_space<semaphore_mem>>
      %dma_start3A = arith.constant 0 : i32
      %dma_start3A_15 = tpu.memref_slice %arg5[%arg0, %mul3A_14, %dma_start3A] : memref<2x10240x32xf32, #tpu.memory_space<hbm>> -> memref<1x640x32xf32, #tpu.memory_space<hbm>>
      %dma_start3A_16 = tpu.memref_squeeze %dma_start3A_15 : memref<1x640x32xf32, #tpu.memory_space<hbm>> -> memref<640x32xf32, #tpu.memory_space<hbm>>
      %dma_start3A_17 = arith.constant 0 : i32
      %dma_start3A_18 = tpu.memref_slice %arg8[%mul3A_12, %dma_start3A_17] : memref<10240x32xf32, #tpu.memory_space<vmem_shared>> -> memref<640x32xf32, #tpu.memory_space<vmem_shared>>
      tpu.enqueue_dma source(%dma_start3A_18 : memref<640x32xf32, #tpu.memory_space<vmem_shared>>) target(%dma_start3A_16 : memref<640x32xf32, #tpu.memory_space<hbm>>) target_semaphore(%run_scoped3A : memref<!tpu.dma_semaphore, #tpu.memory_space<semaphore_mem>>)
      %dma_wait3A = arith.constant 0 : i32
      %dma_wait3A_19 = tpu.memref_slice %arg5[%arg0, %mul3A_14, %dma_wait3A] : memref<2x10240x32xf32, #tpu.memory_space<hbm>> -> memref<1x640x32xf32, #tpu.memory_space<hbm>>
      %dma_wait3A_20 = tpu.memref_squeeze %dma_wait3A_19 : memref<1x640x32xf32, #tpu.memory_space<hbm>> -> memref<640x32xf32, #tpu.memory_space<hbm>>
      %dma_wait3A_21 = arith.constant 0 : i32
      %dma_wait3A_22 = tpu.memref_slice %arg8[%mul3A_12, %dma_wait3A_21] : memref<10240x32xf32, #tpu.memory_space<vmem_shared>> -> memref<640x32xf32, #tpu.memory_space<vmem_shared>>
      tpu.wait_dma2 semaphore(%run_scoped3A : memref<!tpu.dma_semaphore, #tpu.memory_space<semaphore_mem>>) src(%dma_wait3A_22 : memref<640x32xf32, #tpu.memory_space<vmem_shared>>) dst(%dma_wait3A_20 : memref<640x32xf32, #tpu.memory_space<hbm>>)
      tpu.yield
    }) : () -> ()
    return
  }
}

#map = affine_map<(d0, d1) -> (0, 0)>
#map1 = affine_map<(d0, d1) -> (0)>
#map2 = affine_map<(d0, d1) -> (0, 0, 0)>
module attributes {stable_mosaic.version = 14 : i64} {
  func.func @_k(%arg0: i32, %arg1: i32, %arg2: memref<163840x32xf32, #tpu.memory_space<hbm>>, %arg3: memref<163840xi32, #tpu.memory_space<hbm>>, %arg4: memref<10240x32xf32, #tpu.memory_space<hbm>>, %arg5: memref<2x10240x32xf32, #tpu.memory_space<hbm>>, %arg6: memref<128xi32, #tpu.memory_space<vmem>>, %arg7: memref<128x32xf32, #tpu.memory_space<vmem>>, %arg8: memref<10240x32xf32, #tpu.memory_space<vmem_shared>>) attributes {dimension_semantics = [#tpu.dimension_semantics<core_parallel>, #tpu.dimension_semantics<subcore_parallel>], iteration_bounds = array<i64: 2, 16>, scalar_prefetch = 0 : i64, scratch_operands = 3 : i64, tpu.core_type = #tpu.core_type<sc_vector_subcore>, window_params = [{transform_indices = #map}, {transform_indices = #map1}, {transform_indices = #map}, {transform_indices = #map2}]} {
    %mul3A = arith.constant 2 : i32
    %mul3A_0 = arith.muli %arg1, %mul3A : i32
    %add3A = arith.addi %mul3A_0, %arg0 : i32
    %mul3A_1 = arith.constant 640 : i32
    %mul3A_2 = arith.muli %arg1, %mul3A_1 : i32
    %mul3A_3 = arith.constant 640 : i32
    %mul3A_4 = arith.muli %arg1, %mul3A_3 : i32
    "tpu.region"() ({
      %run_scoped3A = tpu.sem_alloc : memref<!tpu.dma_semaphore, #tpu.memory_space<semaphore_mem>>
      %dma_start3A = arith.constant 0 : i32
      %dma_start3A_15 = tpu.memref_slice %arg8[%mul3A_4, %dma_start3A] : memref<10240x32xf32, #tpu.memory_space<vmem_shared>> -> memref<640x32xf32, #tpu.memory_space<vmem_shared>>
      %dma_start3A_16 = arith.constant 0 : i32
      %dma_start3A_17 = tpu.memref_slice %arg4[%mul3A_2, %dma_start3A_16] : memref<10240x32xf32, #tpu.memory_space<hbm>> -> memref<640x32xf32, #tpu.memory_space<hbm>>
      tpu.enqueue_dma source(%dma_start3A_17 : memref<640x32xf32, #tpu.memory_space<hbm>>) target(%dma_start3A_15 : memref<640x32xf32, #tpu.memory_space<vmem_shared>>) target_semaphore(%run_scoped3A : memref<!tpu.dma_semaphore, #tpu.memory_space<semaphore_mem>>)
      %dma_wait3A = arith.constant 0 : i32
      %dma_wait3A_18 = tpu.memref_slice %arg8[%mul3A_4, %dma_wait3A] : memref<10240x32xf32, #tpu.memory_space<vmem_shared>> -> memref<640x32xf32, #tpu.memory_space<vmem_shared>>
      %dma_wait3A_19 = arith.constant 0 : i32
      %dma_wait3A_20 = tpu.memref_slice %arg4[%mul3A_2, %dma_wait3A_19] : memref<10240x32xf32, #tpu.memory_space<hbm>> -> memref<640x32xf32, #tpu.memory_space<hbm>>
      tpu.wait_dma2 semaphore(%run_scoped3A : memref<!tpu.dma_semaphore, #tpu.memory_space<semaphore_mem>>) src(%dma_wait3A_20 : memref<640x32xf32, #tpu.memory_space<hbm>>) dst(%dma_wait3A_18 : memref<640x32xf32, #tpu.memory_space<vmem_shared>>)
      tpu.yield
    }) : () -> ()
    %barrier3A = arith.constant 0 : index
    tpu.barrier barrier_id(%barrier3A)
    %scan3A = arith.constant 0 : i32
    %scan3A_5 = arith.constant 0 : i32
    %scan3A_6 = arith.constant 40 : i32
    %scan3A_7 = arith.addi %scan3A_5, %scan3A_6 : i32
    %scan3A_8 = arith.constant 1 : i32
    scf.for %scan3A_15 = %scan3A_5 to %scan3A_7 step %scan3A_8  : i32 {
      %mul3A_16 = arith.constant 5120 : i32
      %mul3A_17 = arith.muli %add3A, %mul3A_16 : i32
      %mul3A_18 = arith.constant 128 : i32
      %mul3A_19 = arith.muli %scan3A_15, %mul3A_18 : i32
      %add3A_20 = arith.addi %mul3A_17, %mul3A_19 : i32
      "tpu.region"() ({
        %run_scoped3A = tpu.sem_alloc : memref<!tpu.dma_semaphore, #tpu.memory_space<semaphore_mem>>
        %dma_start3A = tpu.memref_slice %arg3[%add3A_20] : memref<163840xi32, #tpu.memory_space<hbm>> -> memref<128xi32, #tpu.memory_space<hbm>>
        %dma_start3A_21 = tpu.memref_slice %arg3[%add3A_20] : memref<163840xi32, #tpu.memory_space<hbm>> -> memref<128xi32, #tpu.memory_space<hbm>>
        tpu.enqueue_dma source(%dma_start3A_21 : memref<128xi32, #tpu.memory_space<hbm>>) target(%arg6 : memref<128xi32, #tpu.memory_space<vmem>>) target_semaphore(%run_scoped3A : memref<!tpu.dma_semaphore, #tpu.memory_space<semaphore_mem>>)
        %dma_wait3A = tpu.memref_slice %arg3[%add3A_20] : memref<163840xi32, #tpu.memory_space<hbm>> -> memref<128xi32, #tpu.memory_space<hbm>>
        %dma_wait3A_22 = tpu.memref_slice %arg3[%add3A_20] : memref<163840xi32, #tpu.memory_space<hbm>> -> memref<128xi32, #tpu.memory_space<hbm>>
        tpu.wait_dma2 semaphore(%run_scoped3A : memref<!tpu.dma_semaphore, #tpu.memory_space<semaphore_mem>>) src(%dma_wait3A_22 : memref<128xi32, #tpu.memory_space<hbm>>) dst(%arg6 : memref<128xi32, #tpu.memory_space<vmem>>)
        tpu.yield
      }) : () -> ()
      "tpu.region"() ({
        %run_scoped3A = tpu.sem_alloc : memref<!tpu.dma_semaphore, #tpu.memory_space<semaphore_mem>>
        %dma_start3A = arith.constant 0 : i32
        %dma_start3A_21 = tpu.memref_slice %arg2[%add3A_20, %dma_start3A] : memref<163840x32xf32, #tpu.memory_space<hbm>> -> memref<128x32xf32, #tpu.memory_space<hbm>>
        %dma_start3A_22 = arith.constant 0 : i32
        %dma_start3A_23 = tpu.memref_slice %arg2[%add3A_20, %dma_start3A_22] : memref<163840x32xf32, #tpu.memory_space<hbm>> -> memref<128x32xf32, #tpu.memory_space<hbm>>
        tpu.enqueue_dma source(%dma_start3A_23 : memref<128x32xf32, #tpu.memory_space<hbm>>) target(%arg7 : memref<128x32xf32, #tpu.memory_space<vmem>>) target_semaphore(%run_scoped3A : memref<!tpu.dma_semaphore, #tpu.memory_space<semaphore_mem>>)
        %dma_wait3A = arith.constant 0 : i32
        %dma_wait3A_24 = tpu.memref_slice %arg2[%add3A_20, %dma_wait3A] : memref<163840x32xf32, #tpu.memory_space<hbm>> -> memref<128x32xf32, #tpu.memory_space<hbm>>
        %dma_wait3A_25 = arith.constant 0 : i32
        %dma_wait3A_26 = tpu.memref_slice %arg2[%add3A_20, %dma_wait3A_25] : memref<163840x32xf32, #tpu.memory_space<hbm>> -> memref<128x32xf32, #tpu.memory_space<hbm>>
        tpu.wait_dma2 semaphore(%run_scoped3A : memref<!tpu.dma_semaphore, #tpu.memory_space<semaphore_mem>>) src(%dma_wait3A_26 : memref<128x32xf32, #tpu.memory_space<hbm>>) dst(%arg7 : memref<128x32xf32, #tpu.memory_space<vmem>>)
        tpu.yield
      }) : () -> ()
      "tpu.region"() ({
        %run_scoped3A = tpu.sem_alloc : memref<!tpu.dma_semaphore, #tpu.memory_space<semaphore_mem>>
        %dma_start3A = arith.constant 0 : i32
        %dma_start3A_21 = arith.constant 0 : i32
        %dma_start3A_22 = tpu.memref_slice %arg8[%dma_start3A, %dma_start3A_21] : memref<10240x32xf32, #tpu.memory_space<vmem_shared>> -> memref<10240x32xf32, #tpu.memory_space<vmem_shared>>
        tpu.enqueue_indirect_dma source(%arg7 : memref<128x32xf32, #tpu.memory_space<vmem>>) target(%dma_start3A_22 : memref<10240x32xf32, #tpu.memory_space<vmem_shared>>) offsets(%arg6 : memref<128xi32, #tpu.memory_space<vmem>>) semaphore(%run_scoped3A : memref<!tpu.dma_semaphore, #tpu.memory_space<semaphore_mem>>) {add = true}
        %dma_wait3A = arith.constant 0 : i32
        %dma_wait3A_23 = arith.constant 0 : i32
        %dma_wait3A_24 = tpu.memref_slice %arg8[%dma_wait3A, %dma_wait3A_23] : memref<10240x32xf32, #tpu.memory_space<vmem_shared>> -> memref<10240x32xf32, #tpu.memory_space<vmem_shared>>
        tpu.wait_indirect_dma semaphore(%run_scoped3A : memref<!tpu.dma_semaphore, #tpu.memory_space<semaphore_mem>>) src(%arg7 : memref<128x32xf32, #tpu.memory_space<vmem>>) dst(%dma_wait3A_24 : memref<10240x32xf32, #tpu.memory_space<vmem_shared>>)
        tpu.yield
      }) : () -> ()
    }
    %scan3A_9 = arith.constant 40 : i32
    %barrier3A_10 = arith.constant 0 : index
    tpu.barrier barrier_id(%barrier3A_10)
    %mul3A_11 = arith.constant 640 : i32
    %mul3A_12 = arith.muli %arg1, %mul3A_11 : i32
    %mul3A_13 = arith.constant 640 : i32
    %mul3A_14 = arith.muli %arg1, %mul3A_13 : i32
    "tpu.region"() ({
      %run_scoped3A = tpu.sem_alloc : memref<!tpu.dma_semaphore, #tpu.memory_space<semaphore_mem>>
      %dma_start3A = arith.constant 0 : i32
      %dma_start3A_15 = tpu.memref_slice %arg5[%arg0, %mul3A_14, %dma_start3A] : memref<2x10240x32xf32, #tpu.memory_space<hbm>> -> memref<1x640x32xf32, #tpu.memory_space<hbm>>
      %dma_start3A_16 = tpu.memref_squeeze %dma_start3A_15 : memref<1x640x32xf32, #tpu.memory_space<hbm>> -> memref<640x32xf32, #tpu.memory_space<hbm>>
      %dma_start3A_17 = arith.constant 0 : i32
      %dma_start3A_18 = tpu.memref_slice %arg8[%mul3A_12, %dma_start3A_17] : memref<10240x32xf32, #tpu.memory_space<vmem_shared>> -> memref<640x32xf32, #tpu.memory_space<vmem_shared>>
      tpu.enqueue_dma source(%dma_start3A_18 : memref<640x32xf32, #tpu.memory_space<vmem_shared>>) target(%dma_start3A_16 : memref<640x32xf32, #tpu.memory_space<hbm>>) target_semaphore(%run_scoped3A : memref<!tpu.dma_semaphore, #tpu.memory_space<semaphore_mem>>)
      %dma_wait3A = arith.constant 0 : i32
      %dma_wait3A_19 = tpu.memref_slice %arg5[%arg0, %mul3A_14, %dma_wait3A] : memref<2x10240x32xf32, #tpu.memory_space<hbm>> -> memref<1x640x32xf32, #tpu.memory_space<hbm>>
      %dma_wait3A_20 = tpu.memref_squeeze %dma_wait3A_19 : memref<1x640x32xf32, #tpu.memory_space<hbm>> -> memref<640x32xf32, #tpu.memory_space<hbm>>
      %dma_wait3A_21 = arith.constant 0 : i32
      %dma_wait3A_22 = tpu.memref_slice %arg8[%mul3A_12, %dma_wait3A_21] : memref<10240x32xf32, #tpu.memory_space<vmem_shared>> -> memref<640x32xf32, #tpu.memory_space<vmem_shared>>
      tpu.wait_dma2 semaphore(%run_scoped3A : memref<!tpu.dma_semaphore, #tpu.memory_space<semaphore_mem>>) src(%dma_wait3A_22 : memref<640x32xf32, #tpu.memory_space<vmem_shared>>) dst(%dma_wait3A_20 : memref<640x32xf32, #tpu.memory_space<hbm>>)
      tpu.yield
    }) : () -> ()
    return
  }
}

#map = affine_map<(d0, d1) -> (0, 0)>
#map1 = affine_map<(d0, d1) -> (0)>
module attributes {stable_mosaic.version = 14 : i64} {
  func.func @_k(%arg0: i32, %arg1: i32, %arg2: memref<10000x32xf32, #tpu.memory_space<hbm>>, %arg3: memref<163840xi32, #tpu.memory_space<hbm>>, %arg4: memref<163840x32xf32, #tpu.memory_space<hbm>>, %arg5: memref<128xi32, #tpu.memory_space<vmem>>, %arg6: memref<128x32xf32, #tpu.memory_space<vmem>>, %arg7: memref<!tpu.dma_semaphore, #tpu.memory_space<semaphore_mem>>) attributes {dimension_semantics = [#tpu.dimension_semantics<core_parallel>, #tpu.dimension_semantics<subcore_parallel>], iteration_bounds = array<i64: 2, 16>, scalar_prefetch = 0 : i64, scratch_operands = 3 : i64, tpu.core_type = #tpu.core_type<sc_vector_subcore>, window_params = [{transform_indices = #map}, {transform_indices = #map1}, {transform_indices = #map}]} {
    %mul3A = arith.constant 2 : i32
    %mul3A_0 = arith.muli %arg1, %mul3A : i32
    %add3A = arith.addi %mul3A_0, %arg0 : i32
    %scan3A = arith.constant 0 : i32
    %scan3A_1 = arith.constant 0 : i32
    %scan3A_2 = arith.constant 40 : i32
    %scan3A_3 = arith.addi %scan3A_1, %scan3A_2 : i32
    %scan3A_4 = arith.constant 1 : i32
    scf.for %scan3A_6 = %scan3A_1 to %scan3A_3 step %scan3A_4  : i32 {
      %mul3A_7 = arith.constant 5120 : i32
      %mul3A_8 = arith.muli %add3A, %mul3A_7 : i32
      %mul3A_9 = arith.constant 128 : i32
      %mul3A_10 = arith.muli %scan3A_6, %mul3A_9 : i32
      %add3A_11 = arith.addi %mul3A_8, %mul3A_10 : i32
      "tpu.region"() ({
        %run_scoped3A = tpu.sem_alloc : memref<!tpu.dma_semaphore, #tpu.memory_space<semaphore_mem>>
        %dma_start3A_16 = tpu.memref_slice %arg3[%add3A_11] : memref<163840xi32, #tpu.memory_space<hbm>> -> memref<128xi32, #tpu.memory_space<hbm>>
        %dma_start3A_17 = tpu.memref_slice %arg3[%add3A_11] : memref<163840xi32, #tpu.memory_space<hbm>> -> memref<128xi32, #tpu.memory_space<hbm>>
        tpu.enqueue_dma source(%dma_start3A_17 : memref<128xi32, #tpu.memory_space<hbm>>) target(%arg5 : memref<128xi32, #tpu.memory_space<vmem>>) target_semaphore(%run_scoped3A : memref<!tpu.dma_semaphore, #tpu.memory_space<semaphore_mem>>)
        %dma_wait3A_18 = tpu.memref_slice %arg3[%add3A_11] : memref<163840xi32, #tpu.memory_space<hbm>> -> memref<128xi32, #tpu.memory_space<hbm>>
        %dma_wait3A_19 = tpu.memref_slice %arg3[%add3A_11] : memref<163840xi32, #tpu.memory_space<hbm>> -> memref<128xi32, #tpu.memory_space<hbm>>
        tpu.wait_dma2 semaphore(%run_scoped3A : memref<!tpu.dma_semaphore, #tpu.memory_space<semaphore_mem>>) src(%dma_wait3A_19 : memref<128xi32, #tpu.memory_space<hbm>>) dst(%arg5 : memref<128xi32, #tpu.memory_space<vmem>>)
        tpu.yield
      }) : () -> ()
      %dma_start3A = arith.constant 0 : i32
      %dma_start3A_12 = arith.constant 0 : i32
      %dma_start3A_13 = tpu.memref_slice %arg2[%dma_start3A, %dma_start3A_12] : memref<10000x32xf32, #tpu.memory_space<hbm>> -> memref<10000x32xf32, #tpu.memory_space<hbm>>
      tpu.enqueue_indirect_dma source(%dma_start3A_13 : memref<10000x32xf32, #tpu.memory_space<hbm>>) target(%arg6 : memref<128x32xf32, #tpu.memory_space<vmem>>) offsets(%arg5 : memref<128xi32, #tpu.memory_space<vmem>>) semaphore(%arg7 : memref<!tpu.dma_semaphore, #tpu.memory_space<semaphore_mem>>)
      %dma_wait3A = arith.constant 0 : i32
      %dma_wait3A_14 = arith.constant 0 : i32
      %dma_wait3A_15 = tpu.memref_slice %arg2[%dma_wait3A, %dma_wait3A_14] : memref<10000x32xf32, #tpu.memory_space<hbm>> -> memref<10000x32xf32, #tpu.memory_space<hbm>>
      tpu.wait_indirect_dma semaphore(%arg7 : memref<!tpu.dma_semaphore, #tpu.memory_space<semaphore_mem>>) src(%dma_wait3A_15 : memref<10000x32xf32, #tpu.memory_space<hbm>>) dst(%arg6 : memref<128x32xf32, #tpu.memory_space<vmem>>)
      "tpu.region"() ({
        %run_scoped3A = tpu.sem_alloc : memref<!tpu.dma_semaphore, #tpu.memory_space<semaphore_mem>>
        %dma_start3A_16 = arith.constant 0 : i32
        %dma_start3A_17 = tpu.memref_slice %arg4[%add3A_11, %dma_start3A_16] : memref<163840x32xf32, #tpu.memory_space<hbm>> -> memref<128x32xf32, #tpu.memory_space<hbm>>
        %dma_start3A_18 = arith.constant 0 : i32
        %dma_start3A_19 = tpu.memref_slice %arg4[%add3A_11, %dma_start3A_18] : memref<163840x32xf32, #tpu.memory_space<hbm>> -> memref<128x32xf32, #tpu.memory_space<hbm>>
        tpu.enqueue_dma source(%arg6 : memref<128x32xf32, #tpu.memory_space<vmem>>) target(%dma_start3A_19 : memref<128x32xf32, #tpu.memory_space<hbm>>) target_semaphore(%run_scoped3A : memref<!tpu.dma_semaphore, #tpu.memory_space<semaphore_mem>>)
        %dma_wait3A_20 = arith.constant 0 : i32
        %dma_wait3A_21 = tpu.memref_slice %arg4[%add3A_11, %dma_wait3A_20] : memref<163840x32xf32, #tpu.memory_space<hbm>> -> memref<128x32xf32, #tpu.memory_space<hbm>>
        %dma_wait3A_22 = arith.constant 0 : i32
        %dma_wait3A_23 = tpu.memref_slice %arg4[%add3A_11, %dma_wait3A_22] : memref<163840x32xf32, #tpu.memory_space<hbm>> -> memref<128x32xf32, #tpu.memory_space<hbm>>
        tpu.wait_dma2 semaphore(%run_scoped3A : memref<!tpu.dma_semaphore, #tpu.memory_space<semaphore_mem>>) src(%arg6 : memref<128x32xf32, #tpu.memory_space<vmem>>) dst(%dma_wait3A_23 : memref<128x32xf32, #tpu.memory_space<hbm>>)
        tpu.yield
      }) : () -> ()
    }
    %scan3A_5 = arith.constant 40 : i32
    return
  }
}

#map = affine_map<(d0, d1) -> (0, 0)>
#map1 = affine_map<(d0, d1) -> (0)>
#map2 = affine_map<(d0, d1) -> (0, 0, 0)>
module attributes {stable_mosaic.version = 14 : i64} {
  func.func @_k(%arg0: i32, %arg1: i32, %arg2: memref<163840x32xf32, #tpu.memory_space<hbm>>, %arg3: memref<163840xi32, #tpu.memory_space<hbm>>, %arg4: memref<10240x32xf32, #tpu.memory_space<hbm>>, %arg5: memref<2x10240x32xf32, #tpu.memory_space<hbm>>, %arg6: memref<128xi32, #tpu.memory_space<vmem>>, %arg7: memref<128x32xf32, #tpu.memory_space<vmem>>, %arg8: memref<10240x32xf32, #tpu.memory_space<vmem_shared>>) attributes {dimension_semantics = [#tpu.dimension_semantics<core_parallel>, #tpu.dimension_semantics<subcore_parallel>], iteration_bounds = array<i64: 2, 16>, scalar_prefetch = 0 : i64, scratch_operands = 3 : i64, tpu.core_type = #tpu.core_type<sc_vector_subcore>, window_params = [{transform_indices = #map}, {transform_indices = #map1}, {transform_indices = #map}, {transform_indices = #map2}]} {
    %mul3A = arith.constant 2 : i32
    %mul3A_0 = arith.muli %arg1, %mul3A : i32
    %add3A = arith.addi %mul3A_0, %arg0 : i32
    %mul3A_1 = arith.constant 640 : i32
    %mul3A_2 = arith.muli %arg1, %mul3A_1 : i32
    %mul3A_3 = arith.constant 640 : i32
    %mul3A_4 = arith.muli %arg1, %mul3A_3 : i32
    "tpu.region"() ({
      %run_scoped3A = tpu.sem_alloc : memref<!tpu.dma_semaphore, #tpu.memory_space<semaphore_mem>>
      %dma_start3A = arith.constant 0 : i32
      %dma_start3A_15 = tpu.memref_slice %arg8[%mul3A_4, %dma_start3A] : memref<10240x32xf32, #tpu.memory_space<vmem_shared>> -> memref<640x32xf32, #tpu.memory_space<vmem_shared>>
      %dma_start3A_16 = arith.constant 0 : i32
      %dma_start3A_17 = tpu.memref_slice %arg4[%mul3A_2, %dma_start3A_16] : memref<10240x32xf32, #tpu.memory_space<hbm>> -> memref<640x32xf32, #tpu.memory_space<hbm>>
      tpu.enqueue_dma source(%dma_start3A_17 : memref<640x32xf32, #tpu.memory_space<hbm>>) target(%dma_start3A_15 : memref<640x32xf32, #tpu.memory_space<vmem_shared>>) target_semaphore(%run_scoped3A : memref<!tpu.dma_semaphore, #tpu.memory_space<semaphore_mem>>)
      %dma_wait3A = arith.constant 0 : i32
      %dma_wait3A_18 = tpu.memref_slice %arg8[%mul3A_4, %dma_wait3A] : memref<10240x32xf32, #tpu.memory_space<vmem_shared>> -> memref<640x32xf32, #tpu.memory_space<vmem_shared>>
      %dma_wait3A_19 = arith.constant 0 : i32
      %dma_wait3A_20 = tpu.memref_slice %arg4[%mul3A_2, %dma_wait3A_19] : memref<10240x32xf32, #tpu.memory_space<hbm>> -> memref<640x32xf32, #tpu.memory_space<hbm>>
      tpu.wait_dma2 semaphore(%run_scoped3A : memref<!tpu.dma_semaphore, #tpu.memory_space<semaphore_mem>>) src(%dma_wait3A_20 : memref<640x32xf32, #tpu.memory_space<hbm>>) dst(%dma_wait3A_18 : memref<640x32xf32, #tpu.memory_space<vmem_shared>>)
      tpu.yield
    }) : () -> ()
    %barrier3A = arith.constant 0 : index
    tpu.barrier barrier_id(%barrier3A)
    %scan3A = arith.constant 0 : i32
    %scan3A_5 = arith.constant 0 : i32
    %scan3A_6 = arith.constant 40 : i32
    %scan3A_7 = arith.addi %scan3A_5, %scan3A_6 : i32
    %scan3A_8 = arith.constant 1 : i32
    scf.for %scan3A_15 = %scan3A_5 to %scan3A_7 step %scan3A_8  : i32 {
      %mul3A_16 = arith.constant 5120 : i32
      %mul3A_17 = arith.muli %add3A, %mul3A_16 : i32
      %mul3A_18 = arith.constant 128 : i32
      %mul3A_19 = arith.muli %scan3A_15, %mul3A_18 : i32
      %add3A_20 = arith.addi %mul3A_17, %mul3A_19 : i32
      "tpu.region"() ({
        %run_scoped3A = tpu.sem_alloc : memref<!tpu.dma_semaphore, #tpu.memory_space<semaphore_mem>>
        %dma_start3A = tpu.memref_slice %arg3[%add3A_20] : memref<163840xi32, #tpu.memory_space<hbm>> -> memref<128xi32, #tpu.memory_space<hbm>>
        %dma_start3A_21 = tpu.memref_slice %arg3[%add3A_20] : memref<163840xi32, #tpu.memory_space<hbm>> -> memref<128xi32, #tpu.memory_space<hbm>>
        tpu.enqueue_dma source(%dma_start3A_21 : memref<128xi32, #tpu.memory_space<hbm>>) target(%arg6 : memref<128xi32, #tpu.memory_space<vmem>>) target_semaphore(%run_scoped3A : memref<!tpu.dma_semaphore, #tpu.memory_space<semaphore_mem>>)
        %dma_wait3A = tpu.memref_slice %arg3[%add3A_20] : memref<163840xi32, #tpu.memory_space<hbm>> -> memref<128xi32, #tpu.memory_space<hbm>>
        %dma_wait3A_22 = tpu.memref_slice %arg3[%add3A_20] : memref<163840xi32, #tpu.memory_space<hbm>> -> memref<128xi32, #tpu.memory_space<hbm>>
        tpu.wait_dma2 semaphore(%run_scoped3A : memref<!tpu.dma_semaphore, #tpu.memory_space<semaphore_mem>>) src(%dma_wait3A_22 : memref<128xi32, #tpu.memory_space<hbm>>) dst(%arg6 : memref<128xi32, #tpu.memory_space<vmem>>)
        tpu.yield
      }) : () -> ()
      "tpu.region"() ({
        %run_scoped3A = tpu.sem_alloc : memref<!tpu.dma_semaphore, #tpu.memory_space<semaphore_mem>>
        %dma_start3A = arith.constant 0 : i32
        %dma_start3A_21 = tpu.memref_slice %arg2[%add3A_20, %dma_start3A] : memref<163840x32xf32, #tpu.memory_space<hbm>> -> memref<128x32xf32, #tpu.memory_space<hbm>>
        %dma_start3A_22 = arith.constant 0 : i32
        %dma_start3A_23 = tpu.memref_slice %arg2[%add3A_20, %dma_start3A_22] : memref<163840x32xf32, #tpu.memory_space<hbm>> -> memref<128x32xf32, #tpu.memory_space<hbm>>
        tpu.enqueue_dma source(%dma_start3A_23 : memref<128x32xf32, #tpu.memory_space<hbm>>) target(%arg7 : memref<128x32xf32, #tpu.memory_space<vmem>>) target_semaphore(%run_scoped3A : memref<!tpu.dma_semaphore, #tpu.memory_space<semaphore_mem>>)
        %dma_wait3A = arith.constant 0 : i32
        %dma_wait3A_24 = tpu.memref_slice %arg2[%add3A_20, %dma_wait3A] : memref<163840x32xf32, #tpu.memory_space<hbm>> -> memref<128x32xf32, #tpu.memory_space<hbm>>
        %dma_wait3A_25 = arith.constant 0 : i32
        %dma_wait3A_26 = tpu.memref_slice %arg2[%add3A_20, %dma_wait3A_25] : memref<163840x32xf32, #tpu.memory_space<hbm>> -> memref<128x32xf32, #tpu.memory_space<hbm>>
        tpu.wait_dma2 semaphore(%run_scoped3A : memref<!tpu.dma_semaphore, #tpu.memory_space<semaphore_mem>>) src(%dma_wait3A_26 : memref<128x32xf32, #tpu.memory_space<hbm>>) dst(%arg7 : memref<128x32xf32, #tpu.memory_space<vmem>>)
        tpu.yield
      }) : () -> ()
      "tpu.region"() ({
        %run_scoped3A = tpu.sem_alloc : memref<!tpu.dma_semaphore, #tpu.memory_space<semaphore_mem>>
        %dma_start3A = arith.constant 0 : i32
        %dma_start3A_21 = arith.constant 0 : i32
        %dma_start3A_22 = tpu.memref_slice %arg8[%dma_start3A, %dma_start3A_21] : memref<10240x32xf32, #tpu.memory_space<vmem_shared>> -> memref<10240x32xf32, #tpu.memory_space<vmem_shared>>
        tpu.enqueue_indirect_dma source(%arg7 : memref<128x32xf32, #tpu.memory_space<vmem>>) target(%dma_start3A_22 : memref<10240x32xf32, #tpu.memory_space<vmem_shared>>) offsets(%arg6 : memref<128xi32, #tpu.memory_space<vmem>>) semaphore(%run_scoped3A : memref<!tpu.dma_semaphore, #tpu.memory_space<semaphore_mem>>) {add = true}
        %dma_wait3A = arith.constant 0 : i32
        %dma_wait3A_23 = arith.constant 0 : i32
        %dma_wait3A_24 = tpu.memref_slice %arg8[%dma_wait3A, %dma_wait3A_23] : memref<10240x32xf32, #tpu.memory_space<vmem_shared>> -> memref<10240x32xf32, #tpu.memory_space<vmem_shared>>
        tpu.wait_indirect_dma semaphore(%run_scoped3A : memref<!tpu.dma_semaphore, #tpu.memory_space<semaphore_mem>>) src(%arg7 : memref<128x32xf32, #tpu.memory_space<vmem>>) dst(%dma_wait3A_24 : memref<10240x32xf32, #tpu.memory_space<vmem_shared>>)
        tpu.yield
      }) : () -> ()
    }
    %scan3A_9 = arith.constant 40 : i32
    %barrier3A_10 = arith.constant 0 : index
    tpu.barrier barrier_id(%barrier3A_10)
    %mul3A_11 = arith.constant 640 : i32
    %mul3A_12 = arith.muli %arg1, %mul3A_11 : i32
    %mul3A_13 = arith.constant 640 : i32
    %mul3A_14 = arith.muli %arg1, %mul3A_13 : i32
    "tpu.region"() ({
      %run_scoped3A = tpu.sem_alloc : memref<!tpu.dma_semaphore, #tpu.memory_space<semaphore_mem>>
      %dma_start3A = arith.constant 0 : i32
      %dma_start3A_15 = tpu.memref_slice %arg5[%arg0, %mul3A_14, %dma_start3A] : memref<2x10240x32xf32, #tpu.memory_space<hbm>> -> memref<1x640x32xf32, #tpu.memory_space<hbm>>
      %dma_start3A_16 = tpu.memref_squeeze %dma_start3A_15 : memref<1x640x32xf32, #tpu.memory_space<hbm>> -> memref<640x32xf32, #tpu.memory_space<hbm>>
      %dma_start3A_17 = arith.constant 0 : i32
      %dma_start3A_18 = tpu.memref_slice %arg8[%mul3A_12, %dma_start3A_17] : memref<10240x32xf32, #tpu.memory_space<vmem_shared>> -> memref<640x32xf32, #tpu.memory_space<vmem_shared>>
      tpu.enqueue_dma source(%dma_start3A_18 : memref<640x32xf32, #tpu.memory_space<vmem_shared>>) target(%dma_start3A_16 : memref<640x32xf32, #tpu.memory_space<hbm>>) target_semaphore(%run_scoped3A : memref<!tpu.dma_semaphore, #tpu.memory_space<semaphore_mem>>)
      %dma_wait3A = arith.constant 0 : i32
      %dma_wait3A_19 = tpu.memref_slice %arg5[%arg0, %mul3A_14, %dma_wait3A] : memref<2x10240x32xf32, #tpu.memory_space<hbm>> -> memref<1x640x32xf32, #tpu.memory_space<hbm>>
      %dma_wait3A_20 = tpu.memref_squeeze %dma_wait3A_19 : memref<1x640x32xf32, #tpu.memory_space<hbm>> -> memref<640x32xf32, #tpu.memory_space<hbm>>
      %dma_wait3A_21 = arith.constant 0 : i32
      %dma_wait3A_22 = tpu.memref_slice %arg8[%mul3A_12, %dma_wait3A_21] : memref<10240x32xf32, #tpu.memory_space<vmem_shared>> -> memref<640x32xf32, #tpu.memory_space<vmem_shared>>
      tpu.wait_dma2 semaphore(%run_scoped3A : memref<!tpu.dma_semaphore, #tpu.memory_space<semaphore_mem>>) src(%dma_wait3A_22 : memref<640x32xf32, #tpu.memory_space<vmem_shared>>) dst(%dma_wait3A_20 : memref<640x32xf32, #tpu.memory_space<hbm>>)
      tpu.yield
    }) : () -> ()
    return
  }
}

module attributes {stable_mosaic.version = 14 : i64} {
  func.func @_prefin_body(%arg0: memref<10000x32xf32, #tpu.memory_space<vmem>>, %arg1: memref<2x32xf32, #tpu.memory_space<vmem>>, %arg2: memref<10000x32xf32, #tpu.memory_space<vmem>>) attributes {dimension_semantics = [], scalar_prefetch = 0 : i64, scratch_operands = 0 : i64, tpu.core_type = #tpu.core_type<tc>} {
    %get3A = arith.constant 0 : index
    %get3A_0 = arith.constant 0 : index
    %get3A_1 = vector.load %arg0[%get3A, %get3A_0] : memref<10000x32xf32, #tpu.memory_space<vmem>>, vector<10000x32xf32>
    %get3A_2 = arith.constant 0 : index
    %get3A_3 = arith.constant 0 : index
    %get3A_4 = vector.load %arg1[%get3A_2, %get3A_3] : memref<2x32xf32, #tpu.memory_space<vmem>>, vector<1x32xf32>
    %mul3A = vector.broadcast %get3A_4 : vector<1x32xf32> to vector<10000x32xf32>
    %mul3A_5 = arith.mulf %get3A_1, %mul3A : vector<10000x32xf32>
    %get3A_6 = arith.constant 1 : index
    %get3A_7 = arith.constant 0 : index
    %get3A_8 = vector.load %arg1[%get3A_6, %get3A_7] : memref<2x32xf32, #tpu.memory_space<vmem>>, vector<1x32xf32>
    %add3A = vector.broadcast %get3A_8 : vector<1x32xf32> to vector<10000x32xf32>
    %add3A_9 = arith.addf %mul3A_5, %add3A : vector<10000x32xf32>
    %jit3A = arith.constant 0.00999999977 : f32
    %ge3A = arith.constant 0.000000e+00 : f32
    %ge3A_10 = vector.broadcast %ge3A : f32 to vector<10000x32xf32>
    %ge3A_11 = arith.cmpf oge, %add3A_9, %ge3A_10 : vector<10000x32xf32>
    %mul3A_12 = vector.broadcast %jit3A : f32 to vector<10000x32xf32>
    %mul3A_13 = arith.mulf %mul3A_12, %add3A_9 : vector<10000x32xf32>
    %select_n3A = arith.select %ge3A_11, %add3A_9, %mul3A_13 : vector<10000x32xi1>, vector<10000x32xf32>
    %swap3A = arith.constant 0 : index
    %swap3A_14 = arith.constant 0 : index
    %swap3A_15 = vector.load %arg2[%swap3A, %swap3A_14] : memref<10000x32xf32, #tpu.memory_space<vmem>>, vector<10000x32xf32>
    tpu.vector_store %arg2[%swap3A, %swap3A_14], %select_n3A {strides = array<i32>} : memref<10000x32xf32, #tpu.memory_space<vmem>>, vector<10000x32xf32>,
    return
  }
}

module attributes {stable_mosaic.version = 14 : i64} {
  func.func @_pre2_body(%arg0: i32, %arg1: memref<1000x80xf32, #tpu.memory_space<vmem>>, %arg2: memref<2x80xf32, #tpu.memory_space<vmem>>, %arg3: memref<80x32xf32, #tpu.memory_space<vmem>>, %arg4: memref<1x32xf32, #tpu.memory_space<vmem>>, %arg5: memref<1000x32xf32, #tpu.memory_space<vmem>>, %arg6: memref<1x32xf32, #tpu.memory_space<vmem>>, %arg7: memref<1x32xf32, #tpu.memory_space<vmem>>) attributes {dimension_semantics = [#tpu.dimension_semantics<arbitrary>], iteration_bounds = array<i64: 10>, scalar_prefetch = 0 : i64, scratch_operands = 0 : i64, tpu.core_type = #tpu.core_type<tc>, window_params = [{transform_indices = @transform_0, window_bounds = array<i64: 1000, 80>}, {pipeline_mode = #tpu.pipeline_mode<synchronous>, transform_indices = @transform_1, window_bounds = array<i64: 2, 80>}, {pipeline_mode = #tpu.pipeline_mode<synchronous>, transform_indices = @transform_2, window_bounds = array<i64: 80, 32>}, {pipeline_mode = #tpu.pipeline_mode<synchronous>, transform_indices = @transform_3, window_bounds = array<i64: 1, 32>}, {transform_indices = @transform_4, window_bounds = array<i64: 1000, 32>}, {pipeline_mode = #tpu.pipeline_mode<synchronous>, transform_indices = @transform_5, window_bounds = array<i64: 1, 32>}, {pipeline_mode = #tpu.pipeline_mode<synchronous>, transform_indices = @transform_6, window_bounds = array<i64: 1, 32>}]} {
    %get3A = arith.constant 0 : index
    %get3A_0 = arith.constant 0 : index
    %get3A_1 = vector.load %arg1[%get3A, %get3A_0] : memref<1000x80xf32, #tpu.memory_space<vmem>>, vector<1000x80xf32>
    %get3A_2 = arith.constant 0 : index
    %get3A_3 = arith.constant 0 : index
    %get3A_4 = vector.load %arg2[%get3A_2, %get3A_3] : memref<2x80xf32, #tpu.memory_space<vmem>>, vector<1x80xf32>
    %mul3A = vector.broadcast %get3A_4 : vector<1x80xf32> to vector<1000x80xf32>
    %mul3A_5 = arith.mulf %get3A_1, %mul3A : vector<1000x80xf32>
    %get3A_6 = arith.constant 1 : index
    %get3A_7 = arith.constant 0 : index
    %get3A_8 = vector.load %arg2[%get3A_6, %get3A_7] : memref<2x80xf32, #tpu.memory_space<vmem>>, vector<1x80xf32>
    %add3A = vector.broadcast %get3A_8 : vector<1x80xf32> to vector<1000x80xf32>
    %add3A_9 = arith.addf %mul3A_5, %add3A : vector<1000x80xf32>
    %jit3A = arith.constant 0.00999999977 : f32
    %ge3A = arith.constant 0.000000e+00 : f32
    %ge3A_10 = vector.broadcast %ge3A : f32 to vector<1000x80xf32>
    %ge3A_11 = arith.cmpf oge, %add3A_9, %ge3A_10 : vector<1000x80xf32>
    %mul3A_12 = vector.broadcast %jit3A : f32 to vector<1000x80xf32>
    %mul3A_13 = arith.mulf %mul3A_12, %add3A_9 : vector<1000x80xf32>
    %select_n3A = arith.select %ge3A_11, %add3A_9, %mul3A_13 : vector<1000x80xi1>, vector<1000x80xf32>
    %get3A_14 = arith.constant 0 : index
    %get3A_15 = arith.constant 0 : index
    %get3A_16 = vector.load %arg3[%get3A_14, %get3A_15] : memref<80x32xf32, #tpu.memory_space<vmem>>, vector<80x32xf32>
    %dot_general3A = arith.constant dense<0.000000e+00> : vector<1000x32xf32>
    %dot_general3A_17 = tpu.matmul %select_n3A, %get3A_16, %dot_general3A {dimension_numbers = #tpu.dot_dimension_numbers<[1], [0], [0], [1], [0, 0, 1, 1], [], []>, transpose_lhs_hint = false} : vector<1000x80xf32>, vector<80x32xf32>, vector<1000x32xf32> -> vector<1000x32xf32>
    %get3A_18 = arith.constant 0 : index
    %get3A_19 = arith.constant 0 : index
    %get3A_20 = vector.load %arg4[%get3A_18, %get3A_19] : memref<1x32xf32, #tpu.memory_space<vmem>>, vector<1x32xf32>
    %add3A_21 = vector.broadcast %get3A_20 : vector<1x32xf32> to vector<1000x32xf32>
    %add3A_22 = arith.addf %dot_general3A_17, %add3A_21 : vector<1000x32xf32>
    %swap3A = arith.constant 0 : index
    %swap3A_23 = arith.constant 0 : index
    %swap3A_24 = vector.load %arg5[%swap3A, %swap3A_23] : memref<1000x32xf32, #tpu.memory_space<vmem>>, vector<1000x32xf32>
    tpu.vector_store %arg5[%swap3A, %swap3A_23], %add3A_22 {strides = array<i32>} : memref<1000x32xf32, #tpu.memory_space<vmem>>, vector<1000x32xf32>,
    %eq3A = arith.constant 0 : i32
    %eq3A_25 = arith.cmpi eq, %arg0, %eq3A : i32
    %convert_element_type3A = arith.extui %eq3A_25 : i1 to i32
    %cond3A = arith.constant 0 : i32
    %cond3A_26 = arith.cmpi ne, %convert_element_type3A, %cond3A : i32
    scf.if %cond3A_26 {
      %broadcast_in_dim3A_46 = arith.constant 0.000000e+00 : f32
      %broadcast_in_dim3A_47 = vector.broadcast %broadcast_in_dim3A_46 : f32 to vector<1x32xf32>
      %swap3A_48 = arith.constant 0 : index
      %swap3A_49 = arith.constant 0 : index
      %swap3A_50 = vector.load %arg6[%swap3A_48, %swap3A_49] : memref<1x32xf32, #tpu.memory_space<vmem>>, vector<1x32xf32>
      tpu.vector_store %arg6[%swap3A_48, %swap3A_49], %broadcast_in_dim3A_47 {strides = array<i32>} : memref<1x32xf32, #tpu.memory_space<vmem>>, vector<1x32xf32>,
      %broadcast_in_dim3A_51 = arith.constant 0.000000e+00 : f32
      %broadcast_in_dim3A_52 = vector.broadcast %broadcast_in_dim3A_51 : f32 to vector<1x32xf32>
      %swap3A_53 = arith.constant 0 : index
      %swap3A_54 = arith.constant 0 : index
      %swap3A_55 = vector.load %arg7[%swap3A_53, %swap3A_54] : memref<1x32xf32, #tpu.memory_space<vmem>>, vector<1x32xf32>
      tpu.vector_store %arg7[%swap3A_53, %swap3A_54], %broadcast_in_dim3A_52 {strides = array<i32>} : memref<1x32xf32, #tpu.memory_space<vmem>>, vector<1x32xf32>,
    } else {
    }
    %get3A_27 = arith.constant 0 : index
    %get3A_28 = arith.constant 0 : index
    %get3A_29 = vector.load %arg6[%get3A_27, %get3A_28] : memref<1x32xf32, #tpu.memory_space<vmem>>, vector<1x32xf32>
    %reduce_sum3A = arith.constant dense<0.000000e+00> : vector<32xf32>
    %reduce_sum3A_30 = vector.multi_reduction <add>, %add3A_22, %reduce_sum3A [0] : vector<1000x32xf32> to vector<32xf32>
    %broadcast_in_dim3A = vector.shape_cast %reduce_sum3A_30 : vector<32xf32> to vector<1x32xf32>
    %add3A_31 = arith.addf %get3A_29, %broadcast_in_dim3A : vector<1x32xf32>
    %swap3A_32 = arith.constant 0 : index
    %swap3A_33 = arith.constant 0 : index
    %swap3A_34 = vector.load %arg6[%swap3A_32, %swap3A_33] : memref<1x32xf32, #tpu.memory_space<vmem>>, vector<1x32xf32>
    tpu.vector_store %arg6[%swap3A_32, %swap3A_33], %add3A_31 {strides = array<i32>} : memref<1x32xf32, #tpu.memory_space<vmem>>, vector<1x32xf32>,
    %get3A_35 = arith.constant 0 : index
    %get3A_36 = arith.constant 0 : index
    %get3A_37 = vector.load %arg7[%get3A_35, %get3A_36] : memref<1x32xf32, #tpu.memory_space<vmem>>, vector<1x32xf32>
    %mul3A_38 = arith.mulf %add3A_22, %add3A_22 : vector<1000x32xf32>
    %reduce_sum3A_39 = arith.constant dense<0.000000e+00> : vector<32xf32>
    %reduce_sum3A_40 = vector.multi_reduction <add>, %mul3A_38, %reduce_sum3A_39 [0] : vector<1000x32xf32> to vector<32xf32>
    %broadcast_in_dim3A_41 = vector.shape_cast %reduce_sum3A_40 : vector<32xf32> to vector<1x32xf32>
    %add3A_42 = arith.addf %get3A_37, %broadcast_in_dim3A_41 : vector<1x32xf32>
    %swap3A_43 = arith.constant 0 : index
    %swap3A_44 = arith.constant 0 : index
    %swap3A_45 = vector.load %arg7[%swap3A_43, %swap3A_44] : memref<1x32xf32, #tpu.memory_space<vmem>>, vector<1x32xf32>
    tpu.vector_store %arg7[%swap3A_43, %swap3A_44], %add3A_42 {strides = array<i32>} : memref<1x32xf32, #tpu.memory_space<vmem>>, vector<1x32xf32>,
    return
  }
  func.func @transform_0(%arg0: i32) -> (i32, i32) {
    %c0_i32 = arith.constant 0 : i32
    %c0_i32_0 = arith.constant 0 : i32
    return %arg0, %c0_i32 : i32, i32
  }
  func.func @transform_1(%arg0: i32) -> (i32, i32) {
    %c0_i32 = arith.constant 0 : i32
    %c0_i32_0 = arith.constant 0 : i32
    %c0_i32_1 = arith.constant 0 : i32
    return %c0_i32, %c0_i32_0 : i32, i32
  }
  func.func @transform_2(%arg0: i32) -> (i32, i32) {
    %c0_i32 = arith.constant 0 : i32
    %c0_i32_0 = arith.constant 0 : i32
    %c0_i32_1 = arith.constant 0 : i32
    return %c0_i32, %c0_i32_0 : i32, i32
  }
  func.func @transform_3(%arg0: i32) -> (i32, i32) {
    %c0_i32 = arith.constant 0 : i32
    %c0_i32_0 = arith.constant 0 : i32
    %c0_i32_1 = arith.constant 0 : i32
    return %c0_i32, %c0_i32_0 : i32, i32
  }
  func.func @transform_4(%arg0: i32) -> (i32, i32) {
    %c0_i32 = arith.constant 0 : i32
    %c0_i32_0 = arith.constant 0 : i32
    return %arg0, %c0_i32 : i32, i32
  }
  func.func @transform_5(%arg0: i32) -> (i32, i32) {
    %c0_i32 = arith.constant 0 : i32
    %c0_i32_0 = arith.constant 0 : i32
    %c0_i32_1 = arith.constant 0 : i32
    return %c0_i32, %c0_i32_0 : i32, i32
  }
  func.func @transform_6(%arg0: i32) -> (i32, i32) {
    %c0_i32 = arith.constant 0 : i32
    %c0_i32_0 = arith.constant 0 : i32
    %c0_i32_1 = arith.constant 0 : i32
    return %c0_i32, %c0_i32_0 : i32, i32
  }
}

module attributes {stable_mosaic.version = 14 : i64} {
  func.func @_pre1_body(%arg0: i32, %arg1: memref<1000x128xf32, #tpu.memory_space<vmem>>, %arg2: memref<128x80xf32, #tpu.memory_space<vmem>>, %arg3: memref<1x80xf32, #tpu.memory_space<vmem>>, %arg4: memref<1000x80xf32, #tpu.memory_space<vmem>>, %arg5: memref<1x80xf32, #tpu.memory_space<vmem>>, %arg6: memref<1x80xf32, #tpu.memory_space<vmem>>) attributes {dimension_semantics = [#tpu.dimension_semantics<arbitrary>], iteration_bounds = array<i64: 10>, scalar_prefetch = 0 : i64, scratch_operands = 0 : i64, tpu.core_type = #tpu.core_type<tc>, window_params = [{transform_indices = @transform_0, window_bounds = array<i64: 1000, 128>}, {pipeline_mode = #tpu.pipeline_mode<synchronous>, transform_indices = @transform_1, window_bounds = array<i64: 128, 80>}, {pipeline_mode = #tpu.pipeline_mode<synchronous>, transform_indices = @transform_2, window_bounds = array<i64: 1, 80>}, {transform_indices = @transform_3, window_bounds = array<i64: 1000, 80>}, {pipeline_mode = #tpu.pipeline_mode<synchronous>, transform_indices = @transform_4, window_bounds = array<i64: 1, 80>}, {pipeline_mode = #tpu.pipeline_mode<synchronous>, transform_indices = @transform_5, window_bounds = array<i64: 1, 80>}]} {
    %get3A = arith.constant 0 : index
    %get3A_0 = arith.constant 0 : index
    %get3A_1 = vector.load %arg1[%get3A, %get3A_0] : memref<1000x128xf32, #tpu.memory_space<vmem>>, vector<1000x128xf32>
    %get3A_2 = arith.constant 0 : index
    %get3A_3 = arith.constant 0 : index
    %get3A_4 = vector.load %arg2[%get3A_2, %get3A_3] : memref<128x80xf32, #tpu.memory_space<vmem>>, vector<128x80xf32>
    %dot_general3A = arith.constant dense<0.000000e+00> : vector<1000x80xf32>
    %dot_general3A_5 = tpu.matmul %get3A_1, %get3A_4, %dot_general3A {dimension_numbers = #tpu.dot_dimension_numbers<[1], [0], [0], [1], [0, 0, 1, 1], [], []>, transpose_lhs_hint = false} : vector<1000x128xf32>, vector<128x80xf32>, vector<1000x80xf32> -> vector<1000x80xf32>
    %get3A_6 = arith.constant 0 : index
    %get3A_7 = arith.constant 0 : index
    %get3A_8 = vector.load %arg3[%get3A_6, %get3A_7] : memref<1x80xf32, #tpu.memory_space<vmem>>, vector<1x80xf32>
    %add3A = vector.broadcast %get3A_8 : vector<1x80xf32> to vector<1000x80xf32>
    %add3A_9 = arith.addf %dot_general3A_5, %add3A : vector<1000x80xf32>
    %swap3A = arith.constant 0 : index
    %swap3A_10 = arith.constant 0 : index
    %swap3A_11 = vector.load %arg4[%swap3A, %swap3A_10] : memref<1000x80xf32, #tpu.memory_space<vmem>>, vector<1000x80xf32>
    tpu.vector_store %arg4[%swap3A, %swap3A_10], %add3A_9 {strides = array<i32>} : memref<1000x80xf32, #tpu.memory_space<vmem>>, vector<1000x80xf32>,
    %eq3A = arith.constant 0 : i32
    %eq3A_12 = arith.cmpi eq, %arg0, %eq3A : i32
    %convert_element_type3A = arith.extui %eq3A_12 : i1 to i32
    %cond3A = arith.constant 0 : i32
    %cond3A_13 = arith.cmpi ne, %convert_element_type3A, %cond3A : i32
    scf.if %cond3A_13 {
      %broadcast_in_dim3A_32 = arith.constant 0.000000e+00 : f32
      %broadcast_in_dim3A_33 = vector.broadcast %broadcast_in_dim3A_32 : f32 to vector<1x80xf32>
      %swap3A_34 = arith.constant 0 : index
      %swap3A_35 = arith.constant 0 : index
      %swap3A_36 = vector.load %arg5[%swap3A_34, %swap3A_35] : memref<1x80xf32, #tpu.memory_space<vmem>>, vector<1x80xf32>
      tpu.vector_store %arg5[%swap3A_34, %swap3A_35], %broadcast_in_dim3A_33 {strides = array<i32>} : memref<1x80xf32, #tpu.memory_space<vmem>>, vector<1x80xf32>,
      %broadcast_in_dim3A_37 = arith.constant 0.000000e+00 : f32
      %broadcast_in_dim3A_38 = vector.broadcast %broadcast_in_dim3A_37 : f32 to vector<1x80xf32>
      %swap3A_39 = arith.constant 0 : index
      %swap3A_40 = arith.constant 0 : index
      %swap3A_41 = vector.load %arg6[%swap3A_39, %swap3A_40] : memref<1x80xf32, #tpu.memory_space<vmem>>, vector<1x80xf32>
      tpu.vector_store %arg6[%swap3A_39, %swap3A_40], %broadcast_in_dim3A_38 {strides = array<i32>} : memref<1x80xf32, #tpu.memory_space<vmem>>, vector<1x80xf32>,
    } else {
    }
    %get3A_14 = arith.constant 0 : index
    %get3A_15 = arith.constant 0 : index
    %get3A_16 = vector.load %arg5[%get3A_14, %get3A_15] : memref<1x80xf32, #tpu.memory_space<vmem>>, vector<1x80xf32>
    %reduce_sum3A = arith.constant dense<0.000000e+00> : vector<80xf32>
    %reduce_sum3A_17 = vector.multi_reduction <add>, %add3A_9, %reduce_sum3A [0] : vector<1000x80xf32> to vector<80xf32>
    %broadcast_in_dim3A = vector.shape_cast %reduce_sum3A_17 : vector<80xf32> to vector<1x80xf32>
    %add3A_18 = arith.addf %get3A_16, %broadcast_in_dim3A : vector<1x80xf32>
    %swap3A_19 = arith.constant 0 : index
    %swap3A_20 = arith.constant 0 : index
    %swap3A_21 = vector.load %arg5[%swap3A_19, %swap3A_20] : memref<1x80xf32, #tpu.memory_space<vmem>>, vector<1x80xf32>
    tpu.vector_store %arg5[%swap3A_19, %swap3A_20], %add3A_18 {strides = array<i32>} : memref<1x80xf32, #tpu.memory_space<vmem>>, vector<1x80xf32>,
    %get3A_22 = arith.constant 0 : index
    %get3A_23 = arith.constant 0 : index
    %get3A_24 = vector.load %arg6[%get3A_22, %get3A_23] : memref<1x80xf32, #tpu.memory_space<vmem>>, vector<1x80xf32>
    %mul3A = arith.mulf %add3A_9, %add3A_9 : vector<1000x80xf32>
    %reduce_sum3A_25 = arith.constant dense<0.000000e+00> : vector<80xf32>
    %reduce_sum3A_26 = vector.multi_reduction <add>, %mul3A, %reduce_sum3A_25 [0] : vector<1000x80xf32> to vector<80xf32>
    %broadcast_in_dim3A_27 = vector.shape_cast %reduce_sum3A_26 : vector<80xf32> to vector<1x80xf32>
    %add3A_28 = arith.addf %get3A_24, %broadcast_in_dim3A_27 : vector<1x80xf32>
    %swap3A_29 = arith.constant 0 : index
    %swap3A_30 = arith.constant 0 : index
    %swap3A_31 = vector.load %arg6[%swap3A_29, %swap3A_30] : memref<1x80xf32, #tpu.memory_space<vmem>>, vector<1x80xf32>
    tpu.vector_store %arg6[%swap3A_29, %swap3A_30], %add3A_28 {strides = array<i32>} : memref<1x80xf32, #tpu.memory_space<vmem>>, vector<1x80xf32>,
    return
  }
  func.func @transform_0(%arg0: i32) -> (i32, i32) {
    %c0_i32 = arith.constant 0 : i32
    %c0_i32_0 = arith.constant 0 : i32
    return %arg0, %c0_i32 : i32, i32
  }
  func.func @transform_1(%arg0: i32) -> (i32, i32) {
    %c0_i32 = arith.constant 0 : i32
    %c0_i32_0 = arith.constant 0 : i32
    %c0_i32_1 = arith.constant 0 : i32
    return %c0_i32, %c0_i32_0 : i32, i32
  }
  func.func @transform_2(%arg0: i32) -> (i32, i32) {
    %c0_i32 = arith.constant 0 : i32
    %c0_i32_0 = arith.constant 0 : i32
    %c0_i32_1 = arith.constant 0 : i32
    return %c0_i32, %c0_i32_0 : i32, i32
  }
  func.func @transform_3(%arg0: i32) -> (i32, i32) {
    %c0_i32 = arith.constant 0 : i32
    %c0_i32_0 = arith.constant 0 : i32
    return %arg0, %c0_i32 : i32, i32
  }
  func.func @transform_4(%arg0: i32) -> (i32, i32) {
    %c0_i32 = arith.constant 0 : i32
    %c0_i32_0 = arith.constant 0 : i32
    %c0_i32_1 = arith.constant 0 : i32
    return %c0_i32, %c0_i32_0 : i32, i32
  }
  func.func @transform_5(%arg0: i32) -> (i32, i32) {
    %c0_i32 = arith.constant 0 : i32
    %c0_i32_0 = arith.constant 0 : i32
    %c0_i32_1 = arith.constant 0 : i32
    return %c0_i32, %c0_i32_0 : i32, i32
  }
}

module attributes {stable_mosaic.version = 14 : i64} {
  func.func @_rstats_body(%arg0: i32, %arg1: memref<512x4xf32, #tpu.memory_space<vmem>>, %arg2: memref<1x4xf32, #tpu.memory_space<vmem>>, %arg3: memref<1x4xf32, #tpu.memory_space<vmem>>) attributes {dimension_semantics = [#tpu.dimension_semantics<arbitrary>], iteration_bounds = array<i64: 80>, scalar_prefetch = 0 : i64, scratch_operands = 0 : i64, tpu.core_type = #tpu.core_type<tc>, window_params = [{transform_indices = @transform_0, window_bounds = array<i64: 512, 4>}, {pipeline_mode = #tpu.pipeline_mode<synchronous>, transform_indices = @transform_1, window_bounds = array<i64: 1, 4>}, {pipeline_mode = #tpu.pipeline_mode<synchronous>, transform_indices = @transform_2, window_bounds = array<i64: 1, 4>}]} {
    %get3A = arith.constant 0 : index
    %get3A_0 = arith.constant 0 : index
    %get3A_1 = vector.load %arg1[%get3A, %get3A_0] : memref<512x4xf32, #tpu.memory_space<vmem>>, vector<512x4xf32>
    %mul3A = arith.constant 512 : i32
    %mul3A_2 = arith.muli %arg0, %mul3A : i32
    %iota3A = tpu.iota {dimensions = array<i32: 0>} : vector<512x1xi32>
    %add3A = vector.broadcast %mul3A_2 : i32 to vector<512x1xi32>
    %add3A_3 = arith.addi %add3A, %iota3A : vector<512x1xi32>
    %lt3A = arith.constant 40000 : i32
    %lt3A_4 = vector.broadcast %lt3A : i32 to vector<512x1xi32>
    %lt3A_5 = arith.cmpi slt, %add3A_3, %lt3A_4 : vector<512x1xi32>
    %convert_element_type3A = arith.extui %lt3A_5 : vector<512x1xi1> to vector<512x1xi32>
    %convert_element_type3A_6 = arith.sitofp %convert_element_type3A : vector<512x1xi32> to vector<512x1xf32>
    %mul3A_7 = vector.broadcast %convert_element_type3A_6 : vector<512x1xf32> to vector<512x4xf32>
    %mul3A_8 = arith.mulf %get3A_1, %mul3A_7 : vector<512x4xf32>
    %eq3A = arith.constant 0 : i32
    %eq3A_9 = arith.cmpi eq, %arg0, %eq3A : i32
    %convert_element_type3A_10 = arith.extui %eq3A_9 : i1 to i32
    %cond3A = arith.constant 0 : i32
    %cond3A_11 = arith.cmpi ne, %convert_element_type3A_10, %cond3A : i32
    scf.if %cond3A_11 {
      %broadcast_in_dim3A_30 = arith.constant 0.000000e+00 : f32
      %broadcast_in_dim3A_31 = vector.broadcast %broadcast_in_dim3A_30 : f32 to vector<1x4xf32>
      %swap3A_32 = arith.constant 0 : index
      %swap3A_33 = arith.constant 0 : index
      %swap3A_34 = vector.load %arg2[%swap3A_32, %swap3A_33] : memref<1x4xf32, #tpu.memory_space<vmem>>, vector<1x4xf32>
      tpu.vector_store %arg2[%swap3A_32, %swap3A_33], %broadcast_in_dim3A_31 {strides = array<i32>} : memref<1x4xf32, #tpu.memory_space<vmem>>, vector<1x4xf32>,
      %broadcast_in_dim3A_35 = arith.constant 0.000000e+00 : f32
      %broadcast_in_dim3A_36 = vector.broadcast %broadcast_in_dim3A_35 : f32 to vector<1x4xf32>
      %swap3A_37 = arith.constant 0 : index
      %swap3A_38 = arith.constant 0 : index
      %swap3A_39 = vector.load %arg3[%swap3A_37, %swap3A_38] : memref<1x4xf32, #tpu.memory_space<vmem>>, vector<1x4xf32>
      tpu.vector_store %arg3[%swap3A_37, %swap3A_38], %broadcast_in_dim3A_36 {strides = array<i32>} : memref<1x4xf32, #tpu.memory_space<vmem>>, vector<1x4xf32>,
    } else {
    }
    %get3A_12 = arith.constant 0 : index
    %get3A_13 = arith.constant 0 : index
    %get3A_14 = vector.load %arg2[%get3A_12, %get3A_13] : memref<1x4xf32, #tpu.memory_space<vmem>>, vector<1x4xf32>
    %reduce_sum3A = arith.constant dense<0.000000e+00> : vector<4xf32>
    %reduce_sum3A_15 = vector.multi_reduction <add>, %mul3A_8, %reduce_sum3A [0] : vector<512x4xf32> to vector<4xf32>
    %broadcast_in_dim3A = vector.shape_cast %reduce_sum3A_15 : vector<4xf32> to vector<1x4xf32>
    %add3A_16 = arith.addf %get3A_14, %broadcast_in_dim3A : vector<1x4xf32>
    %swap3A = arith.constant 0 : index
    %swap3A_17 = arith.constant 0 : index
    %swap3A_18 = vector.load %arg2[%swap3A, %swap3A_17] : memref<1x4xf32, #tpu.memory_space<vmem>>, vector<1x4xf32>
    tpu.vector_store %arg2[%swap3A, %swap3A_17], %add3A_16 {strides = array<i32>} : memref<1x4xf32, #tpu.memory_space<vmem>>, vector<1x4xf32>,
    %get3A_19 = arith.constant 0 : index
    %get3A_20 = arith.constant 0 : index
    %get3A_21 = vector.load %arg3[%get3A_19, %get3A_20] : memref<1x4xf32, #tpu.memory_space<vmem>>, vector<1x4xf32>
    %mul3A_22 = arith.mulf %mul3A_8, %mul3A_8 : vector<512x4xf32>
    %reduce_sum3A_23 = arith.constant dense<0.000000e+00> : vector<4xf32>
    %reduce_sum3A_24 = vector.multi_reduction <add>, %mul3A_22, %reduce_sum3A_23 [0] : vector<512x4xf32> to vector<4xf32>
    %broadcast_in_dim3A_25 = vector.shape_cast %reduce_sum3A_24 : vector<4xf32> to vector<1x4xf32>
    %add3A_26 = arith.addf %get3A_21, %broadcast_in_dim3A_25 : vector<1x4xf32>
    %swap3A_27 = arith.constant 0 : index
    %swap3A_28 = arith.constant 0 : index
    %swap3A_29 = vector.load %arg3[%swap3A_27, %swap3A_28] : memref<1x4xf32, #tpu.memory_space<vmem>>, vector<1x4xf32>
    tpu.vector_store %arg3[%swap3A_27, %swap3A_28], %add3A_26 {strides = array<i32>} : memref<1x4xf32, #tpu.memory_space<vmem>>, vector<1x4xf32>,
    return
  }
  func.func @transform_0(%arg0: i32) -> (i32, i32) {
    %c0_i32 = arith.constant 0 : i32
    %c0_i32_0 = arith.constant 0 : i32
    return %arg0, %c0_i32 : i32, i32
  }
  func.func @transform_1(%arg0: i32) -> (i32, i32) {
    %c0_i32 = arith.constant 0 : i32
    %c0_i32_0 = arith.constant 0 : i32
    %c0_i32_1 = arith.constant 0 : i32
    return %c0_i32, %c0_i32_0 : i32, i32
  }
  func.func @transform_2(%arg0: i32) -> (i32, i32) {
    %c0_i32 = arith.constant 0 : i32
    %c0_i32_0 = arith.constant 0 : i32
    %c0_i32_1 = arith.constant 0 : i32
    return %c0_i32, %c0_i32_0 : i32, i32
  }
}

module attributes {stable_mosaic.version = 14 : i64} {
  func.func @_e2aff_body(%arg0: memref<128x128xf32, #tpu.memory_space<vmem>>, %arg1: memref<1x128xf32, #tpu.memory_space<vmem>>, %arg2: memref<1024x128xf32, #tpu.memory_space<vmem>>, %arg3: memref<1024x1xf32, #tpu.memory_space<vmem>>, %arg4: memref<1024x1xf32, #tpu.memory_space<vmem>>, %arg5: memref<1024x1xf32, #tpu.memory_space<vmem>>, %arg6: memref<1024x1xf32, #tpu.memory_space<vmem>>) attributes {dimension_semantics = [], scalar_prefetch = 0 : i64, scratch_operands = 0 : i64, tpu.core_type = #tpu.core_type<tc>} {
    %get3A = arith.constant 0 : index
    %get3A_0 = arith.constant 0 : index
    %get3A_1 = vector.load %arg2[%get3A, %get3A_0] : memref<1024x128xf32, #tpu.memory_space<vmem>>, vector<1024x128xf32>
    %get3A_2 = arith.constant 0 : index
    %get3A_3 = arith.constant 0 : index
    %get3A_4 = vector.load %arg1[%get3A_2, %get3A_3] : memref<1x128xf32, #tpu.memory_space<vmem>>, vector<1x128xf32>
    %dot_general3A = arith.constant dense<0.000000e+00> : vector<1024x1xf32>
    %dot_general3A_5 = tpu.matmul %get3A_1, %get3A_4, %dot_general3A {dimension_numbers = #tpu.dot_dimension_numbers<[1], [1], [0], [0], [0, 0, 1, 0], [], []>, transpose_lhs_hint = false} : vector<1024x128xf32>, vector<1x128xf32>, vector<1024x1xf32> -> vector<1024x1xf32>
    %div3A = arith.constant 1.600000e+05 : f32
    %div3A_6 = vector.broadcast %div3A : f32 to vector<1024x1xf32>
    %div3A_7 = arith.divf %dot_general3A_5, %div3A_6 : vector<1024x1xf32>
    %get3A_8 = arith.constant 0 : index
    %get3A_9 = arith.constant 0 : index
    %get3A_10 = vector.load %arg0[%get3A_8, %get3A_9] : memref<128x128xf32, #tpu.memory_space<vmem>>, vector<128x128xf32>
    %dot_general3A_11 = arith.constant dense<0.000000e+00> : vector<1024x128xf32>
    %dot_general3A_12 = tpu.matmul %get3A_1, %get3A_10, %dot_general3A_11 {dimension_numbers = #tpu.dot_dimension_numbers<[1], [0], [0], [1], [0, 0, 1, 1], [], []>, transpose_lhs_hint = false} : vector<1024x128xf32>, vector<128x128xf32>, vector<1024x128xf32> -> vector<1024x128xf32>
    %mul3A = arith.mulf %dot_general3A_12, %get3A_1 : vector<1024x128xf32>
    %reduce_sum3A = arith.constant dense<0.000000e+00> : vector<1024xf32>
    %reduce_sum3A_13 = vector.multi_reduction <add>, %mul3A, %reduce_sum3A [1] : vector<1024x128xf32> to vector<1024xf32>
    %broadcast_in_dim3A = vector.shape_cast %reduce_sum3A_13 : vector<1024xf32> to vector<1024x1xf32>
    %div3A_14 = arith.constant 1.600000e+05 : f32
    %div3A_15 = vector.broadcast %div3A_14 : f32 to vector<1024x1xf32>
    %div3A_16 = arith.divf %broadcast_in_dim3A, %div3A_15 : vector<1024x1xf32>
    %mul3A_17 = arith.mulf %div3A_7, %div3A_7 : vector<1024x1xf32>
    %sub3A = arith.subf %div3A_16, %mul3A_17 : vector<1024x1xf32>
    %get3A_18 = arith.constant 0 : index
    %get3A_19 = arith.constant 0 : index
    %get3A_20 = vector.load %arg3[%get3A_18, %get3A_19] : memref<1024x1xf32, #tpu.memory_space<vmem>>, vector<1024x1xf32>
    %add3A = arith.constant 9.99999974E-6 : f32
    %add3A_21 = vector.broadcast %add3A : f32 to vector<1024x1xf32>
    %add3A_22 = arith.addf %sub3A, %add3A_21 : vector<1024x1xf32>
    %sqrt3A = math.sqrt %add3A_22 : vector<1024x1xf32>
    %div3A_23 = arith.divf %get3A_20, %sqrt3A : vector<1024x1xf32>
    %swap3A = arith.constant 0 : index
    %swap3A_24 = arith.constant 0 : index
    %swap3A_25 = vector.load %arg5[%swap3A, %swap3A_24] : memref<1024x1xf32, #tpu.memory_space<vmem>>, vector<1024x1xf32>
    tpu.vector_store %arg5[%swap3A, %swap3A_24], %div3A_23 {strides = array<i32>} : memref<1024x1xf32, #tpu.memory_space<vmem>>, vector<1024x1xf32>,
    %get3A_26 = arith.constant 0 : index
    %get3A_27 = arith.constant 0 : index
    %get3A_28 = vector.load %arg4[%get3A_26, %get3A_27] : memref<1024x1xf32, #tpu.memory_space<vmem>>, vector<1024x1xf32>
    %mul3A_29 = arith.mulf %div3A_7, %div3A_23 : vector<1024x1xf32>
    %sub3A_30 = arith.subf %get3A_28, %mul3A_29 : vector<1024x1xf32>
    %swap3A_31 = arith.constant 0 : index
    %swap3A_32 = arith.constant 0 : index
    %swap3A_33 = vector.load %arg6[%swap3A_31, %swap3A_32] : memref<1024x1xf32, #tpu.memory_space<vmem>>, vector<1024x1xf32>
    tpu.vector_store %arg6[%swap3A_31, %swap3A_32], %sub3A_30 {strides = array<i32>} : memref<1024x1xf32, #tpu.memory_space<vmem>>, vector<1024x1xf32>,
    return
  }
}

module attributes {stable_mosaic.version = 14 : i64} {
  func.func @_e1mat4_body(%arg0: i32, %arg1: memref<512x4xf32, #tpu.memory_space<vmem>>, %arg2: memref<4x512xf32, #tpu.memory_space<vmem>>, %arg3: memref<2x512xf32, #tpu.memory_space<vmem>>, %arg4: memref<2x512xf32, #tpu.memory_space<vmem>>, %arg5: memref<512x512xf32, #tpu.memory_space<vmem>>, %arg6: memref<128x128xf32, #tpu.memory_space<vmem>>, %arg7: memref<1x128xf32, #tpu.memory_space<vmem>>) attributes {dimension_semantics = [#tpu.dimension_semantics<arbitrary>], iteration_bounds = array<i64: 80>, scalar_prefetch = 0 : i64, scratch_operands = 0 : i64, tpu.core_type = #tpu.core_type<tc>, window_params = [{transform_indices = @transform_0, window_bounds = array<i64: 512, 4>}, {pipeline_mode = #tpu.pipeline_mode<synchronous>, transform_indices = @transform_1, window_bounds = array<i64: 4, 512>}, {pipeline_mode = #tpu.pipeline_mode<synchronous>, transform_indices = @transform_2, window_bounds = array<i64: 2, 512>}, {pipeline_mode = #tpu.pipeline_mode<synchronous>, transform_indices = @transform_3, window_bounds = array<i64: 2, 512>}, {transform_indices = @transform_4, window_bounds = array<i64: 512, 512>}, {pipeline_mode = #tpu.pipeline_mode<synchronous>, transform_indices = @transform_5, window_bounds = array<i64: 128, 128>}, {pipeline_mode = #tpu.pipeline_mode<synchronous>, transform_indices = @transform_6, window_bounds = array<i64: 1, 128>}]} {
    %get3A = arith.constant 0 : index
    %get3A_0 = arith.constant 0 : index
    %get3A_1 = vector.load %arg1[%get3A, %get3A_0] : memref<512x4xf32, #tpu.memory_space<vmem>>, vector<512x4xf32>
    %get3A_2 = arith.constant 0 : index
    %get3A_3 = arith.constant 0 : index
    %get3A_4 = vector.load %arg2[%get3A_2, %get3A_3] : memref<4x512xf32, #tpu.memory_space<vmem>>, vector<4x512xf32>
    %dot_general3A = arith.constant dense<0.000000e+00> : vector<512x512xf32>
    %dot_general3A_5 = tpu.matmul %get3A_1, %get3A_4, %dot_general3A {dimension_numbers = #tpu.dot_dimension_numbers<[1], [0], [0], [1], [0, 0, 1, 1], [], []>, transpose_lhs_hint = false} : vector<512x4xf32>, vector<4x512xf32>, vector<512x512xf32> -> vector<512x512xf32>
    %get3A_6 = arith.constant 0 : index
    %get3A_7 = arith.constant 0 : index
    %get3A_8 = vector.load %arg3[%get3A_6, %get3A_7] : memref<2x512xf32, #tpu.memory_space<vmem>>, vector<1x512xf32>
    %mul3A = vector.broadcast %get3A_8 : vector<1x512xf32> to vector<512x512xf32>
    %mul3A_9 = arith.mulf %dot_general3A_5, %mul3A : vector<512x512xf32>
    %sub3A = arith.constant 1.000000e+00 : f32
    %sub3A_10 = vector.broadcast %sub3A : f32 to vector<512x512xf32>
    %sub3A_11 = arith.subf %sub3A_10, %dot_general3A_5 : vector<512x512xf32>
    %get3A_12 = arith.constant 1 : index
    %get3A_13 = arith.constant 0 : index
    %get3A_14 = vector.load %arg3[%get3A_12, %get3A_13] : memref<2x512xf32, #tpu.memory_space<vmem>>, vector<1x512xf32>
    %mul3A_15 = vector.broadcast %get3A_14 : vector<1x512xf32> to vector<512x512xf32>
    %mul3A_16 = arith.mulf %sub3A_11, %mul3A_15 : vector<512x512xf32>
    %add3A = arith.addf %mul3A_9, %mul3A_16 : vector<512x512xf32>
    %get3A_17 = arith.constant 0 : index
    %get3A_18 = arith.constant 0 : index
    %get3A_19 = vector.load %arg4[%get3A_17, %get3A_18] : memref<2x512xf32, #tpu.memory_space<vmem>>, vector<1x512xf32>
    %mul3A_20 = vector.broadcast %get3A_19 : vector<1x512xf32> to vector<512x512xf32>
    %mul3A_21 = arith.mulf %add3A, %mul3A_20 : vector<512x512xf32>
    %get3A_22 = arith.constant 1 : index
    %get3A_23 = arith.constant 0 : index
    %get3A_24 = vector.load %arg4[%get3A_22, %get3A_23] : memref<2x512xf32, #tpu.memory_space<vmem>>, vector<1x512xf32>
    %add3A_25 = vector.broadcast %get3A_24 : vector<1x512xf32> to vector<512x512xf32>
    %add3A_26 = arith.addf %mul3A_21, %add3A_25 : vector<512x512xf32>
    %jit3A = arith.constant 0.00999999977 : f32
    %ge3A = arith.constant 0.000000e+00 : f32
    %ge3A_27 = vector.broadcast %ge3A : f32 to vector<512x512xf32>
    %ge3A_28 = arith.cmpf oge, %add3A_26, %ge3A_27 : vector<512x512xf32>
    %mul3A_29 = vector.broadcast %jit3A : f32 to vector<512x512xf32>
    %mul3A_30 = arith.mulf %mul3A_29, %add3A_26 : vector<512x512xf32>
    %select_n3A = arith.select %ge3A_28, %add3A_26, %mul3A_30 : vector<512x512xi1>, vector<512x512xf32>
    %mul3A_31 = arith.constant 512 : i32
    %mul3A_32 = arith.muli %arg0, %mul3A_31 : i32
    %iota3A = tpu.iota {dimensions = array<i32: 0>} : vector<512x1xi32>
    %add3A_33 = vector.broadcast %mul3A_32 : i32 to vector<512x1xi32>
    %add3A_34 = arith.addi %add3A_33, %iota3A : vector<512x1xi32>
    %lt3A = arith.constant 40000 : i32
    %lt3A_35 = vector.broadcast %lt3A : i32 to vector<512x1xi32>
    %lt3A_36 = arith.cmpi slt, %add3A_34, %lt3A_35 : vector<512x1xi32>
    %convert_element_type3A = arith.extui %lt3A_36 : vector<512x1xi1> to vector<512x1xi32>
    %convert_element_type3A_37 = arith.sitofp %convert_element_type3A : vector<512x1xi32> to vector<512x1xf32>
    %mul3A_38 = vector.broadcast %convert_element_type3A_37 : vector<512x1xf32> to vector<512x512xf32>
    %mul3A_39 = arith.mulf %select_n3A, %mul3A_38 : vector<512x512xf32>
    %swap3A = arith.constant 0 : index
    %swap3A_40 = arith.constant 0 : index
    %swap3A_41 = vector.load %arg5[%swap3A, %swap3A_40] : memref<512x512xf32, #tpu.memory_space<vmem>>, vector<512x512xf32>
    tpu.vector_store %arg5[%swap3A, %swap3A_40], %mul3A_39 {strides = array<i32>} : memref<512x512xf32, #tpu.memory_space<vmem>>, vector<512x512xf32>,
    %eq3A = arith.constant 0 : i32
    %eq3A_42 = arith.cmpi eq, %arg0, %eq3A : i32
    %convert_element_type3A_43 = arith.extui %eq3A_42 : i1 to i32
    %cond3A = arith.constant 0 : i32
    %cond3A_44 = arith.cmpi ne, %convert_element_type3A_43, %cond3A : i32
    scf.if %cond3A_44 {
      %broadcast_in_dim3A_86 = arith.constant 0.000000e+00 : f32
      %broadcast_in_dim3A_87 = vector.broadcast %broadcast_in_dim3A_86 : f32 to vector<128x128xf32>
      %swap3A_88 = arith.constant 0 : index
      %swap3A_89 = arith.constant 0 : index
      %swap3A_90 = vector.load %arg6[%swap3A_88, %swap3A_89] : memref<128x128xf32, #tpu.memory_space<vmem>>, vector<128x128xf32>
      tpu.vector_store %arg6[%swap3A_88, %swap3A_89], %broadcast_in_dim3A_87 {strides = array<i32>} : memref<128x128xf32, #tpu.memory_space<vmem>>, vector<128x128xf32>,
      %broadcast_in_dim3A_91 = arith.constant 0.000000e+00 : f32
      %broadcast_in_dim3A_92 = vector.broadcast %broadcast_in_dim3A_91 : f32 to vector<1x128xf32>
      %swap3A_93 = arith.constant 0 : index
      %swap3A_94 = arith.constant 0 : index
      %swap3A_95 = vector.load %arg7[%swap3A_93, %swap3A_94] : memref<1x128xf32, #tpu.memory_space<vmem>>, vector<1x128xf32>
      tpu.vector_store %arg7[%swap3A_93, %swap3A_94], %broadcast_in_dim3A_92 {strides = array<i32>} : memref<1x128xf32, #tpu.memory_space<vmem>>, vector<1x128xf32>,
    } else {
    }
    %get3A_45 = arith.constant 0 : index
    %get3A_46 = arith.constant 0 : index
    %get3A_47 = vector.load %arg6[%get3A_45, %get3A_46] : memref<128x128xf32, #tpu.memory_space<vmem>>, vector<128x128xf32>
    %get3A_48 = arith.constant 0 : index
    %get3A_49 = arith.constant 0 : index
    %get3A_50 = vector.load %arg7[%get3A_48, %get3A_49] : memref<1x128xf32, #tpu.memory_space<vmem>>, vector<1x128xf32>
    %slice3A = vector.extract_strided_slice %mul3A_39 {offsets = [0, 0], sizes = [512, 128], strides = [1, 1]} : vector<512x512xf32> to vector<512x128xf32>
    %dot_general3A_51 = arith.constant dense<0.000000e+00> : vector<128x128xf32>
    %dot_general3A_52 = tpu.matmul %slice3A, %slice3A, %dot_general3A_51 {dimension_numbers = #tpu.dot_dimension_numbers<[0], [0], [1], [1], [0, 1, 1, 1], [], []>, transpose_lhs_hint = false} : vector<512x128xf32>, vector<512x128xf32>, vector<128x128xf32> -> vector<128x128xf32>
    %add3A_53 = arith.addf %get3A_47, %dot_general3A_52 : vector<128x128xf32>
    %reduce_sum3A = arith.constant dense<0.000000e+00> : vector<128xf32>
    %reduce_sum3A_54 = vector.multi_reduction <add>, %slice3A, %reduce_sum3A [0] : vector<512x128xf32> to vector<128xf32>
    %broadcast_in_dim3A = vector.shape_cast %reduce_sum3A_54 : vector<128xf32> to vector<1x128xf32>
    %add3A_55 = arith.addf %get3A_50, %broadcast_in_dim3A : vector<1x128xf32>
    %slice3A_56 = vector.extract_strided_slice %mul3A_39 {offsets = [0, 128], sizes = [512, 128], strides = [1, 1]} : vector<512x512xf32> to vector<512x128xf32>
    %dot_general3A_57 = arith.constant dense<0.000000e+00> : vector<128x128xf32>
    %dot_general3A_58 = tpu.matmul %slice3A_56, %slice3A_56, %dot_general3A_57 {dimension_numbers = #tpu.dot_dimension_numbers<[0], [0], [1], [1], [0, 1, 1, 1], [], []>, transpose_lhs_hint = false} : vector<512x128xf32>, vector<512x128xf32>, vector<128x128xf32> -> vector<128x128xf32>
    %add3A_59 = arith.addf %add3A_53, %dot_general3A_58 : vector<128x128xf32>
    %reduce_sum3A_60 = arith.constant dense<0.000000e+00> : vector<128xf32>
    %reduce_sum3A_61 = vector.multi_reduction <add>, %slice3A_56, %reduce_sum3A_60 [0] : vector<512x128xf32> to vector<128xf32>
    %broadcast_in_dim3A_62 = vector.shape_cast %reduce_sum3A_61 : vector<128xf32> to vector<1x128xf32>
    %add3A_63 = arith.addf %add3A_55, %broadcast_in_dim3A_62 : vector<1x128xf32>
    %slice3A_64 = vector.extract_strided_slice %mul3A_39 {offsets = [0, 256], sizes = [512, 128], strides = [1, 1]} : vector<512x512xf32> to vector<512x128xf32>
    %dot_general3A_65 = arith.constant dense<0.000000e+00> : vector<128x128xf32>
    %dot_general3A_66 = tpu.matmul %slice3A_64, %slice3A_64, %dot_general3A_65 {dimension_numbers = #tpu.dot_dimension_numbers<[0], [0], [1], [1], [0, 1, 1, 1], [], []>, transpose_lhs_hint = false} : vector<512x128xf32>, vector<512x128xf32>, vector<128x128xf32> -> vector<128x128xf32>
    %add3A_67 = arith.addf %add3A_59, %dot_general3A_66 : vector<128x128xf32>
    %reduce_sum3A_68 = arith.constant dense<0.000000e+00> : vector<128xf32>
    %reduce_sum3A_69 = vector.multi_reduction <add>, %slice3A_64, %reduce_sum3A_68 [0] : vector<512x128xf32> to vector<128xf32>
    %broadcast_in_dim3A_70 = vector.shape_cast %reduce_sum3A_69 : vector<128xf32> to vector<1x128xf32>
    %add3A_71 = arith.addf %add3A_63, %broadcast_in_dim3A_70 : vector<1x128xf32>
    %slice3A_72 = vector.extract_strided_slice %mul3A_39 {offsets = [0, 384], sizes = [512, 128], strides = [1, 1]} : vector<512x512xf32> to vector<512x128xf32>
    %dot_general3A_73 = arith.constant dense<0.000000e+00> : vector<128x128xf32>
    %dot_general3A_74 = tpu.matmul %slice3A_72, %slice3A_72, %dot_general3A_73 {dimension_numbers = #tpu.dot_dimension_numbers<[0], [0], [1], [1], [0, 1, 1, 1], [], []>, transpose_lhs_hint = false} : vector<512x128xf32>, vector<512x128xf32>, vector<128x128xf32> -> vector<128x128xf32>
    %add3A_75 = arith.addf %add3A_67, %dot_general3A_74 : vector<128x128xf32>
    %reduce_sum3A_76 = arith.constant dense<0.000000e+00> : vector<128xf32>
    %reduce_sum3A_77 = vector.multi_reduction <add>, %slice3A_72, %reduce_sum3A_76 [0] : vector<512x128xf32> to vector<128xf32>
    %broadcast_in_dim3A_78 = vector.shape_cast %reduce_sum3A_77 : vector<128xf32> to vector<1x128xf32>
    %add3A_79 = arith.addf %add3A_71, %broadcast_in_dim3A_78 : vector<1x128xf32>
    %swap3A_80 = arith.constant 0 : index
    %swap3A_81 = arith.constant 0 : index
    %swap3A_82 = vector.load %arg6[%swap3A_80, %swap3A_81] : memref<128x128xf32, #tpu.memory_space<vmem>>, vector<128x128xf32>
    tpu.vector_store %arg6[%swap3A_80, %swap3A_81], %add3A_75 {strides = array<i32>} : memref<128x128xf32, #tpu.memory_space<vmem>>, vector<128x128xf32>,
    %swap3A_83 = arith.constant 0 : index
    %swap3A_84 = arith.constant 0 : index
    %swap3A_85 = vector.load %arg7[%swap3A_83, %swap3A_84] : memref<1x128xf32, #tpu.memory_space<vmem>>, vector<1x128xf32>
    tpu.vector_store %arg7[%swap3A_83, %swap3A_84], %add3A_79 {strides = array<i32>} : memref<1x128xf32, #tpu.memory_space<vmem>>, vector<1x128xf32>,
    return
  }
  func.func @transform_0(%arg0: i32) -> (i32, i32) {
    %c0_i32 = arith.constant 0 : i32
    %c0_i32_0 = arith.constant 0 : i32
    return %arg0, %c0_i32 : i32, i32
  }
  func.func @transform_1(%arg0: i32) -> (i32, i32) {
    %c0_i32 = arith.constant 0 : i32
    %c0_i32_0 = arith.constant 0 : i32
    %c0_i32_1 = arith.constant 0 : i32
    return %c0_i32, %c0_i32_0 : i32, i32
  }
  func.func @transform_2(%arg0: i32) -> (i32, i32) {
    %c0_i32 = arith.constant 0 : i32
    %c0_i32_0 = arith.constant 0 : i32
    %c0_i32_1 = arith.constant 0 : i32
    return %c0_i32, %c0_i32_0 : i32, i32
  }
  func.func @transform_3(%arg0: i32) -> (i32, i32) {
    %c0_i32 = arith.constant 0 : i32
    %c0_i32_0 = arith.constant 0 : i32
    %c0_i32_1 = arith.constant 0 : i32
    return %c0_i32, %c0_i32_0 : i32, i32
  }
  func.func @transform_4(%arg0: i32) -> (i32, i32) {
    %c0_i32 = arith.constant 0 : i32
    %c0_i32_0 = arith.constant 0 : i32
    return %arg0, %c0_i32 : i32, i32
  }
  func.func @transform_5(%arg0: i32) -> (i32, i32) {
    %c0_i32 = arith.constant 0 : i32
    %c0_i32_0 = arith.constant 0 : i32
    %c0_i32_1 = arith.constant 0 : i32
    return %c0_i32, %c0_i32_0 : i32, i32
  }
  func.func @transform_6(%arg0: i32) -> (i32, i32) {
    %c0_i32 = arith.constant 0 : i32
    %c0_i32_0 = arith.constant 0 : i32
    %c0_i32_1 = arith.constant 0 : i32
    return %c0_i32, %c0_i32_0 : i32, i32
  }
}

module attributes {stable_mosaic.version = 14 : i64} {
  func.func @_msg4_body(%arg0: i32, %arg1: memref<512x512xf32, #tpu.memory_space<vmem>>, %arg2: memref<512x128xf32, #tpu.memory_space<vmem>>, %arg3: memref<128x1024xf32, #tpu.memory_space<vmem>>, %arg4: memref<32x32xf32, #tpu.memory_space<vmem>>, %arg5: memref<32x1024xf32, #tpu.memory_space<vmem>>, %arg6: memref<1024x32xf32, #tpu.memory_space<vmem>>, %arg7: memref<512x128xf32, #tpu.memory_space<vmem>>) attributes {dimension_semantics = [#tpu.dimension_semantics<arbitrary>], iteration_bounds = array<i64: 80>, scalar_prefetch = 0 : i64, scratch_operands = 0 : i64, tpu.core_type = #tpu.core_type<tc>, window_params = [{transform_indices = @transform_0, window_bounds = array<i64: 512, 512>}, {transform_indices = @transform_1, window_bounds = array<i64: 512, 128>}, {pipeline_mode = #tpu.pipeline_mode<synchronous>, transform_indices = @transform_2, window_bounds = array<i64: 128, 1024>}, {pipeline_mode = #tpu.pipeline_mode<synchronous>, transform_indices = @transform_3, window_bounds = array<i64: 32, 32>}, {pipeline_mode = #tpu.pipeline_mode<synchronous>, transform_indices = @transform_4, window_bounds = array<i64: 32, 1024>}, {pipeline_mode = #tpu.pipeline_mode<synchronous>, transform_indices = @transform_5, window_bounds = array<i64: 1024, 32>}, {transform_indices = @transform_6, window_bounds = array<i64: 512, 128>}]} {
    %get3A = arith.constant 0 : index
    %get3A_0 = arith.constant 0 : index
    %get3A_1 = vector.load %arg2[%get3A, %get3A_0] : memref<512x128xf32, #tpu.memory_space<vmem>>, vector<512x128xf32>
    %get3A_2 = arith.constant 0 : index
    %get3A_3 = arith.constant 0 : index
    %get3A_4 = vector.load %arg1[%get3A_2, %get3A_3] : memref<512x512xf32, #tpu.memory_space<vmem>>, vector<512x128xf32>
    %get3A_5 = arith.constant 0 : index
    %get3A_6 = arith.constant 0 : index
    %get3A_7 = vector.load %arg3[%get3A_5, %get3A_6] : memref<128x1024xf32, #tpu.memory_space<vmem>>, vector<128x1024xf32>
    %dot_general3A = arith.constant dense<0.000000e+00> : vector<512x1024xf32>
    %dot_general3A_8 = tpu.matmul %get3A_4, %get3A_7, %dot_general3A {dimension_numbers = #tpu.dot_dimension_numbers<[1], [0], [0], [1], [0, 0, 1, 1], [], []>, transpose_lhs_hint = false} : vector<512x128xf32>, vector<128x1024xf32>, vector<512x1024xf32> -> vector<512x1024xf32>
    %slice3A = vector.extract_strided_slice %get3A_1 {offsets = [0, 0], sizes = [512, 32], strides = [1, 1]} : vector<512x128xf32> to vector<512x32xf32>
    %get3A_9 = arith.constant 0 : index
    %get3A_10 = arith.constant 0 : index
    %get3A_11 = vector.load %arg5[%get3A_9, %get3A_10] : memref<32x1024xf32, #tpu.memory_space<vmem>>, vector<32x1024xf32>
    %dot_general3A_12 = arith.constant dense<0.000000e+00> : vector<512x1024xf32>
    %dot_general3A_13 = tpu.matmul %slice3A, %get3A_11, %dot_general3A_12 {dimension_numbers = #tpu.dot_dimension_numbers<[1], [0], [0], [1], [0, 0, 1, 1], [], []>, transpose_lhs_hint = false} : vector<512x32xf32>, vector<32x1024xf32>, vector<512x1024xf32> -> vector<512x1024xf32>
    %mul3A = arith.mulf %dot_general3A_13, %dot_general3A_8 : vector<512x1024xf32>
    %get3A_14 = arith.constant 0 : index
    %get3A_15 = arith.constant 0 : index
    %get3A_16 = vector.load %arg6[%get3A_14, %get3A_15] : memref<1024x32xf32, #tpu.memory_space<vmem>>, vector<1024x32xf32>
    %dot_general3A_17 = arith.constant dense<0.000000e+00> : vector<512x32xf32>
    %dot_general3A_18 = tpu.matmul %mul3A, %get3A_16, %dot_general3A_17 {dimension_numbers = #tpu.dot_dimension_numbers<[1], [0], [0], [1], [0, 0, 1, 1], [], []>, transpose_lhs_hint = false} : vector<512x1024xf32>, vector<1024x32xf32>, vector<512x32xf32> -> vector<512x32xf32>
    %get3A_19 = arith.constant 0 : index
    %get3A_20 = arith.constant 0 : index
    %get3A_21 = vector.load %arg4[%get3A_19, %get3A_20] : memref<32x32xf32, #tpu.memory_space<vmem>>, vector<32x32xf32>
    %dot_general3A_22 = arith.constant dense<0.000000e+00> : vector<512x32xf32>
    %dot_general3A_23 = tpu.matmul %slice3A, %get3A_21, %dot_general3A_22 {dimension_numbers = #tpu.dot_dimension_numbers<[1], [0], [0], [1], [0, 0, 1, 1], [], []>, transpose_lhs_hint = false} : vector<512x32xf32>, vector<32x32xf32>, vector<512x32xf32> -> vector<512x32xf32>
    %add3A = arith.addf %dot_general3A_18, %dot_general3A_23 : vector<512x32xf32>
    %swap3A = arith.constant 0 : index
    %swap3A_24 = arith.constant 0 : index
    %swap3A_25 = vector.load %arg7[%swap3A, %swap3A_24] : memref<512x128xf32, #tpu.memory_space<vmem>>, vector<512x32xf32>
    tpu.vector_store %arg7[%swap3A, %swap3A_24], %add3A {strides = array<i32>} : memref<512x128xf32, #tpu.memory_space<vmem>>, vector<512x32xf32>,
    %get3A_26 = arith.constant 0 : index
    %get3A_27 = arith.constant 128 : index
    %get3A_28 = vector.load %arg1[%get3A_26, %get3A_27] : memref<512x512xf32, #tpu.memory_space<vmem>>, vector<512x128xf32>
    %get3A_29 = arith.constant 0 : index
    %get3A_30 = arith.constant 0 : index
    %get3A_31 = vector.load %arg3[%get3A_29, %get3A_30] : memref<128x1024xf32, #tpu.memory_space<vmem>>, vector<128x1024xf32>
    %dot_general3A_32 = arith.constant dense<0.000000e+00> : vector<512x1024xf32>
    %dot_general3A_33 = tpu.matmul %get3A_28, %get3A_31, %dot_general3A_32 {dimension_numbers = #tpu.dot_dimension_numbers<[1], [0], [0], [1], [0, 0, 1, 1], [], []>, transpose_lhs_hint = false} : vector<512x128xf32>, vector<128x1024xf32>, vector<512x1024xf32> -> vector<512x1024xf32>
    %slice3A_34 = vector.extract_strided_slice %get3A_1 {offsets = [0, 32], sizes = [512, 32], strides = [1, 1]} : vector<512x128xf32> to vector<512x32xf32>
    %get3A_35 = arith.constant 0 : index
    %get3A_36 = arith.constant 0 : index
    %get3A_37 = vector.load %arg5[%get3A_35, %get3A_36] : memref<32x1024xf32, #tpu.memory_space<vmem>>, vector<32x1024xf32>
    %dot_general3A_38 = arith.constant dense<0.000000e+00> : vector<512x1024xf32>
    %dot_general3A_39 = tpu.matmul %slice3A_34, %get3A_37, %dot_general3A_38 {dimension_numbers = #tpu.dot_dimension_numbers<[1], [0], [0], [1], [0, 0, 1, 1], [], []>, transpose_lhs_hint = false} : vector<512x32xf32>, vector<32x1024xf32>, vector<512x1024xf32> -> vector<512x1024xf32>
    %mul3A_40 = arith.mulf %dot_general3A_39, %dot_general3A_33 : vector<512x1024xf32>
    %get3A_41 = arith.constant 0 : index
    %get3A_42 = arith.constant 0 : index
    %get3A_43 = vector.load %arg6[%get3A_41, %get3A_42] : memref<1024x32xf32, #tpu.memory_space<vmem>>, vector<1024x32xf32>
    %dot_general3A_44 = arith.constant dense<0.000000e+00> : vector<512x32xf32>
    %dot_general3A_45 = tpu.matmul %mul3A_40, %get3A_43, %dot_general3A_44 {dimension_numbers = #tpu.dot_dimension_numbers<[1], [0], [0], [1], [0, 0, 1, 1], [], []>, transpose_lhs_hint = false} : vector<512x1024xf32>, vector<1024x32xf32>, vector<512x32xf32> -> vector<512x32xf32>
    %get3A_46 = arith.constant 0 : index
    %get3A_47 = arith.constant 0 : index
    %get3A_48 = vector.load %arg4[%get3A_46, %get3A_47] : memref<32x32xf32, #tpu.memory_space<vmem>>, vector<32x32xf32>
    %dot_general3A_49 = arith.constant dense<0.000000e+00> : vector<512x32xf32>
    %dot_general3A_50 = tpu.matmul %slice3A_34, %get3A_48, %dot_general3A_49 {dimension_numbers = #tpu.dot_dimension_numbers<[1], [0], [0], [1], [0, 0, 1, 1], [], []>, transpose_lhs_hint = false} : vector<512x32xf32>, vector<32x32xf32>, vector<512x32xf32> -> vector<512x32xf32>
    %add3A_51 = arith.addf %dot_general3A_45, %dot_general3A_50 : vector<512x32xf32>
    %swap3A_52 = arith.constant 0 : index
    %swap3A_53 = arith.constant 32 : index
    %swap3A_54 = vector.load %arg7[%swap3A_52, %swap3A_53] : memref<512x128xf32, #tpu.memory_space<vmem>>, vector<512x32xf32>
    tpu.vector_store %arg7[%swap3A_52, %swap3A_53], %add3A_51 {strides = array<i32>} : memref<512x128xf32, #tpu.memory_space<vmem>>, vector<512x32xf32>,
    %get3A_55 = arith.constant 0 : index
    %get3A_56 = arith.constant 256 : index
    %get3A_57 = vector.load %arg1[%get3A_55, %get3A_56] : memref<512x512xf32, #tpu.memory_space<vmem>>, vector<512x128xf32>
    %get3A_58 = arith.constant 0 : index
    %get3A_59 = arith.constant 0 : index
    %get3A_60 = vector.load %arg3[%get3A_58, %get3A_59] : memref<128x1024xf32, #tpu.memory_space<vmem>>, vector<128x1024xf32>
    %dot_general3A_61 = arith.constant dense<0.000000e+00> : vector<512x1024xf32>
    %dot_general3A_62 = tpu.matmul %get3A_57, %get3A_60, %dot_general3A_61 {dimension_numbers = #tpu.dot_dimension_numbers<[1], [0], [0], [1], [0, 0, 1, 1], [], []>, transpose_lhs_hint = false} : vector<512x128xf32>, vector<128x1024xf32>, vector<512x1024xf32> -> vector<512x1024xf32>
    %slice3A_63 = vector.extract_strided_slice %get3A_1 {offsets = [0, 64], sizes = [512, 32], strides = [1, 1]} : vector<512x128xf32> to vector<512x32xf32>
    %get3A_64 = arith.constant 0 : index
    %get3A_65 = arith.constant 0 : index
    %get3A_66 = vector.load %arg5[%get3A_64, %get3A_65] : memref<32x1024xf32, #tpu.memory_space<vmem>>, vector<32x1024xf32>
    %dot_general3A_67 = arith.constant dense<0.000000e+00> : vector<512x1024xf32>
    %dot_general3A_68 = tpu.matmul %slice3A_63, %get3A_66, %dot_general3A_67 {dimension_numbers = #tpu.dot_dimension_numbers<[1], [0], [0], [1], [0, 0, 1, 1], [], []>, transpose_lhs_hint = false} : vector<512x32xf32>, vector<32x1024xf32>, vector<512x1024xf32> -> vector<512x1024xf32>
    %mul3A_69 = arith.mulf %dot_general3A_68, %dot_general3A_62 : vector<512x1024xf32>
    %get3A_70 = arith.constant 0 : index
    %get3A_71 = arith.constant 0 : index
    %get3A_72 = vector.load %arg6[%get3A_70, %get3A_71] : memref<1024x32xf32, #tpu.memory_space<vmem>>, vector<1024x32xf32>
    %dot_general3A_73 = arith.constant dense<0.000000e+00> : vector<512x32xf32>
    %dot_general3A_74 = tpu.matmul %mul3A_69, %get3A_72, %dot_general3A_73 {dimension_numbers = #tpu.dot_dimension_numbers<[1], [0], [0], [1], [0, 0, 1, 1], [], []>, transpose_lhs_hint = false} : vector<512x1024xf32>, vector<1024x32xf32>, vector<512x32xf32> -> vector<512x32xf32>
    %get3A_75 = arith.constant 0 : index
    %get3A_76 = arith.constant 0 : index
    %get3A_77 = vector.load %arg4[%get3A_75, %get3A_76] : memref<32x32xf32, #tpu.memory_space<vmem>>, vector<32x32xf32>
    %dot_general3A_78 = arith.constant dense<0.000000e+00> : vector<512x32xf32>
    %dot_general3A_79 = tpu.matmul %slice3A_63, %get3A_77, %dot_general3A_78 {dimension_numbers = #tpu.dot_dimension_numbers<[1], [0], [0], [1], [0, 0, 1, 1], [], []>, transpose_lhs_hint = false} : vector<512x32xf32>, vector<32x32xf32>, vector<512x32xf32> -> vector<512x32xf32>
    %add3A_80 = arith.addf %dot_general3A_74, %dot_general3A_79 : vector<512x32xf32>
    %swap3A_81 = arith.constant 0 : index
    %swap3A_82 = arith.constant 64 : index
    %swap3A_83 = vector.load %arg7[%swap3A_81, %swap3A_82] : memref<512x128xf32, #tpu.memory_space<vmem>>, vector<512x32xf32>
    tpu.vector_store %arg7[%swap3A_81, %swap3A_82], %add3A_80 {strides = array<i32>} : memref<512x128xf32, #tpu.memory_space<vmem>>, vector<512x32xf32>,
    %get3A_84 = arith.constant 0 : index
    %get3A_85 = arith.constant 384 : index
    %get3A_86 = vector.load %arg1[%get3A_84, %get3A_85] : memref<512x512xf32, #tpu.memory_space<vmem>>, vector<512x128xf32>
    %get3A_87 = arith.constant 0 : index
    %get3A_88 = arith.constant 0 : index
    %get3A_89 = vector.load %arg3[%get3A_87, %get3A_88] : memref<128x1024xf32, #tpu.memory_space<vmem>>, vector<128x1024xf32>
    %dot_general3A_90 = arith.constant dense<0.000000e+00> : vector<512x1024xf32>
    %dot_general3A_91 = tpu.matmul %get3A_86, %get3A_89, %dot_general3A_90 {dimension_numbers = #tpu.dot_dimension_numbers<[1], [0], [0], [1], [0, 0, 1, 1], [], []>, transpose_lhs_hint = false} : vector<512x128xf32>, vector<128x1024xf32>, vector<512x1024xf32> -> vector<512x1024xf32>
    %slice3A_92 = vector.extract_strided_slice %get3A_1 {offsets = [0, 96], sizes = [512, 32], strides = [1, 1]} : vector<512x128xf32> to vector<512x32xf32>
    %get3A_93 = arith.constant 0 : index
    %get3A_94 = arith.constant 0 : index
    %get3A_95 = vector.load %arg5[%get3A_93, %get3A_94] : memref<32x1024xf32, #tpu.memory_space<vmem>>, vector<32x1024xf32>
    %dot_general3A_96 = arith.constant dense<0.000000e+00> : vector<512x1024xf32>
    %dot_general3A_97 = tpu.matmul %slice3A_92, %get3A_95, %dot_general3A_96 {dimension_numbers = #tpu.dot_dimension_numbers<[1], [0], [0], [1], [0, 0, 1, 1], [], []>, transpose_lhs_hint = false} : vector<512x32xf32>, vector<32x1024xf32>, vector<512x1024xf32> -> vector<512x1024xf32>
    %mul3A_98 = arith.mulf %dot_general3A_97, %dot_general3A_91 : vector<512x1024xf32>
    %get3A_99 = arith.constant 0 : index
    %get3A_100 = arith.constant 0 : index
    %get3A_101 = vector.load %arg6[%get3A_99, %get3A_100] : memref<1024x32xf32, #tpu.memory_space<vmem>>, vector<1024x32xf32>
    %dot_general3A_102 = arith.constant dense<0.000000e+00> : vector<512x32xf32>
    %dot_general3A_103 = tpu.matmul %mul3A_98, %get3A_101, %dot_general3A_102 {dimension_numbers = #tpu.dot_dimension_numbers<[1], [0], [0], [1], [0, 0, 1, 1], [], []>, transpose_lhs_hint = false} : vector<512x1024xf32>, vector<1024x32xf32>, vector<512x32xf32> -> vector<512x32xf32>
    %get3A_104 = arith.constant 0 : index
    %get3A_105 = arith.constant 0 : index
    %get3A_106 = vector.load %arg4[%get3A_104, %get3A_105] : memref<32x32xf32, #tpu.memory_space<vmem>>, vector<32x32xf32>
    %dot_general3A_107 = arith.constant dense<0.000000e+00> : vector<512x32xf32>
    %dot_general3A_108 = tpu.matmul %slice3A_92, %get3A_106, %dot_general3A_107 {dimension_numbers = #tpu.dot_dimension_numbers<[1], [0], [0], [1], [0, 0, 1, 1], [], []>, transpose_lhs_hint = false} : vector<512x32xf32>, vector<32x32xf32>, vector<512x32xf32> -> vector<512x32xf32>
    %add3A_109 = arith.addf %dot_general3A_103, %dot_general3A_108 : vector<512x32xf32>
    %swap3A_110 = arith.constant 0 : index
    %swap3A_111 = arith.constant 96 : index
    %swap3A_112 = vector.load %arg7[%swap3A_110, %swap3A_111] : memref<512x128xf32, #tpu.memory_space<vmem>>, vector<512x32xf32>
    tpu.vector_store %arg7[%swap3A_110, %swap3A_111], %add3A_109 {strides = array<i32>} : memref<512x128xf32, #tpu.memory_space<vmem>>, vector<512x32xf32>,
    return
  }
  func.func @transform_0(%arg0: i32) -> (i32, i32) {
    %c0_i32 = arith.constant 0 : i32
    %c0_i32_0 = arith.constant 0 : i32
    return %arg0, %c0_i32 : i32, i32
  }
  func.func @transform_1(%arg0: i32) -> (i32, i32) {
    %c0_i32 = arith.constant 0 : i32
    %c0_i32_0 = arith.constant 0 : i32
    return %arg0, %c0_i32 : i32, i32
  }
  func.func @transform_2(%arg0: i32) -> (i32, i32) {
    %c0_i32 = arith.constant 0 : i32
    %c0_i32_0 = arith.constant 0 : i32
    %c0_i32_1 = arith.constant 0 : i32
    return %c0_i32, %c0_i32_0 : i32, i32
  }
  func.func @transform_3(%arg0: i32) -> (i32, i32) {
    %c0_i32 = arith.constant 0 : i32
    %c0_i32_0 = arith.constant 0 : i32
    %c0_i32_1 = arith.constant 0 : i32
    return %c0_i32, %c0_i32_0 : i32, i32
  }
  func.func @transform_4(%arg0: i32) -> (i32, i32) {
    %c0_i32 = arith.constant 0 : i32
    %c0_i32_0 = arith.constant 0 : i32
    %c0_i32_1 = arith.constant 0 : i32
    return %c0_i32, %c0_i32_0 : i32, i32
  }
  func.func @transform_5(%arg0: i32) -> (i32, i32) {
    %c0_i32 = arith.constant 0 : i32
    %c0_i32_0 = arith.constant 0 : i32
    %c0_i32_1 = arith.constant 0 : i32
    return %c0_i32, %c0_i32_0 : i32, i32
  }
  func.func @transform_6(%arg0: i32) -> (i32, i32) {
    %c0_i32 = arith.constant 0 : i32
    %c0_i32_0 = arith.constant 0 : i32
    return %arg0, %c0_i32 : i32, i32
  }
}

module attributes {stable_mosaic.version = 14 : i64} {
  func.func @_gru_body(%arg0: memref<2x10240x32xf32, #tpu.memory_space<vmem>>, %arg1: memref<2x10240x16xf32, #tpu.memory_space<vmem>>, %arg2: memref<10000x32xf32, #tpu.memory_space<vmem>>, %arg3: memref<32x32xf32, #tpu.memory_space<vmem>>, %arg4: memref<1x32xf32, #tpu.memory_space<vmem>>, %arg5: memref<32x96xf32, #tpu.memory_space<vmem>>, %arg6: memref<32x96xf32, #tpu.memory_space<vmem>>, %arg7: memref<1x96xf32, #tpu.memory_space<vmem>>, %arg8: memref<1x96xf32, #tpu.memory_space<vmem>>, %arg9: memref<10000x32xf32, #tpu.memory_space<vmem>>) attributes {dimension_semantics = [], scalar_prefetch = 0 : i64, scratch_operands = 0 : i64, tpu.core_type = #tpu.core_type<tc>} {
    %get3A = arith.constant 0 : index
    %get3A_0 = arith.constant 0 : index
    %get3A_1 = arith.constant 0 : index
    %get3A_2 = vector.load %arg0[%get3A, %get3A_0, %get3A_1] : memref<2x10240x32xf32, #tpu.memory_space<vmem>>, vector<1x10000x32xf32>
    %get3A_3 = vector.shape_cast %get3A_2 : vector<1x10000x32xf32> to vector<10000x32xf32>
    %get3A_4 = arith.constant 1 : index
    %get3A_5 = arith.constant 0 : index
    %get3A_6 = arith.constant 0 : index
    %get3A_7 = vector.load %arg0[%get3A_4, %get3A_5, %get3A_6] : memref<2x10240x32xf32, #tpu.memory_space<vmem>>, vector<1x10000x32xf32>
    %get3A_8 = vector.shape_cast %get3A_7 : vector<1x10000x32xf32> to vector<10000x32xf32>
    %add3A = arith.addf %get3A_3, %get3A_8 : vector<10000x32xf32>
    %get3A_9 = arith.constant 0 : index
    %get3A_10 = arith.constant 0 : index
    %get3A_11 = arith.constant 0 : index
    %get3A_12 = vector.load %arg1[%get3A_9, %get3A_10, %get3A_11] : memref<2x10240x16xf32, #tpu.memory_space<vmem>>, vector<1x10000x1xf32>
    %get3A_13 = vector.shape_cast %get3A_12 : vector<1x10000x1xf32> to vector<10000x1xf32>
    %get3A_14 = arith.constant 1 : index
    %get3A_15 = arith.constant 0 : index
    %get3A_16 = arith.constant 0 : index
    %get3A_17 = vector.load %arg1[%get3A_14, %get3A_15, %get3A_16] : memref<2x10240x16xf32, #tpu.memory_space<vmem>>, vector<1x10000x1xf32>
    %get3A_18 = vector.shape_cast %get3A_17 : vector<1x10000x1xf32> to vector<10000x1xf32>
    %add3A_19 = arith.addf %get3A_13, %get3A_18 : vector<10000x1xf32>
    %max3A = arith.constant 1.000000e+00 : f32
    %max3A_20 = vector.broadcast %max3A : f32 to vector<10000x1xf32>
    %max3A_21 = arith.maximumf %add3A_19, %max3A_20 : vector<10000x1xf32>
    %div3A = arith.constant 1.000000e+00 : f32
    %div3A_22 = vector.broadcast %div3A : f32 to vector<10000x1xf32>
    %div3A_23 = arith.divf %div3A_22, %max3A_21 : vector<10000x1xf32>
    %get3A_24 = arith.constant 0 : index
    %get3A_25 = arith.constant 0 : index
    %get3A_26 = vector.load %arg2[%get3A_24, %get3A_25] : memref<10000x32xf32, #tpu.memory_space<vmem>>, vector<10000x32xf32>
    %mul3A = vector.broadcast %div3A_23 : vector<10000x1xf32> to vector<10000x32xf32>
    %mul3A_27 = arith.mulf %add3A, %mul3A : vector<10000x32xf32>
    %get3A_28 = arith.constant 0 : index
    %get3A_29 = arith.constant 0 : index
    %get3A_30 = vector.load %arg3[%get3A_28, %get3A_29] : memref<32x32xf32, #tpu.memory_space<vmem>>, vector<32x32xf32>
    %dot_general3A = arith.constant dense<0.000000e+00> : vector<10000x32xf32>
    %dot_general3A_31 = tpu.matmul %get3A_26, %get3A_30, %dot_general3A {dimension_numbers = #tpu.dot_dimension_numbers<[1], [0], [0], [1], [0, 0, 1, 1], [], []>, transpose_lhs_hint = false} : vector<10000x32xf32>, vector<32x32xf32>, vector<10000x32xf32> -> vector<10000x32xf32>
    %add3A_32 = arith.addf %mul3A_27, %dot_general3A_31 : vector<10000x32xf32>
    %get3A_33 = arith.constant 0 : index
    %get3A_34 = arith.constant 0 : index
    %get3A_35 = vector.load %arg4[%get3A_33, %get3A_34] : memref<1x32xf32, #tpu.memory_space<vmem>>, vector<1x32xf32>
    %add3A_36 = vector.broadcast %get3A_35 : vector<1x32xf32> to vector<10000x32xf32>
    %add3A_37 = arith.addf %add3A_32, %add3A_36 : vector<10000x32xf32>
    %jit3A = arith.constant 0.00999999977 : f32
    %ge3A = arith.constant 0.000000e+00 : f32
    %ge3A_38 = vector.broadcast %ge3A : f32 to vector<10000x32xf32>
    %ge3A_39 = arith.cmpf oge, %add3A_37, %ge3A_38 : vector<10000x32xf32>
    %mul3A_40 = vector.broadcast %jit3A : f32 to vector<10000x32xf32>
    %mul3A_41 = arith.mulf %mul3A_40, %add3A_37 : vector<10000x32xf32>
    %select_n3A = arith.select %ge3A_39, %add3A_37, %mul3A_41 : vector<10000x32xi1>, vector<10000x32xf32>
    %get3A_42 = arith.constant 0 : index
    %get3A_43 = arith.constant 0 : index
    %get3A_44 = vector.load %arg5[%get3A_42, %get3A_43] : memref<32x96xf32, #tpu.memory_space<vmem>>, vector<32x96xf32>
    %dot_general3A_45 = arith.constant dense<0.000000e+00> : vector<10000x96xf32>
    %dot_general3A_46 = tpu.matmul %select_n3A, %get3A_44, %dot_general3A_45 {dimension_numbers = #tpu.dot_dimension_numbers<[1], [0], [0], [1], [0, 0, 1, 1], [], []>, transpose_lhs_hint = false} : vector<10000x32xf32>, vector<32x96xf32>, vector<10000x96xf32> -> vector<10000x96xf32>
    %get3A_47 = arith.constant 0 : index
    %get3A_48 = arith.constant 0 : index
    %get3A_49 = vector.load %arg7[%get3A_47, %get3A_48] : memref<1x96xf32, #tpu.memory_space<vmem>>, vector<1x96xf32>
    %add3A_50 = vector.broadcast %get3A_49 : vector<1x96xf32> to vector<10000x96xf32>
    %add3A_51 = arith.addf %dot_general3A_46, %add3A_50 : vector<10000x96xf32>
    %get3A_52 = arith.constant 0 : index
    %get3A_53 = arith.constant 0 : index
    %get3A_54 = vector.load %arg6[%get3A_52, %get3A_53] : memref<32x96xf32, #tpu.memory_space<vmem>>, vector<32x96xf32>
    %dot_general3A_55 = arith.constant dense<0.000000e+00> : vector<10000x96xf32>
    %dot_general3A_56 = tpu.matmul %get3A_26, %get3A_54, %dot_general3A_55 {dimension_numbers = #tpu.dot_dimension_numbers<[1], [0], [0], [1], [0, 0, 1, 1], [], []>, transpose_lhs_hint = false} : vector<10000x32xf32>, vector<32x96xf32>, vector<10000x96xf32> -> vector<10000x96xf32>
    %get3A_57 = arith.constant 0 : index
    %get3A_58 = arith.constant 0 : index
    %get3A_59 = vector.load %arg8[%get3A_57, %get3A_58] : memref<1x96xf32, #tpu.memory_space<vmem>>, vector<1x96xf32>
    %add3A_60 = vector.broadcast %get3A_59 : vector<1x96xf32> to vector<10000x96xf32>
    %add3A_61 = arith.addf %dot_general3A_56, %add3A_60 : vector<10000x96xf32>
    %slice3A = vector.extract_strided_slice %add3A_51 {offsets = [0, 0], sizes = [10000, 32], strides = [1, 1]} : vector<10000x96xf32> to vector<10000x32xf32>
    %slice3A_62 = vector.extract_strided_slice %add3A_61 {offsets = [0, 0], sizes = [10000, 32], strides = [1, 1]} : vector<10000x96xf32> to vector<10000x32xf32>
    %add3A_63 = arith.addf %slice3A, %slice3A_62 : vector<10000x32xf32>
    %logistic3A = arith.negf %add3A_63 : vector<10000x32xf32>
    %logistic3A_64 = math.exp %logistic3A : vector<10000x32xf32>
    %logistic3A_65 = arith.constant 1.000000e+00 : f32
    %logistic3A_66 = vector.broadcast %logistic3A_65 : f32 to vector<10000x32xf32>
    %logistic3A_67 = arith.addf %logistic3A_66, %logistic3A_64 : vector<10000x32xf32>
    %logistic3A_68 = arith.divf %logistic3A_66, %logistic3A_67 : vector<10000x32xf32>
    %slice3A_69 = vector.extract_strided_slice %add3A_51 {offsets = [0, 32], sizes = [10000, 32], strides = [1, 1]} : vector<10000x96xf32> to vector<10000x32xf32>
    %slice3A_70 = vector.extract_strided_slice %add3A_61 {offsets = [0, 32], sizes = [10000, 32], strides = [1, 1]} : vector<10000x96xf32> to vector<10000x32xf32>
    %add3A_71 = arith.addf %slice3A_69, %slice3A_70 : vector<10000x32xf32>
    %logistic3A_72 = arith.negf %add3A_71 : vector<10000x32xf32>
    %logistic3A_73 = math.exp %logistic3A_72 : vector<10000x32xf32>
    %logistic3A_74 = arith.constant 1.000000e+00 : f32
    %logistic3A_75 = vector.broadcast %logistic3A_74 : f32 to vector<10000x32xf32>
    %logistic3A_76 = arith.addf %logistic3A_75, %logistic3A_73 : vector<10000x32xf32>
    %logistic3A_77 = arith.divf %logistic3A_75, %logistic3A_76 : vector<10000x32xf32>
    %slice3A_78 = vector.extract_strided_slice %add3A_51 {offsets = [0, 64], sizes = [10000, 32], strides = [1, 1]} : vector<10000x96xf32> to vector<10000x32xf32>
    %slice3A_79 = vector.extract_strided_slice %add3A_61 {offsets = [0, 64], sizes = [10000, 32], strides = [1, 1]} : vector<10000x96xf32> to vector<10000x32xf32>
    %mul3A_80 = arith.mulf %logistic3A_68, %slice3A_79 : vector<10000x32xf32>
    %add3A_81 = arith.addf %slice3A_78, %mul3A_80 : vector<10000x32xf32>
    %tanh3A = math.tanh %add3A_81 : vector<10000x32xf32>
    %sub3A = arith.constant 1.000000e+00 : f32
    %sub3A_82 = vector.broadcast %sub3A : f32 to vector<10000x32xf32>
    %sub3A_83 = arith.subf %sub3A_82, %logistic3A_77 : vector<10000x32xf32>
    %mul3A_84 = arith.mulf %sub3A_83, %tanh3A : vector<10000x32xf32>
    %mul3A_85 = arith.mulf %logistic3A_77, %get3A_26 : vector<10000x32xf32>
    %add3A_86 = arith.addf %mul3A_84, %mul3A_85 : vector<10000x32xf32>
    %swap3A = arith.constant 0 : index
    %swap3A_87 = arith.constant 0 : index
    %swap3A_88 = vector.load %arg9[%swap3A, %swap3A_87] : memref<10000x32xf32, #tpu.memory_space<vmem>>, vector<10000x32xf32>
    tpu.vector_store %arg9[%swap3A, %swap3A_87], %add3A_86 {strides = array<i32>} : memref<10000x32xf32, #tpu.memory_space<vmem>>, vector<10000x32xf32>,
    return
  }
}

module attributes {stable_mosaic.version = 14 : i64} {
  func.func @_s2s_body(%arg0: memref<10000x32xf32, #tpu.memory_space<vmem>>, %arg1: memref<1x10000xf32, #tpu.memory_space<vmem>>, %arg2: memref<10000x1xf32, #tpu.memory_space<vmem>>, %arg3: memref<64x128xf32, #tpu.memory_space<vmem>>, %arg4: memref<32x128xf32, #tpu.memory_space<vmem>>, %arg5: memref<1x128xf32, #tpu.memory_space<vmem>>, %arg6: memref<1x128xf32, #tpu.memory_space<vmem>>, %arg7: memref<64x32xf32, #tpu.memory_space<vmem>>, %arg8: memref<1x32xf32, #tpu.memory_space<vmem>>, %arg9: memref<32x16xf32, #tpu.memory_space<vmem>>, %arg10: memref<1x16xf32, #tpu.memory_space<vmem>>, %arg11: memref<16x1xf32, #tpu.memory_space<vmem>>, %arg12: memref<1x1xf32, #tpu.memory_space<vmem>>, %arg13: memref<64x1xf32, #tpu.memory_space<vmem>>) attributes {dimension_semantics = [], scalar_prefetch = 0 : i64, scratch_operands = 0 : i64, tpu.core_type = #tpu.core_type<tc>} {
    %get3A = arith.constant 0 : index
    %get3A_0 = arith.constant 0 : index
    %get3A_1 = vector.load %arg0[%get3A, %get3A_0] : memref<10000x32xf32, #tpu.memory_space<vmem>>, vector<10000x32xf32>
    %iota3A = tpu.iota {dimensions = array<i32: 0>} : vector<64x10000xi32>
    %convert_element_type3A = arith.sitofp %iota3A : vector<64x10000xi32> to vector<64x10000xf32>
    %get3A_2 = arith.constant 0 : index
    %get3A_3 = arith.constant 0 : index
    %get3A_4 = vector.load %arg1[%get3A_2, %get3A_3] : memref<1x10000xf32, #tpu.memory_space<vmem>>, vector<1x10000xf32>
    %eq3A = vector.broadcast %get3A_4 : vector<1x10000xf32> to vector<64x10000xf32>
    %eq3A_5 = arith.cmpf oeq, %eq3A, %convert_element_type3A : vector<64x10000xf32>
    %convert_element_type3A_6 = arith.extui %eq3A_5 : vector<64x10000xi1> to vector<64x10000xi32>
    %convert_element_type3A_7 = arith.sitofp %convert_element_type3A_6 : vector<64x10000xi32> to vector<64x10000xf32>
    %iota3A_8 = tpu.iota {dimensions = array<i32: 1>} : vector<10000x64xi32>
    %convert_element_type3A_9 = arith.sitofp %iota3A_8 : vector<10000x64xi32> to vector<10000x64xf32>
    %get3A_10 = arith.constant 0 : index
    %get3A_11 = arith.constant 0 : index
    %get3A_12 = vector.load %arg2[%get3A_10, %get3A_11] : memref<10000x1xf32, #tpu.memory_space<vmem>>, vector<10000x1xf32>
    %eq3A_13 = vector.broadcast %get3A_12 : vector<10000x1xf32> to vector<10000x64xf32>
    %eq3A_14 = arith.cmpf oeq, %eq3A_13, %convert_element_type3A_9 : vector<10000x64xf32>
    %convert_element_type3A_15 = arith.extui %eq3A_14 : vector<10000x64xi1> to vector<10000x64xi32>
    %convert_element_type3A_16 = arith.sitofp %convert_element_type3A_15 : vector<10000x64xi32> to vector<10000x64xf32>
    %broadcast_in_dim3A = arith.constant 0.000000e+00 : f32
    %broadcast_in_dim3A_17 = vector.broadcast %broadcast_in_dim3A : f32 to vector<64x64xf32>
    %broadcast_in_dim3A_18 = arith.constant 0.000000e+00 : f32
    %broadcast_in_dim3A_19 = vector.broadcast %broadcast_in_dim3A_18 : f32 to vector<64x32xf32>
    %broadcast_in_dim3A_20 = arith.constant 0.000000e+00 : f32
    %broadcast_in_dim3A_21 = vector.broadcast %broadcast_in_dim3A_20 : f32 to vector<64x32xf32>
    %get3A_22 = arith.constant 0 : index
    %get3A_23 = arith.constant 0 : index
    %get3A_24 = vector.load %arg3[%get3A_22, %get3A_23] : memref<64x128xf32, #tpu.memory_space<vmem>>, vector<64x128xf32>
    %dot_general3A = arith.constant dense<0.000000e+00> : vector<64x128xf32>
    %dot_general3A_25 = tpu.matmul %broadcast_in_dim3A_17, %get3A_24, %dot_general3A {dimension_numbers = #tpu.dot_dimension_numbers<[1], [0], [0], [1], [0, 0, 1, 1], [], []>, transpose_lhs_hint = false} : vector<64x64xf32>, vector<64x128xf32>, vector<64x128xf32> -> vector<64x128xf32>
    %get3A_26 = arith.constant 0 : index
    %get3A_27 = arith.constant 0 : index
    %get3A_28 = vector.load %arg5[%get3A_26, %get3A_27] : memref<1x128xf32, #tpu.memory_space<vmem>>, vector<1x128xf32>
    %add3A = vector.broadcast %get3A_28 : vector<1x128xf32> to vector<64x128xf32>
    %add3A_29 = arith.addf %dot_general3A_25, %add3A : vector<64x128xf32>
    %get3A_30 = arith.constant 0 : index
    %get3A_31 = arith.constant 0 : index
    %get3A_32 = vector.load %arg4[%get3A_30, %get3A_31] : memref<32x128xf32, #tpu.memory_space<vmem>>, vector<32x128xf32>
    %dot_general3A_33 = arith.constant dense<0.000000e+00> : vector<64x128xf32>
    %dot_general3A_34 = tpu.matmul %broadcast_in_dim3A_19, %get3A_32, %dot_general3A_33 {dimension_numbers = #tpu.dot_dimension_numbers<[1], [0], [0], [1], [0, 0, 1, 1], [], []>, transpose_lhs_hint = false} : vector<64x32xf32>, vector<32x128xf32>, vector<64x128xf32> -> vector<64x128xf32>
    %add3A_35 = arith.addf %add3A_29, %dot_general3A_34 : vector<64x128xf32>
    %get3A_36 = arith.constant 0 : index
    %get3A_37 = arith.constant 0 : index
    %get3A_38 = vector.load %arg6[%get3A_36, %get3A_37] : memref<1x128xf32, #tpu.memory_space<vmem>>, vector<1x128xf32>
    %add3A_39 = vector.broadcast %get3A_38 : vector<1x128xf32> to vector<64x128xf32>
    %add3A_40 = arith.addf %add3A_35, %add3A_39 : vector<64x128xf32>
    %slice3A = vector.extract_strided_slice %add3A_40 {offsets = [0, 0], sizes = [64, 32], strides = [1, 1]} : vector<64x128xf32> to vector<64x32xf32>
    %logistic3A = arith.negf %slice3A : vector<64x32xf32>
    %logistic3A_41 = math.exp %logistic3A : vector<64x32xf32>
    %logistic3A_42 = arith.constant 1.000000e+00 : f32
    %logistic3A_43 = vector.broadcast %logistic3A_42 : f32 to vector<64x32xf32>
    %logistic3A_44 = arith.addf %logistic3A_43, %logistic3A_41 : vector<64x32xf32>
    %logistic3A_45 = arith.divf %logistic3A_43, %logistic3A_44 : vector<64x32xf32>
    %slice3A_46 = vector.extract_strided_slice %add3A_40 {offsets = [0, 32], sizes = [64, 32], strides = [1, 1]} : vector<64x128xf32> to vector<64x32xf32>
    %logistic3A_47 = arith.negf %slice3A_46 : vector<64x32xf32>
    %logistic3A_48 = math.exp %logistic3A_47 : vector<64x32xf32>
    %logistic3A_49 = arith.constant 1.000000e+00 : f32
    %logistic3A_50 = vector.broadcast %logistic3A_49 : f32 to vector<64x32xf32>
    %logistic3A_51 = arith.addf %logistic3A_50, %logistic3A_48 : vector<64x32xf32>
    %logistic3A_52 = arith.divf %logistic3A_50, %logistic3A_51 : vector<64x32xf32>
    %slice3A_53 = vector.extract_strided_slice %add3A_40 {offsets = [0, 64], sizes = [64, 32], strides = [1, 1]} : vector<64x128xf32> to vector<64x32xf32>
    %tanh3A = math.tanh %slice3A_53 : vector<64x32xf32>
    %slice3A_54 = vector.extract_strided_slice %add3A_40 {offsets = [0, 96], sizes = [64, 32], strides = [1, 1]} : vector<64x128xf32> to vector<64x32xf32>
    %logistic3A_55 = arith.negf %slice3A_54 : vector<64x32xf32>
    %logistic3A_56 = math.exp %logistic3A_55 : vector<64x32xf32>
    %logistic3A_57 = arith.constant 1.000000e+00 : f32
    %logistic3A_58 = vector.broadcast %logistic3A_57 : f32 to vector<64x32xf32>
    %logistic3A_59 = arith.addf %logistic3A_58, %logistic3A_56 : vector<64x32xf32>
    %logistic3A_60 = arith.divf %logistic3A_58, %logistic3A_59 : vector<64x32xf32>
    %mul3A = arith.mulf %logistic3A_52, %broadcast_in_dim3A_21 : vector<64x32xf32>
    %mul3A_61 = arith.mulf %logistic3A_45, %tanh3A : vector<64x32xf32>
    %add3A_62 = arith.addf %mul3A, %mul3A_61 : vector<64x32xf32>
    %tanh3A_63 = math.tanh %add3A_62 : vector<64x32xf32>
    %mul3A_64 = arith.mulf %logistic3A_60, %tanh3A_63 : vector<64x32xf32>
    %dot_general3A_65 = arith.constant dense<0.000000e+00> : vector<10000x32xf32>
    %dot_general3A_66 = tpu.matmul %convert_element_type3A_16, %mul3A_64, %dot_general3A_65 {dimension_numbers = #tpu.dot_dimension_numbers<[1], [0], [0], [1], [0, 0, 1, 1], [], []>, transpose_lhs_hint = false} : vector<10000x64xf32>, vector<64x32xf32>, vector<10000x32xf32> -> vector<10000x32xf32>
    %mul3A_67 = arith.mulf %get3A_1, %dot_general3A_66 : vector<10000x32xf32>
    %reduce_sum3A = arith.constant dense<0.000000e+00> : vector<10000xf32>
    %reduce_sum3A_68 = vector.multi_reduction <add>, %mul3A_67, %reduce_sum3A [1] : vector<10000x32xf32> to vector<10000xf32>
    %broadcast_in_dim3A_69 = vector.shape_cast %reduce_sum3A_68 : vector<10000xf32> to vector<10000x1xf32>
    %reduce_max3A = vector.shape_cast %broadcast_in_dim3A_69 : vector<10000x1xf32> to vector<1x10000x1xf32>
    %reduce_max3A_70 = arith.constant dense<0xFF800000> : vector<1xf32>
    %reduce_max3A_71 = vector.multi_reduction <maximumf>, %reduce_max3A, %reduce_max3A_70 [1, 2] : vector<1x10000x1xf32> to vector<1xf32>
    %reduce_max3A_72 = vector.shape_cast %reduce_max3A_71 : vector<1xf32> to vector<1x1x1xf32>
    %reduce_max3A_73 = vector.extract %reduce_max3A_72[0, 0, 0] : f32 from vector<1x1x1xf32>
    %sub3A = vector.broadcast %reduce_max3A_73 : f32 to vector<10000x1xf32>
    %sub3A_74 = arith.subf %broadcast_in_dim3A_69, %sub3A : vector<10000x1xf32>
    %exp3A = math.exp %sub3A_74 : vector<10000x1xf32>
    %mul3A_75 = vector.broadcast %exp3A : vector<10000x1xf32> to vector<10000x32xf32>
    %mul3A_76 = arith.mulf %mul3A_75, %get3A_1 : vector<10000x32xf32>
    %concatenate3A = tpu.concatenate %exp3A, %mul3A_76 in 1 : vector<10000x1xf32>, vector<10000x32xf32> -> vector<10000x33xf32>
    %dot_general3A_77 = arith.constant dense<0.000000e+00> : vector<64x33xf32>
    %dot_general3A_78 = tpu.matmul %convert_element_type3A_7, %concatenate3A, %dot_general3A_77 {dimension_numbers = #tpu.dot_dimension_numbers<[1], [0], [0], [1], [0, 0, 1, 1], [], []>, transpose_lhs_hint = false} : vector<64x10000xf32>, vector<10000x33xf32>, vector<64x33xf32> -> vector<64x33xf32>
    %slice3A_79 = vector.extract_strided_slice %dot_general3A_78 {offsets = [0, 1], sizes = [64, 32], strides = [1, 1]} : vector<64x33xf32> to vector<64x32xf32>
    %slice3A_80 = vector.extract_strided_slice %dot_general3A_78 {offsets = [0, 0], sizes = [64, 1], strides = [1, 1]} : vector<64x33xf32> to vector<64x1xf32>
    %max3A = arith.constant 1.000000e-30 : f32
    %max3A_81 = vector.broadcast %max3A : f32 to vector<64x1xf32>
    %max3A_82 = arith.maximumf %slice3A_80, %max3A_81 : vector<64x1xf32>
    %div3A = vector.broadcast %max3A_82 : vector<64x1xf32> to vector<64x32xf32>
    %div3A_83 = arith.divf %slice3A_79, %div3A : vector<64x32xf32>
    %concatenate3A_84 = tpu.concatenate %mul3A_64, %div3A_83 in 1 : vector<64x32xf32>, vector<64x32xf32> -> vector<64x64xf32>
    %get3A_85 = arith.constant 0 : index
    %get3A_86 = arith.constant 0 : index
    %get3A_87 = vector.load %arg3[%get3A_85, %get3A_86] : memref<64x128xf32, #tpu.memory_space<vmem>>, vector<64x128xf32>
    %dot_general3A_88 = arith.constant dense<0.000000e+00> : vector<64x128xf32>
    %dot_general3A_89 = tpu.matmul %concatenate3A_84, %get3A_87, %dot_general3A_88 {dimension_numbers = #tpu.dot_dimension_numbers<[1], [0], [0], [1], [0, 0, 1, 1], [], []>, transpose_lhs_hint = false} : vector<64x64xf32>, vector<64x128xf32>, vector<64x128xf32> -> vector<64x128xf32>
    %get3A_90 = arith.constant 0 : index
    %get3A_91 = arith.constant 0 : index
    %get3A_92 = vector.load %arg5[%get3A_90, %get3A_91] : memref<1x128xf32, #tpu.memory_space<vmem>>, vector<1x128xf32>
    %add3A_93 = vector.broadcast %get3A_92 : vector<1x128xf32> to vector<64x128xf32>
    %add3A_94 = arith.addf %dot_general3A_89, %add3A_93 : vector<64x128xf32>
    %get3A_95 = arith.constant 0 : index
    %get3A_96 = arith.constant 0 : index
    %get3A_97 = vector.load %arg4[%get3A_95, %get3A_96] : memref<32x128xf32, #tpu.memory_space<vmem>>, vector<32x128xf32>
    %dot_general3A_98 = arith.constant dense<0.000000e+00> : vector<64x128xf32>
    %dot_general3A_99 = tpu.matmul %mul3A_64, %get3A_97, %dot_general3A_98 {dimension_numbers = #tpu.dot_dimension_numbers<[1], [0], [0], [1], [0, 0, 1, 1], [], []>, transpose_lhs_hint = false} : vector<64x32xf32>, vector<32x128xf32>, vector<64x128xf32> -> vector<64x128xf32>
    %add3A_100 = arith.addf %add3A_94, %dot_general3A_99 : vector<64x128xf32>
    %get3A_101 = arith.constant 0 : index
    %get3A_102 = arith.constant 0 : index
    %get3A_103 = vector.load %arg6[%get3A_101, %get3A_102] : memref<1x128xf32, #tpu.memory_space<vmem>>, vector<1x128xf32>
    %add3A_104 = vector.broadcast %get3A_103 : vector<1x128xf32> to vector<64x128xf32>
    %add3A_105 = arith.addf %add3A_100, %add3A_104 : vector<64x128xf32>
    %slice3A_106 = vector.extract_strided_slice %add3A_105 {offsets = [0, 0], sizes = [64, 32], strides = [1, 1]} : vector<64x128xf32> to vector<64x32xf32>
    %logistic3A_107 = arith.negf %slice3A_106 : vector<64x32xf32>
    %logistic3A_108 = math.exp %logistic3A_107 : vector<64x32xf32>
    %logistic3A_109 = arith.constant 1.000000e+00 : f32
    %logistic3A_110 = vector.broadcast %logistic3A_109 : f32 to vector<64x32xf32>
    %logistic3A_111 = arith.addf %logistic3A_110, %logistic3A_108 : vector<64x32xf32>
    %logistic3A_112 = arith.divf %logistic3A_110, %logistic3A_111 : vector<64x32xf32>
    %slice3A_113 = vector.extract_strided_slice %add3A_105 {offsets = [0, 32], sizes = [64, 32], strides = [1, 1]} : vector<64x128xf32> to vector<64x32xf32>
    %logistic3A_114 = arith.negf %slice3A_113 : vector<64x32xf32>
    %logistic3A_115 = math.exp %logistic3A_114 : vector<64x32xf32>
    %logistic3A_116 = arith.constant 1.000000e+00 : f32
    %logistic3A_117 = vector.broadcast %logistic3A_116 : f32 to vector<64x32xf32>
    %logistic3A_118 = arith.addf %logistic3A_117, %logistic3A_115 : vector<64x32xf32>
    %logistic3A_119 = arith.divf %logistic3A_117, %logistic3A_118 : vector<64x32xf32>
    %slice3A_120 = vector.extract_strided_slice %add3A_105 {offsets = [0, 64], sizes = [64, 32], strides = [1, 1]} : vector<64x128xf32> to vector<64x32xf32>
    %tanh3A_121 = math.tanh %slice3A_120 : vector<64x32xf32>
    %slice3A_122 = vector.extract_strided_slice %add3A_105 {offsets = [0, 96], sizes = [64, 32], strides = [1, 1]} : vector<64x128xf32> to vector<64x32xf32>
    %logistic3A_123 = arith.negf %slice3A_122 : vector<64x32xf32>
    %logistic3A_124 = math.exp %logistic3A_123 : vector<64x32xf32>
    %logistic3A_125 = arith.constant 1.000000e+00 : f32
    %logistic3A_126 = vector.broadcast %logistic3A_125 : f32 to vector<64x32xf32>
    %logistic3A_127 = arith.addf %logistic3A_126, %logistic3A_124 : vector<64x32xf32>
    %logistic3A_128 = arith.divf %logistic3A_126, %logistic3A_127 : vector<64x32xf32>
    %mul3A_129 = arith.mulf %logistic3A_119, %add3A_62 : vector<64x32xf32>
    %mul3A_130 = arith.mulf %logistic3A_112, %tanh3A_121 : vector<64x32xf32>
    %add3A_131 = arith.addf %mul3A_129, %mul3A_130 : vector<64x32xf32>
    %tanh3A_132 = math.tanh %add3A_131 : vector<64x32xf32>
    %mul3A_133 = arith.mulf %logistic3A_128, %tanh3A_132 : vector<64x32xf32>
    %dot_general3A_134 = arith.constant dense<0.000000e+00> : vector<10000x32xf32>
    %dot_general3A_135 = tpu.matmul %convert_element_type3A_16, %mul3A_133, %dot_general3A_134 {dimension_numbers = #tpu.dot_dimension_numbers<[1], [0], [0], [1], [0, 0, 1, 1], [], []>, transpose_lhs_hint = false} : vector<10000x64xf32>, vector<64x32xf32>, vector<10000x32xf32> -> vector<10000x32xf32>
    %mul3A_136 = arith.mulf %get3A_1, %dot_general3A_135 : vector<10000x32xf32>
    %reduce_sum3A_137 = arith.constant dense<0.000000e+00> : vector<10000xf32>
    %reduce_sum3A_138 = vector.multi_reduction <add>, %mul3A_136, %reduce_sum3A_137 [1] : vector<10000x32xf32> to vector<10000xf32>
    %broadcast_in_dim3A_139 = vector.shape_cast %reduce_sum3A_138 : vector<10000xf32> to vector<10000x1xf32>
    %reduce_max3A_140 = vector.shape_cast %broadcast_in_dim3A_139 : vector<10000x1xf32> to vector<1x10000x1xf32>
    %reduce_max3A_141 = arith.constant dense<0xFF800000> : vector<1xf32>
    %reduce_max3A_142 = vector.multi_reduction <maximumf>, %reduce_max3A_140, %reduce_max3A_141 [1, 2] : vector<1x10000x1xf32> to vector<1xf32>
    %reduce_max3A_143 = vector.shape_cast %reduce_max3A_142 : vector<1xf32> to vector<1x1x1xf32>
    %reduce_max3A_144 = vector.extract %reduce_max3A_143[0, 0, 0] : f32 from vector<1x1x1xf32>
    %sub3A_145 = vector.broadcast %reduce_max3A_144 : f32 to vector<10000x1xf32>
    %sub3A_146 = arith.subf %broadcast_in_dim3A_139, %sub3A_145 : vector<10000x1xf32>
    %exp3A_147 = math.exp %sub3A_146 : vector<10000x1xf32>
    %mul3A_148 = vector.broadcast %exp3A_147 : vector<10000x1xf32> to vector<10000x32xf32>
    %mul3A_149 = arith.mulf %mul3A_148, %get3A_1 : vector<10000x32xf32>
    %concatenate3A_150 = tpu.concatenate %exp3A_147, %mul3A_149 in 1 : vector<10000x1xf32>, vector<10000x32xf32> -> vector<10000x33xf32>
    %dot_general3A_151 = arith.constant dense<0.000000e+00> : vector<64x33xf32>
    %dot_general3A_152 = tpu.matmul %convert_element_type3A_7, %concatenate3A_150, %dot_general3A_151 {dimension_numbers = #tpu.dot_dimension_numbers<[1], [0], [0], [1], [0, 0, 1, 1], [], []>, transpose_lhs_hint = false} : vector<64x10000xf32>, vector<10000x33xf32>, vector<64x33xf32> -> vector<64x33xf32>
    %slice3A_153 = vector.extract_strided_slice %dot_general3A_152 {offsets = [0, 1], sizes = [64, 32], strides = [1, 1]} : vector<64x33xf32> to vector<64x32xf32>
    %slice3A_154 = vector.extract_strided_slice %dot_general3A_152 {offsets = [0, 0], sizes = [64, 1], strides = [1, 1]} : vector<64x33xf32> to vector<64x1xf32>
    %max3A_155 = arith.constant 1.000000e-30 : f32
    %max3A_156 = vector.broadcast %max3A_155 : f32 to vector<64x1xf32>
    %max3A_157 = arith.maximumf %slice3A_154, %max3A_156 : vector<64x1xf32>
    %div3A_158 = vector.broadcast %max3A_157 : vector<64x1xf32> to vector<64x32xf32>
    %div3A_159 = arith.divf %slice3A_153, %div3A_158 : vector<64x32xf32>
    %concatenate3A_160 = tpu.concatenate %mul3A_133, %div3A_159 in 1 : vector<64x32xf32>, vector<64x32xf32> -> vector<64x64xf32>
    %get3A_161 = arith.constant 0 : index
    %get3A_162 = arith.constant 0 : index
    %get3A_163 = vector.load %arg3[%get3A_161, %get3A_162] : memref<64x128xf32, #tpu.memory_space<vmem>>, vector<64x128xf32>
    %dot_general3A_164 = arith.constant dense<0.000000e+00> : vector<64x128xf32>
    %dot_general3A_165 = tpu.matmul %concatenate3A_160, %get3A_163, %dot_general3A_164 {dimension_numbers = #tpu.dot_dimension_numbers<[1], [0], [0], [1], [0, 0, 1, 1], [], []>, transpose_lhs_hint = false} : vector<64x64xf32>, vector<64x128xf32>, vector<64x128xf32> -> vector<64x128xf32>
    %get3A_166 = arith.constant 0 : index
    %get3A_167 = arith.constant 0 : index
    %get3A_168 = vector.load %arg5[%get3A_166, %get3A_167] : memref<1x128xf32, #tpu.memory_space<vmem>>, vector<1x128xf32>
    %add3A_169 = vector.broadcast %get3A_168 : vector<1x128xf32> to vector<64x128xf32>
    %add3A_170 = arith.addf %dot_general3A_165, %add3A_169 : vector<64x128xf32>
    %get3A_171 = arith.constant 0 : index
    %get3A_172 = arith.constant 0 : index
    %get3A_173 = vector.load %arg4[%get3A_171, %get3A_172] : memref<32x128xf32, #tpu.memory_space<vmem>>, vector<32x128xf32>
    %dot_general3A_174 = arith.constant dense<0.000000e+00> : vector<64x128xf32>
    %dot_general3A_175 = tpu.matmul %mul3A_133, %get3A_173, %dot_general3A_174 {dimension_numbers = #tpu.dot_dimension_numbers<[1], [0], [0], [1], [0, 0, 1, 1], [], []>, transpose_lhs_hint = false} : vector<64x32xf32>, vector<32x128xf32>, vector<64x128xf32> -> vector<64x128xf32>
    %add3A_176 = arith.addf %add3A_170, %dot_general3A_175 : vector<64x128xf32>
    %get3A_177 = arith.constant 0 : index
    %get3A_178 = arith.constant 0 : index
    %get3A_179 = vector.load %arg6[%get3A_177, %get3A_178] : memref<1x128xf32, #tpu.memory_space<vmem>>, vector<1x128xf32>
    %add3A_180 = vector.broadcast %get3A_179 : vector<1x128xf32> to vector<64x128xf32>
    %add3A_181 = arith.addf %add3A_176, %add3A_180 : vector<64x128xf32>
    %slice3A_182 = vector.extract_strided_slice %add3A_181 {offsets = [0, 0], sizes = [64, 32], strides = [1, 1]} : vector<64x128xf32> to vector<64x32xf32>
    %logistic3A_183 = arith.negf %slice3A_182 : vector<64x32xf32>
    %logistic3A_184 = math.exp %logistic3A_183 : vector<64x32xf32>
    %logistic3A_185 = arith.constant 1.000000e+00 : f32
    %logistic3A_186 = vector.broadcast %logistic3A_185 : f32 to vector<64x32xf32>
    %logistic3A_187 = arith.addf %logistic3A_186, %logistic3A_184 : vector<64x32xf32>
    %logistic3A_188 = arith.divf %logistic3A_186, %logistic3A_187 : vector<64x32xf32>
    %slice3A_189 = vector.extract_strided_slice %add3A_181 {offsets = [0, 32], sizes = [64, 32], strides = [1, 1]} : vector<64x128xf32> to vector<64x32xf32>
    %logistic3A_190 = arith.negf %slice3A_189 : vector<64x32xf32>
    %logistic3A_191 = math.exp %logistic3A_190 : vector<64x32xf32>
    %logistic3A_192 = arith.constant 1.000000e+00 : f32
    %logistic3A_193 = vector.broadcast %logistic3A_192 : f32 to vector<64x32xf32>
    %logistic3A_194 = arith.addf %logistic3A_193, %logistic3A_191 : vector<64x32xf32>
    %logistic3A_195 = arith.divf %logistic3A_193, %logistic3A_194 : vector<64x32xf32>
    %slice3A_196 = vector.extract_strided_slice %add3A_181 {offsets = [0, 64], sizes = [64, 32], strides = [1, 1]} : vector<64x128xf32> to vector<64x32xf32>
    %tanh3A_197 = math.tanh %slice3A_196 : vector<64x32xf32>
    %slice3A_198 = vector.extract_strided_slice %add3A_181 {offsets = [0, 96], sizes = [64, 32], strides = [1, 1]} : vector<64x128xf32> to vector<64x32xf32>
    %logistic3A_199 = arith.negf %slice3A_198 : vector<64x32xf32>
    %logistic3A_200 = math.exp %logistic3A_199 : vector<64x32xf32>
    %logistic3A_201 = arith.constant 1.000000e+00 : f32
    %logistic3A_202 = vector.broadcast %logistic3A_201 : f32 to vector<64x32xf32>
    %logistic3A_203 = arith.addf %logistic3A_202, %logistic3A_200 : vector<64x32xf32>
    %logistic3A_204 = arith.divf %logistic3A_202, %logistic3A_203 : vector<64x32xf32>
    %mul3A_205 = arith.mulf %logistic3A_195, %add3A_131 : vector<64x32xf32>
    %mul3A_206 = arith.mulf %logistic3A_188, %tanh3A_197 : vector<64x32xf32>
    %add3A_207 = arith.addf %mul3A_205, %mul3A_206 : vector<64x32xf32>
    %tanh3A_208 = math.tanh %add3A_207 : vector<64x32xf32>
    %mul3A_209 = arith.mulf %logistic3A_204, %tanh3A_208 : vector<64x32xf32>
    %dot_general3A_210 = arith.constant dense<0.000000e+00> : vector<10000x32xf32>
    %dot_general3A_211 = tpu.matmul %convert_element_type3A_16, %mul3A_209, %dot_general3A_210 {dimension_numbers = #tpu.dot_dimension_numbers<[1], [0], [0], [1], [0, 0, 1, 1], [], []>, transpose_lhs_hint = false} : vector<10000x64xf32>, vector<64x32xf32>, vector<10000x32xf32> -> vector<10000x32xf32>
    %mul3A_212 = arith.mulf %get3A_1, %dot_general3A_211 : vector<10000x32xf32>
    %reduce_sum3A_213 = arith.constant dense<0.000000e+00> : vector<10000xf32>
    %reduce_sum3A_214 = vector.multi_reduction <add>, %mul3A_212, %reduce_sum3A_213 [1] : vector<10000x32xf32> to vector<10000xf32>
    %broadcast_in_dim3A_215 = vector.shape_cast %reduce_sum3A_214 : vector<10000xf32> to vector<10000x1xf32>
    %reduce_max3A_216 = vector.shape_cast %broadcast_in_dim3A_215 : vector<10000x1xf32> to vector<1x10000x1xf32>
    %reduce_max3A_217 = arith.constant dense<0xFF800000> : vector<1xf32>
    %reduce_max3A_218 = vector.multi_reduction <maximumf>, %reduce_max3A_216, %reduce_max3A_217 [1, 2] : vector<1x10000x1xf32> to vector<1xf32>
    %reduce_max3A_219 = vector.shape_cast %reduce_max3A_218 : vector<1xf32> to vector<1x1x1xf32>
    %reduce_max3A_220 = vector.extract %reduce_max3A_219[0, 0, 0] : f32 from vector<1x1x1xf32>
    %sub3A_221 = vector.broadcast %reduce_max3A_220 : f32 to vector<10000x1xf32>
    %sub3A_222 = arith.subf %broadcast_in_dim3A_215, %sub3A_221 : vector<10000x1xf32>
    %exp3A_223 = math.exp %sub3A_222 : vector<10000x1xf32>
    %mul3A_224 = vector.broadcast %exp3A_223 : vector<10000x1xf32> to vector<10000x32xf32>
    %mul3A_225 = arith.mulf %mul3A_224, %get3A_1 : vector<10000x32xf32>
    %concatenate3A_226 = tpu.concatenate %exp3A_223, %mul3A_225 in 1 : vector<10000x1xf32>, vector<10000x32xf32> -> vector<10000x33xf32>
    %dot_general3A_227 = arith.constant dense<0.000000e+00> : vector<64x33xf32>
    %dot_general3A_228 = tpu.matmul %convert_element_type3A_7, %concatenate3A_226, %dot_general3A_227 {dimension_numbers = #tpu.dot_dimension_numbers<[1], [0], [0], [1], [0, 0, 1, 1], [], []>, transpose_lhs_hint = false} : vector<64x10000xf32>, vector<10000x33xf32>, vector<64x33xf32> -> vector<64x33xf32>
    %slice3A_229 = vector.extract_strided_slice %dot_general3A_228 {offsets = [0, 1], sizes = [64, 32], strides = [1, 1]} : vector<64x33xf32> to vector<64x32xf32>
    %slice3A_230 = vector.extract_strided_slice %dot_general3A_228 {offsets = [0, 0], sizes = [64, 1], strides = [1, 1]} : vector<64x33xf32> to vector<64x1xf32>
    %max3A_231 = arith.constant 1.000000e-30 : f32
    %max3A_232 = vector.broadcast %max3A_231 : f32 to vector<64x1xf32>
    %max3A_233 = arith.maximumf %slice3A_230, %max3A_232 : vector<64x1xf32>
    %div3A_234 = vector.broadcast %max3A_233 : vector<64x1xf32> to vector<64x32xf32>
    %div3A_235 = arith.divf %slice3A_229, %div3A_234 : vector<64x32xf32>
    %concatenate3A_236 = tpu.concatenate %mul3A_209, %div3A_235 in 1 : vector<64x32xf32>, vector<64x32xf32> -> vector<64x64xf32>
    %get3A_237 = arith.constant 0 : index
    %get3A_238 = arith.constant 0 : index
    %get3A_239 = vector.load %arg7[%get3A_237, %get3A_238] : memref<64x32xf32, #tpu.memory_space<vmem>>, vector<64x32xf32>
    %dot_general3A_240 = arith.constant dense<0.000000e+00> : vector<64x32xf32>
    %dot_general3A_241 = tpu.matmul %concatenate3A_236, %get3A_239, %dot_general3A_240 {dimension_numbers = #tpu.dot_dimension_numbers<[1], [0], [0], [1], [0, 0, 1, 1], [], []>, transpose_lhs_hint = false} : vector<64x64xf32>, vector<64x32xf32>, vector<64x32xf32> -> vector<64x32xf32>
    %get3A_242 = arith.constant 0 : index
    %get3A_243 = arith.constant 0 : index
    %get3A_244 = vector.load %arg8[%get3A_242, %get3A_243] : memref<1x32xf32, #tpu.memory_space<vmem>>, vector<1x32xf32>
    %add3A_245 = vector.broadcast %get3A_244 : vector<1x32xf32> to vector<64x32xf32>
    %add3A_246 = arith.addf %dot_general3A_241, %add3A_245 : vector<64x32xf32>
    %jit3A = arith.constant 0.00999999977 : f32
    %ge3A = arith.constant 0.000000e+00 : f32
    %ge3A_247 = vector.broadcast %ge3A : f32 to vector<64x32xf32>
    %ge3A_248 = arith.cmpf oge, %add3A_246, %ge3A_247 : vector<64x32xf32>
    %mul3A_249 = vector.broadcast %jit3A : f32 to vector<64x32xf32>
    %mul3A_250 = arith.mulf %mul3A_249, %add3A_246 : vector<64x32xf32>
    %select_n3A = arith.select %ge3A_248, %add3A_246, %mul3A_250 : vector<64x32xi1>, vector<64x32xf32>
    %get3A_251 = arith.constant 0 : index
    %get3A_252 = arith.constant 0 : index
    %get3A_253 = vector.load %arg9[%get3A_251, %get3A_252] : memref<32x16xf32, #tpu.memory_space<vmem>>, vector<32x16xf32>
    %dot_general3A_254 = arith.constant dense<0.000000e+00> : vector<64x16xf32>
    %dot_general3A_255 = tpu.matmul %select_n3A, %get3A_253, %dot_general3A_254 {dimension_numbers = #tpu.dot_dimension_numbers<[1], [0], [0], [1], [0, 0, 1, 1], [], []>, transpose_lhs_hint = false} : vector<64x32xf32>, vector<32x16xf32>, vector<64x16xf32> -> vector<64x16xf32>
    %get3A_256 = arith.constant 0 : index
    %get3A_257 = arith.constant 0 : index
    %get3A_258 = vector.load %arg10[%get3A_256, %get3A_257] : memref<1x16xf32, #tpu.memory_space<vmem>>, vector<1x16xf32>
    %add3A_259 = vector.broadcast %get3A_258 : vector<1x16xf32> to vector<64x16xf32>
    %add3A_260 = arith.addf %dot_general3A_255, %add3A_259 : vector<64x16xf32>
    %jit3A_261 = arith.constant 0.00999999977 : f32
    %ge3A_262 = arith.constant 0.000000e+00 : f32
    %ge3A_263 = vector.broadcast %ge3A_262 : f32 to vector<64x16xf32>
    %ge3A_264 = arith.cmpf oge, %add3A_260, %ge3A_263 : vector<64x16xf32>
    %mul3A_265 = vector.broadcast %jit3A_261 : f32 to vector<64x16xf32>
    %mul3A_266 = arith.mulf %mul3A_265, %add3A_260 : vector<64x16xf32>
    %select_n3A_267 = arith.select %ge3A_264, %add3A_260, %mul3A_266 : vector<64x16xi1>, vector<64x16xf32>
    %get3A_268 = arith.constant 0 : index
    %get3A_269 = arith.constant 0 : index
    %get3A_270 = vector.load %arg11[%get3A_268, %get3A_269] : memref<16x1xf32, #tpu.memory_space<vmem>>, vector<16x1xf32>
    %dot_general3A_271 = arith.constant dense<0.000000e+00> : vector<64x1xf32>
    %dot_general3A_272 = tpu.matmul %select_n3A_267, %get3A_270, %dot_general3A_271 {dimension_numbers = #tpu.dot_dimension_numbers<[1], [0], [0], [1], [0, 0, 1, 1], [], []>, transpose_lhs_hint = false} : vector<64x16xf32>, vector<16x1xf32>, vector<64x1xf32> -> vector<64x1xf32>
    %get3A_273 = arith.constant 0 : index
    %get3A_274 = arith.constant 0 : index
    %get3A_275 = vector.load %arg12[%get3A_273, %get3A_274] : memref<1x1xf32, #tpu.memory_space<vmem>>, vector<1x1xf32>
    %add3A_276 = vector.broadcast %get3A_275 : vector<1x1xf32> to vector<64x1xf32>
    %add3A_277 = arith.addf %dot_general3A_272, %add3A_276 : vector<64x1xf32>
    %swap3A = arith.constant 0 : index
    %swap3A_278 = arith.constant 0 : index
    %swap3A_279 = vector.load %arg13[%swap3A, %swap3A_278] : memref<64x1xf32, #tpu.memory_space<vmem>>, vector<64x1xf32>
    tpu.vector_store %arg13[%swap3A, %swap3A_278], %add3A_277 {strides = array<i32>} : memref<64x1xf32, #tpu.memory_space<vmem>>, vector<64x1xf32>,
    return
  }
}

</mosaic_0001>

<sc_bundles>
// kernel: kernel.22.cloned.1.call-start
scs
__scs_entry_jumppad:
0x0: {  	(pc) =	sbr.rel $0x88, $3  }
0x1: {  	(tag) =	ssettag $0x0;
	lr =	simm.s32 $0x1  }
0x2: {  	[smem:$0x3F7F] =	sst lr;
	_ =	strace $0xD0000000  }
0x3: {  	_ = 	snop  }
0x4: {  	_ = 	snop  }
0x5: {  	_ = 	snop  }
0x6: {  	_ = 	snop  }
0x7: {  	_ = 	snop  }
__scs_overlays_trampoline_lowered:
0x8: {  	[smem:$0x3F8E] =	sst s0  }
0x9: {  	[smem:$0x3F8F] =	sst s1  }
0xa: {  	[smem:$0x3F90] =	sst s2  }
0xb: {  	[smem:$0x3F91] =	sst s3  }
0xc: {  	[smem:$0x3F92] =	sst s4  }
0xd: {  	[smem:$0x3F93] =	sst s5  }
0xe: {  	[smem:$0x3F94] =	sst s6  }
0xf: {  	[smem:$0x3F95] =	sst s7  }
0x10: {  	[smem:$0x3F96] =	sst s8  }
0x11: {  	[smem:$0x3F97] =	sst s9;
	s0 =	simm.s32 @!p0 $0x0  }
0x12: {  	s1 =	sld [smem:$0x3F7D];
	s0 =	simm.s32 @p0 $0x1  }
0x13: {  	[smem:$0x3F98] =	sst s0;
	s0 =	simm.s32 @!p1 $0x0  }
0x14: {  	s2 =	sld [smem:$0x3F7C];
	s0 =	simm.s32 @p1 $0x1  }
0x15: {  	[smem:$0x3F99] =	sst s0;
	s0 =	simm.s32 @!p2 $0x0  }
0x16: {  	s3 =	sld [smem:$0x3FDB];
	s0 =	simm.s32 @p2 $0x1  }
0x17: {  	s4 =	simm.s32 $0x1BF5;
	[smem:$0x3F9B] =	sst s0  }
0x18: {  	s0 =	sld [smem:$0x3F7E];
	_ =	swait.ge [sflag:s4], $0x0  }
0x19: {  	s7 =	sld [smem:$0x3F7F]  }
0x1a: {  	s8 =	sadd.s32 $0xFFFFE003, lr  }
0x1b: {  	s9 =	sadd.s32 $0xFFFFFEF7, lr;
	s5 =	simm.s32 $0xFFFFFFFF;
	p2 =	slt.u32 s8, $0xFFFFF086  }
0x1c: {  	p1 =	slt.u32 s9, $0xF7A;
	s5 =	simm.s32 @!p2 $0x0  }
0x1d: {  	s5 =	simm.s32 @p1 $0x1;
	p0 =	seq.s32 s7, s2  }
0x1e: {  	s7 =	smul.u32 @!p0 $0xF7A, s2;
	p2 =	seq.s32 @!p0 s5, $0x0  }
0x1f: {  	s9 =	smul.u32 $0xF7A, s1;
	s8 =	simm.s32 @!p0 $0x1BF5;
	p2 =	por !p2, p0  }
0x20: {  	[sflag:s8] =	ssyncset.s32 @!p0 $0xFFFFF086;
	s6 =	sadd.s32 @!p0 s3, s7;
	s7 =	simm.s32 @!p0 $0x108  }
0x21: {  	s3 =	sadd.s32 s3, s9;
	s6 =	sadd.s32 @!p0 $0x88, s6;
	s7 =	simm.s32 @p2 $0x1082  }
0x22: {  	[simem:s7], [sflag:s8] =	dma.local @!p0 [hbm:s6], $0xF7A  }
0x23: {  	s9 =	sor.u32 $0xD0000000, s2;
	s6 =	simm.s32 $0x108;
	_ =	swait.ge @!p0 [sflag:s8], $0x0  }
0x24: {  	s3 =	sadd.s32 $0x88, s3;
	s6 =	simm.s32 @!p1 $0x1082;
	[sflag:s4] =	ssyncset.s32 $0xFFFFF086  }
0x25: {  	[simem:s6], [sflag:s4] =	dma.local [hbm:s3], $0xF7A  }
0x26: {  	[smem:$0x3F7F] =	sst s1;
	(tag) =	ssettag s2;
	_ =	strace s9  }
0x27: {  	s1 =	sld [smem:$0x3F8F]  }
0x28: {  	s2 =	sld [smem:$0x3F90]  }
0x29: {  	s4 =	sld [smem:$0x3F92]  }
0x2a: {  	p0 =	seq.s32 s5, $0x0;
	s5 =	sld [smem:$0x3F93]  }
0x2b: {  	s6 =	sld [smem:$0x3F94]  }
0x2c: {  	s7 =	sld [smem:$0x3F95]  }
0x2d: {  	s3 =	simm.s32 $0x108;
	s8 =	sld [smem:$0x3F96]  }
0x2e: {  	s3 =	simm.s32 @!p0 $0x1082;
	s9 =	sld [smem:$0x3F97]  }
0x2f: {  	lr =	sadd.s32 s0, s3;
	s0 =	sld [smem:$0x3F8E]  }
0x30: {  	s3 =	sld [smem:$0x3F91]  }
0x31: {  	[smem:$0x3F9A] =	sst s10  }
0x32: {  	s10 =	sld [smem:$0x3F98];
	_ =	sdelay $0x3  }
0x33: {  	p0 =	seq.s32 s10, $0x1;
	s10 =	sld [smem:$0x3F9A];
	_ =	sdelay $0x3  }
0x34: {  	[smem:$0x3F9A] =	sst s10  }
0x35: {  	s10 =	sld [smem:$0x3F99];
	_ =	sdelay $0x3  }
0x36: {  	p1 =	seq.s32 s10, $0x1;
	s10 =	sld [smem:$0x3F9A];
	_ =	sdelay $0x3  }
0x37: {  	[smem:$0x3F9A] =	sst s10  }
0x38: {  	s10 =	sld [smem:$0x3F9B]  }
0x39: {  	_ = 	snop;
	(pc) =	sbr.ind lr, $3  }
0x3a: {  	_ = 	snop  }
0x3b: {  	_ = 	snop  }
0x3c: {  	p2 =	seq.s32 s10, $0x1;
	s10 =	sld [smem:$0x3F9A]  }
0x3d: {  	_ =	shalt  }
0x3e: {  	_ =	shalt  }
0x3f: {  	_ =	shalt  }
0x40: {  	_ =	shalt  }
0x41: {  	_ =	shalt  }
0x42: {  	_ =	shalt  }
0x43: {  	_ =	shalt  }
0x44: {  	_ =	shalt  }
0x45: {  	_ =	shalt  }
0x46: {  	_ =	shalt  }
0x47: {  	_ =	shalt  }
0x48: {  	_ =	shalt  }
0x49: {  	_ =	shalt  }
0x4a: {  	_ =	shalt  }
0x4b: {  	_ =	shalt  }
0x4c: {  	_ =	shalt  }
0x4d: {  	_ =	shalt  }
0x4e: {  	_ =	shalt  }
0x4f: {  	_ =	shalt  }
0x50: {  	_ =	shalt  }
0x51: {  	_ =	shalt  }
0x52: {  	_ =	shalt  }
0x53: {  	_ =	shalt  }
0x54: {  	_ =	shalt  }
0x55: {  	_ =	shalt  }
0x56: {  	_ =	shalt  }
0x57: {  	_ =	shalt  }
0x58: {  	_ =	shalt  }
0x59: {  	_ =	shalt  }
0x5a: {  	_ =	shalt  }
0x5b: {  	_ =	shalt  }
0x5c: {  	_ =	shalt  }
0x5d: {  	_ =	shalt  }
0x5e: {  	_ =	shalt  }
0x5f: {  	_ =	shalt  }
0x60: {  	_ =	shalt  }
0x61: {  	_ =	shalt  }
0x62: {  	_ =	shalt  }
0x63: {  	_ =	shalt  }
0x64: {  	_ =	shalt  }
0x65: {  	_ =	shalt  }
0x66: {  	_ =	shalt  }
0x67: {  	_ =	shalt  }
0x68: {  	_ =	shalt  }
0x69: {  	_ =	shalt  }
0x6a: {  	_ =	shalt  }
0x6b: {  	_ =	shalt  }
0x6c: {  	_ =	shalt  }
0x6d: {  	_ =	shalt  }
0x6e: {  	_ =	shalt  }
0x6f: {  	_ =	shalt  }
0x70: {  	_ =	shalt  }
0x71: {  	_ =	shalt  }
0x72: {  	_ =	shalt  }
0x73: {  	_ =	shalt  }
0x74: {  	_ =	shalt  }
0x75: {  	_ =	shalt  }
0x76: {  	_ =	shalt  }
0x77: {  	_ =	shalt  }
0x78: {  	_ =	shalt  }
0x79: {  	_ =	shalt  }
0x7a: {  	_ =	shalt  }
0x7b: {  	_ =	shalt  }
0x7c: {  	_ =	shalt  }
0x7d: {  	_ =	shalt  }
0x7e: {  	_ =	shalt  }
0x7f: {  	_ =	shalt  }
0x80: {  	_ =	shalt  }
0x81: {  	_ =	shalt  }
0x82: {  	_ =	shalt  }
0x83: {  	_ =	shalt  }
0x84: {  	_ =	shalt  }
0x85: {  	_ =	shalt  }
0x86: {  	_ =	shalt  }
0x87: {  	_ =	shalt  }
.Lfunc_end0:
.L_simem_size_0:
called_computation_lowered:
.L_overlay_start_0:
0x88: {  	s2 =	sld [smem:$0x3FD9]  }
0x89: {  	s3 =	sld [smem:$0x3FFE];
	_ =	sdelay $0x1  }
0x8a: {  	s1 =	srdreg.scid  }
0x8b: {  	s0 =	sand.u32 $0x1, s1  }
0x8c: {  	s17 =	sshll.u32 s0, $0xA;
	s2 =	sadd.s32 s3, s2  }
0x8d: {  	s2 =	sadd.s32 s2, s17  }
0x8e: {  	[smem:$0x3FA6] =	sst s2  }
0x8f: {  	_ = 	snop  }
0x90: {  	(tm) =	ssettm $0x1  }
0x91: {  	s18 =	sld [smem:$0x3FFB];
	_ =	sdelay $0x3  }
0x92: {  	_ =	strace s18  }
0x93: {  	s2 =	sld [smem:$0x3FFC];
	_ =	sdelay $0x3  }
0x94: {  	_ =	strace s2  }
0x95: {  	s2 =	sld [smem:$0x3FFD];
	_ =	sdelay $0x3  }
0x96: {  	_ =	strace s2  }
0x97: {  	_ =	strace $0x8FFFFFFF  }
0x98: {  	s19 =	sld [smem:$0x3FDB];
	_ =	sdelay $0x1  }
0x99: {  	s20 =	simm.s32 $_scs_section_size  }
0x9a: {  	s4 =	simm.s32 $_size__tile_overlayer_lowered;
	s5 =	simm.s32 $_tile_overlayer_lowered  }
0x9b: {  	s6 =	simm.s32 $0x1BFF;
	s21 =	sshll.u32 s5, $0x1;
	s3 =	sadd.s32 s20, s19  }
0x9c: {  	s22 =	simm.s32 $0x0;
	s4 =	sshll.u32 s4, $0x1;
	s5 =	sadd.s32 s21, s3  }
0x9d: {  	[timem:s22], [sflag:s6] =	dma.local [hbm:s5], s4  }
0x9e: {  	_ =	swait.ge [sflag:s6], s4  }
0x9f: {  	s4 =	ssub.s32 $0x0, s4;
	[sflag:s6] =	ssyncset.done $0x0  }
0xa0: {  	[sflag:s6] =	ssyncadd.s32 s4;
	_ =	sdelay $0x1  }
0xa1: {  	s23 =	simm.s32 $0x1B8B  }
0xa2: {  	_ =	swait.ge [sflag:s23], $0x1  }
0xa3: {  	[sflag:s23] =	ssyncset.done $0x0  }
0xa4: {  	[sflag:s23] =	ssyncadd.s32 $0xFFFFFFFF  }
0xa5: {  	s4 =	sld [smem:$0x0]  }
0xa6: {  	s5 =	sand.u32 $0xFFFFFFFE, s1  }
0xa7: {  	p0 =	sne.s32 s1, s5  }
0xa8: {  	s5 =	sshll.u32 @p0 s5, $0xE  }
0xa9: {  	s5 =	sadd.s32 @p0 $0x11B8D, s5;
	s6 =	sshll.u32 @p0 s4, $0x11  }
0xaa: {  	s5 =	sor.u32 @p0 s6, s5  }
0xab: {  	[sflag:s5] =	ssyncadd.remote.s32 @p0 $0x1;
	_ =	sdelay $0x1  }
0xac: {  	s5 =	simm.s32 @p0 $0x1B8D  }
0xad: {  	_ =	swait.eq @p0 [sflag:s5], $0x1  }
0xae: {  	[sflag:s5] =	ssyncadd.s32 @p0 $0xFFFFFFFF  }
0xaf: {  	s6 =	sshll.u32 @!p0 s1, $0xE  }
0xb0: {  	s6 =	sor.u32 @!p0 $0x4000, s6;
	s5 =	simm.s32 @!p0 $0x1B8D  }
0xb1: {  	s4 =	sshll.u32 @!p0 s4, $0x11;
	s6 =	sadd.s32 @!p0 $0x11B8D, s6;
	_ =	swait.eq @!p0 [sflag:s5], $0x1  }
0xb2: {  	s4 =	sor.u32 @!p0 s4, s6;
	[sflag:s5] =	ssyncadd.s32 @!p0 $0xFFFFFFFF  }
0xb3: {  	s25 =	simm.s32 $0x1B8E;
	s24 =	sld [smem:$0x3FFE];
	[sflag:s4] =	ssyncadd.remote.s32 @!p0 $0x1  }
0xb4: {  	s26 =	simm.s32 $execute0_lowered;
	[smem:$0x3FD2] =	sst s25  }
0xb5: {  	s5 =	sshll.u32 s26, $0x1;
	_ =	strace $0x80000049;
	[dreg:$0x1] =	wrdreg $0xFFFFFFFF  }
0xb6: {  	s28 =	simm.s32 $_size_execute0_lowered;
	s3 =	sadd.s32 s3, s5;
	[dreg:$0x0] =	wrdreg $0x0  }
0xb7: {  	s5 =	sshll.u32 s28, $0x1;
	[dreg:$0x2] =	wrdreg s3  }
0xb8: {  	[dreg:$0x3] =	wrdreg s5  }
0xb9: {  	[dreg:$0x4] =	wrdreg $0xC0  }
0xba: {  	_ =	task [dreg:s22], $0x5FFFF  }
0xbb: {  	[dreg:$0x1] =	wrdreg $0xFFFFFFFF  }
0xbc: {  	[dreg:$0x0] =	wrdreg $0x60  }
0xbd: {  	[dreg:$0x2] =	wrdreg s24  }
0xbe: {  	[dreg:$0x3] =	wrdreg $0x8800  }
0xbf: {  	[dreg:$0x4] =	wrdreg $0x9  }
0xc0: {  	_ =	task.clear_ibuf [dreg:s22], $0x5FFFF;
	_ =	strace $0x90000049  }
0xc1: {  	s29 =	simm.s32 $0x9;
	_ =	strace $0x8000004B  }
0xc2: {  	_ =	swait.ge [sflag:s29], $0x1  }
0xc3: {  	[sflag:s29] =	ssyncadd.s32 $0xFFFFFFFF  }
0xc4: {  	_ =	strace $0x9000004B  }
0xc5: {  	_ =	sfence  }
0xc6: {  	s30 =	sld [smem:$0x0];
	_ =	sdelay $0x2  }
0xc7: {  	s31 =	sshll.u32 s1, $0xD;
	s1 =	sshrl.u32 s1, $0x2  }
0xc8: {  	s4 =	sand.u32 $0x4000, s31;
	s1 =	sadd.s32 s1, s30  }
0xc9: {  	s0 =	sor.u32 s4, s0;
	s1 =	sshll.u32 s1, $0x11  }
0xca: {  	s0 =	sor.u32 s1, s0  }
0xcb: {  	s0 =	sadd.s32 $0x8F2B, s0  }
0xcc: {  	[sflag:s0] =	ssyncadd.remote.s32 $0x1  }
0xcd: {  	_ =	sfence.sel $0xFFFF  }
0xce: {  	[dreg:$0x0] =	wrdreg $0xFFFFFFFF;
	(pc) =	sbr.abs _section_cstart, $3  }
0xcf: {  	[dreg:$0x1] =	wrdreg $0xFFFFFFFF  }
0xd0: {  	_ =	task.clear_ibuf [dreg:s22], $0x2FFFF;
	_ =	strace $0x9FFFFFFF  }
0xd1: {  	(tm) =	ssettm $0x7FFFFFFF  }
tec
execute0_lowered:
.L_overlay_start_1:
0x0: {  	(tag) =	ssettag $0x1  }
0x1: {  	s1 =	srdreg.scid;
	s5 =	rddreg [dreg:$0x0]  }
0x2: {  	s0 =	stileid.u32;
	s2 =	rddreg [dreg:$0x1];
	s3 =	simm.s32 $0x0  }
0x3: {  	s6 =	sand.u32 $0x1, s1;
	s7 =	smul.u32 $0x2800, s0;
	s1 =	rddreg [dreg:$0x2]  }
0x4: {  	s13 =	simm.s32 $0x0;
	[smem:$0x7FF] =	sst s3;
	s4 =	smul.u32 $0x1400, s6  }
0x5: {  	s31 =	sshll.u32 s0, $0x6;
	s8 =	smul.u32 $0x28000, s6;
	s6 =	ssub.s32 $0x2, s6  }
0x6: {  	_ =	strace $0x8000004A;
	s10 =	sshrl.u32 s7, $0x3;
	s30 =	sshrl.u32 s6, $0x1  }
0x7: {  	s12 =	sadd.s32 s7, s2;
	s4 =	sadd.s32 s4, s7;
	s8 =	sadd.s32 s7, s8  }
0x8: {  	s10 =	sadd.s32 s10, s5;
	s11 =	ssub.s32 s6, s30;
	s4 =	sshrl.u32 s4, $0x3  }
0x9: {  	s6 =	sor.u32 $0x1C01, s31;
	s8 =	sshrl.u32 s8, $0x3;
	s9 =	sadd.s32 s4, s5  }
0xa: {  	s4 =	sadd.s32 $0xBD600, s5;
	s8 =	sadd.s32 s8, s5;
	s5 =	sadd.s32 $0xB8600, s10  }
0xb: {  	s10 =	sshrl.u32 s12, $0x3;
	s12 =	simm.s32 $0x80;
	s7 =	sadd.s32 $0xBD800, s8  }
0xc: {  	s8 =	smax.u32 s11, $0x1;
	s9 =	sadd.s32 $0xB3600, s9;
	s11 =	simm.s32 $0x1  }
.LBB2_1:
0xd: {  	[spmem:s10], [sflag:s6] =	dma.local [hbm:s5], $0x500  }
0xe: {  	_ =	swait.ge [sflag:s11], $0x500  }
0xf: {  	[sflag:s11] =	ssyncset.done $0x0  }
0x10: {  	[sflag:s11] =	ssyncadd.s32 $0xFFFFFB00  }
0x11: {  	[tilespmem:s12], [sflag:$0x1] =	stream.linear.gather [hbm4b:s4+s3], $0x800, $0x38;
	[tilespmem:$0x3080] =	vst v63  }
0x12: {  	_ =	swait.ge [sflag:s11], $0x800  }
0x13: {  	[sflag:s11] =	ssyncset.done $0x0  }
0x14: {  	[sflag:s11] =	ssyncadd.s32 $0xFFFFF800  }
0x15: {  	s14 =	sadd.s32 $0x0, s9;
	[bflag:$0x0] =	sbarrier.arrive $0xFFFF  }
0x16: {  	[tilespmem:s3], [sflag:$0x1] =	stream.linear.gather [hbm4b:s14+s3], $0x80, $0x38;
	[tilespmem:$0x3080] =	vst v63  }
0x17: {  	_ =	swait.ge [sflag:s11], $0x80  }
0x18: {  	[sflag:s11] =	ssyncset.done $0x0  }
0x19: {  	[sflag:s11] =	ssyncadd.s32 $0xFFFFFF80  }
0x1a: {  	[spmem:s2] =	stream.indirect.scatter.add.f32 [tilespmem:s12], [sflag:$0x1], $0x10, s3, s12, $0xb8;
	[tilespmem:$0x3080] =	vst v63  }
0x1b: {  	_ =	swait.ge [sflag:s11], $0x800  }
0x1c: {  	s15 =	simm.s32 $0x20;
	s14 =	simm.s32 $0x10;
	[sflag:s11] =	ssyncset.done $0x0  }
.LBB2_2:
0x1d: {  	s16 =	sadd.s32 s14, s9  }
0x1e: {  	[sflag:s11] =	ssyncadd.s32 $0xFFFFF800;
	s14 =	smov.u32 s15;
	s17 =	sadd.s32 $0x10, s15  }
0x1f: {  	[tilespmem:s3], [sflag:$0x1] =	stream.linear.gather [hbm4b:s16+s3], $0x80, $0x38;
	[tilespmem:$0x3080] =	vst v63  }
0x20: {  	p0 =	sne.s32 s15, $0x270;
	_ =	swait.ge [sflag:s11], $0x80  }
.Ltmp0:
0x21: {  	[sflag:s11] =	ssyncset.done $0x0;
	(pc) =	sbr.rel @p0 .LBB2_2-.Ltmp0, $4  }
0x22: {  	[sflag:s11] =	ssyncadd.s32 $0xFFFFFF80  }
0x23: {  	[spmem:s2] =	stream.indirect.scatter.add.f32 [tilespmem:s12], [sflag:$0x1], $0x10, s3, s12, $0xb8;
	[tilespmem:$0x3080] =	vst v63  }
0x24: {  	_ =	swait.ge [sflag:s11], $0x800  }
0x25: {  	s15 =	smov.u32 s17;
	[sflag:s11] =	ssyncset.done $0x0  }
0x26: {  	s14 =	sadd.s32 s14, s9;
	[sflag:s11] =	ssyncadd.s32 $0xFFFFF800  }
0x27: {  	[tilespmem:s3], [sflag:$0x1] =	stream.linear.gather [hbm4b:s14+s3], $0x80, $0x38;
	[tilespmem:$0x3080] =	vst v63  }
0x28: {  	_ =	swait.ge [sflag:s11], $0x80  }
0x29: {  	[sflag:s11] =	ssyncset.done $0x0  }
0x2a: {  	[sflag:s11] =	ssyncadd.s32 $0xFFFFFF80  }
0x2b: {  	[spmem:s2] =	stream.indirect.scatter.add.f32 [tilespmem:s12], [sflag:$0x1], $0x10, s3, s12, $0xb8;
	[tilespmem:$0x3080] =	vst v63  }
0x2c: {  	_ =	swait.ge [sflag:s11], $0x800  }
0x2d: {  	s13 =	sadd.s32 $0x1, s13;
	[sflag:s11] =	ssyncset.done $0x0  }
0x2e: {  	p0 =	sne.s32 s13, s8;
	[sflag:s11] =	ssyncadd.s32 $0xFFFFF800  }
.Ltmp1:
0x2f: {  	[bflag:$0x0] =	sbarrier.arrive $0xFFFF;
	(pc) =	sbr.rel @p0 .LBB2_1-.Ltmp1, $4  }
0x30: {  	[hbm:s7], [sflag:s6] =	dma.local [spmem:s10], $0x500  }
0x31: {  	_ =	swait.ge [sflag:s11], $0x500  }
0x32: {  	[sflag:s11] =	ssyncset.done $0x0  }
0x33: {  	[sflag:s11] =	ssyncadd.s32 $0xFFFFFB00  }
0x34: {  	_ =	sfence.sel $0x180000  }
0x35: {  	[bflag:$0x0] =	sbarrier.arrive $0xFFFF  }
0x36: {  	p0 =	sne.s32 s0, $0x0;
	_ =	strace $0x9000004A  }
0x37: {  	s0 =	sadd.s32 @!p0 $0x100000, s1;
	[bflag:$0x2] =	sbarrier.arrive $0xFFFF  }
0x38: {  	[sflag:s0] =	ssyncadd.tile.s32 @!p0 $0x1;
	_ =	shalt  }
.Lfunc_end2:
_tile_overlayer_lowered:
.L_overlay_start_2:
0x39: {  	(tag) =	ssettag $0x2  }
0x3a: {  	s0 =	rddreg [dreg:$0x0];
	s2 =	stileid.u32  }
0x3b: {  	s1 =	rddreg [dreg:$0x1];
	p0 =	sne.s32 s2, $0x0  }
0x3c: {  	s3 =	rddreg [dreg:$0x2];
	[bflag:$0x3] =	sbarrier.arrive $0xFFFF;
	s2 =	simm.s32 @!p0 $0x1C01  }
0x3d: {  	[timem:s3], [sflag:s2] =	dma.local @!p0 [hbm:s0], s1  }
0x3e: {  	s0 =	simm.s32 @!p0 $0x1  }
0x3f: {  	_ =	swait.ge @!p0 [sflag:s0], s1  }
0x40: {  	s1 =	ssub.s32 @!p0 $0x0, s1;
	[sflag:s0] =	ssyncset.done @!p0 $0x0  }
0x41: {  	[sflag:s0] =	ssyncadd.s32 @!p0 s1  }
0x42: {  	[bflag:$0x3] =	sbarrier.arrive $0xFFFF  }
0x43: {  	_ =	shalt  }

// kernel: kernel.25.cloned.1.call-start
scs
__scs_entry_jumppad:
0x0: {  	(pc) =	sbr.rel $0x88, $3  }
0x1: {  	(tag) =	ssettag $0x0;
	lr =	simm.s32 $0x1  }
0x2: {  	[smem:$0x3F7F] =	sst lr;
	_ =	strace $0xD0000000  }
0x3: {  	_ = 	snop  }
0x4: {  	_ = 	snop  }
0x5: {  	_ = 	snop  }
0x6: {  	_ = 	snop  }
0x7: {  	_ = 	snop  }
__scs_overlays_trampoline_lowered:
0x8: {  	[smem:$0x3F8E] =	sst s0  }
0x9: {  	[smem:$0x3F8F] =	sst s1  }
0xa: {  	[smem:$0x3F90] =	sst s2  }
0xb: {  	[smem:$0x3F91] =	sst s3  }
0xc: {  	[smem:$0x3F92] =	sst s4  }
0xd: {  	[smem:$0x3F93] =	sst s5  }
0xe: {  	[smem:$0x3F94] =	sst s6  }
0xf: {  	[smem:$0x3F95] =	sst s7  }
0x10: {  	[smem:$0x3F96] =	sst s8  }
0x11: {  	[smem:$0x3F97] =	sst s9;
	s0 =	simm.s32 @!p0 $0x0  }
0x12: {  	s1 =	sld [smem:$0x3F7D];
	s0 =	simm.s32 @p0 $0x1  }
0x13: {  	[smem:$0x3F98] =	sst s0;
	s0 =	simm.s32 @!p1 $0x0  }
0x14: {  	s2 =	sld [smem:$0x3F7C];
	s0 =	simm.s32 @p1 $0x1  }
0x15: {  	[smem:$0x3F99] =	sst s0;
	s0 =	simm.s32 @!p2 $0x0  }
0x16: {  	s3 =	sld [smem:$0x3FDB];
	s0 =	simm.s32 @p2 $0x1  }
0x17: {  	s4 =	simm.s32 $0x1BF5;
	[smem:$0x3F9B] =	sst s0  }
0x18: {  	s0 =	sld [smem:$0x3F7E];
	_ =	swait.ge [sflag:s4], $0x0  }
0x19: {  	s7 =	sld [smem:$0x3F7F]  }
0x1a: {  	s8 =	sadd.s32 $0xFFFFE003, lr  }
0x1b: {  	s9 =	sadd.s32 $0xFFFFFEF7, lr;
	s5 =	simm.s32 $0xFFFFFFFF;
	p2 =	slt.u32 s8, $0xFFFFF086  }
0x1c: {  	p1 =	slt.u32 s9, $0xF7A;
	s5 =	simm.s32 @!p2 $0x0  }
0x1d: {  	s5 =	simm.s32 @p1 $0x1;
	p0 =	seq.s32 s7, s2  }
0x1e: {  	s7 =	smul.u32 @!p0 $0xF7A, s2;
	p2 =	seq.s32 @!p0 s5, $0x0  }
0x1f: {  	s9 =	smul.u32 $0xF7A, s1;
	s8 =	simm.s32 @!p0 $0x1BF5;
	p2 =	por !p2, p0  }
0x20: {  	[sflag:s8] =	ssyncset.s32 @!p0 $0xFFFFF086;
	s6 =	sadd.s32 @!p0 s3, s7;
	s7 =	simm.s32 @!p0 $0x108  }
0x21: {  	s3 =	sadd.s32 s3, s9;
	s6 =	sadd.s32 @!p0 $0x88, s6;
	s7 =	simm.s32 @p2 $0x1082  }
0x22: {  	[simem:s7], [sflag:s8] =	dma.local @!p0 [hbm:s6], $0xF7A  }
0x23: {  	s9 =	sor.u32 $0xD0000000, s2;
	s6 =	simm.s32 $0x108;
	_ =	swait.ge @!p0 [sflag:s8], $0x0  }
0x24: {  	s3 =	sadd.s32 $0x88, s3;
	s6 =	simm.s32 @!p1 $0x1082;
	[sflag:s4] =	ssyncset.s32 $0xFFFFF086  }
0x25: {  	[simem:s6], [sflag:s4] =	dma.local [hbm:s3], $0xF7A  }
0x26: {  	[smem:$0x3F7F] =	sst s1;
	(tag) =	ssettag s2;
	_ =	strace s9  }
0x27: {  	s1 =	sld [smem:$0x3F8F]  }
0x28: {  	s2 =	sld [smem:$0x3F90]  }
0x29: {  	s4 =	sld [smem:$0x3F92]  }
0x2a: {  	p0 =	seq.s32 s5, $0x0;
	s5 =	sld [smem:$0x3F93]  }
0x2b: {  	s6 =	sld [smem:$0x3F94]  }
0x2c: {  	s7 =	sld [smem:$0x3F95]  }
0x2d: {  	s3 =	simm.s32 $0x108;
	s8 =	sld [smem:$0x3F96]  }
0x2e: {  	s3 =	simm.s32 @!p0 $0x1082;
	s9 =	sld [smem:$0x3F97]  }
0x2f: {  	lr =	sadd.s32 s0, s3;
	s0 =	sld [smem:$0x3F8E]  }
0x30: {  	s3 =	sld [smem:$0x3F91]  }
0x31: {  	[smem:$0x3F9A] =	sst s10  }
0x32: {  	s10 =	sld [smem:$0x3F98];
	_ =	sdelay $0x3  }
0x33: {  	p0 =	seq.s32 s10, $0x1;
	s10 =	sld [smem:$0x3F9A];
	_ =	sdelay $0x3  }
0x34: {  	[smem:$0x3F9A] =	sst s10  }
0x35: {  	s10 =	sld [smem:$0x3F99];
	_ =	sdelay $0x3  }
0x36: {  	p1 =	seq.s32 s10, $0x1;
	s10 =	sld [smem:$0x3F9A];
	_ =	sdelay $0x3  }
0x37: {  	[smem:$0x3F9A] =	sst s10  }
0x38: {  	s10 =	sld [smem:$0x3F9B]  }
0x39: {  	_ = 	snop;
	(pc) =	sbr.ind lr, $3  }
0x3a: {  	_ = 	snop  }
0x3b: {  	_ = 	snop  }
0x3c: {  	p2 =	seq.s32 s10, $0x1;
	s10 =	sld [smem:$0x3F9A]  }
0x3d: {  	_ =	shalt  }
0x3e: {  	_ =	shalt  }
0x3f: {  	_ =	shalt  }
0x40: {  	_ =	shalt  }
0x41: {  	_ =	shalt  }
0x42: {  	_ =	shalt  }
0x43: {  	_ =	shalt  }
0x44: {  	_ =	shalt  }
0x45: {  	_ =	shalt  }
0x46: {  	_ =	shalt  }
0x47: {  	_ =	shalt  }
0x48: {  	_ =	shalt  }
0x49: {  	_ =	shalt  }
0x4a: {  	_ =	shalt  }
0x4b: {  	_ =	shalt  }
0x4c: {  	_ =	shalt  }
0x4d: {  	_ =	shalt  }
0x4e: {  	_ =	shalt  }
0x4f: {  	_ =	shalt  }
0x50: {  	_ =	shalt  }
0x51: {  	_ =	shalt  }
0x52: {  	_ =	shalt  }
0x53: {  	_ =	shalt  }
0x54: {  	_ =	shalt  }
0x55: {  	_ =	shalt  }
0x56: {  	_ =	shalt  }
0x57: {  	_ =	shalt  }
0x58: {  	_ =	shalt  }
0x59: {  	_ =	shalt  }
0x5a: {  	_ =	shalt  }
0x5b: {  	_ =	shalt  }
0x5c: {  	_ =	shalt  }
0x5d: {  	_ =	shalt  }
0x5e: {  	_ =	shalt  }
0x5f: {  	_ =	shalt  }
0x60: {  	_ =	shalt  }
0x61: {  	_ =	shalt  }
0x62: {  	_ =	shalt  }
0x63: {  	_ =	shalt  }
0x64: {  	_ =	shalt  }
0x65: {  	_ =	shalt  }
0x66: {  	_ =	shalt  }
0x67: {  	_ =	shalt  }
0x68: {  	_ =	shalt  }
0x69: {  	_ =	shalt  }
0x6a: {  	_ =	shalt  }
0x6b: {  	_ =	shalt  }
0x6c: {  	_ =	shalt  }
0x6d: {  	_ =	shalt  }
0x6e: {  	_ =	shalt  }
0x6f: {  	_ =	shalt  }
0x70: {  	_ =	shalt  }
0x71: {  	_ =	shalt  }
0x72: {  	_ =	shalt  }
0x73: {  	_ =	shalt  }
0x74: {  	_ =	shalt  }
0x75: {  	_ =	shalt  }
0x76: {  	_ =	shalt  }
0x77: {  	_ =	shalt  }
0x78: {  	_ =	shalt  }
0x79: {  	_ =	shalt  }
0x7a: {  	_ =	shalt  }
0x7b: {  	_ =	shalt  }
0x7c: {  	_ =	shalt  }
0x7d: {  	_ =	shalt  }
0x7e: {  	_ =	shalt  }
0x7f: {  	_ =	shalt  }
0x80: {  	_ =	shalt  }
0x81: {  	_ =	shalt  }
0x82: {  	_ =	shalt  }
0x83: {  	_ =	shalt  }
0x84: {  	_ =	shalt  }
0x85: {  	_ =	shalt  }
0x86: {  	_ =	shalt  }
0x87: {  	_ =	shalt  }
.Lfunc_end0:
.L_simem_size_0:
called_computation.1_lowered:
.L_overlay_start_0:
0x88: {  	s2 =	sld [smem:$0x3FD9]  }
0x89: {  	s3 =	sld [smem:$0x3FFE];
	_ =	sdelay $0x1  }
0x8a: {  	s1 =	srdreg.scid  }
0x8b: {  	s0 =	sand.u32 $0x1, s1  }
0x8c: {  	s16 =	sshll.u32 s0, $0xA;
	s2 =	sadd.s32 s3, s2  }
0x8d: {  	s2 =	sadd.s32 s2, s16  }
0x8e: {  	[smem:$0x3FA6] =	sst s2  }
0x8f: {  	_ = 	snop  }
0x90: {  	(tm) =	ssettm $0x1  }
0x91: {  	s17 =	sld [smem:$0x3FFB];
	_ =	sdelay $0x3  }
0x92: {  	_ =	strace s17  }
0x93: {  	s2 =	sld [smem:$0x3FFC];
	_ =	sdelay $0x3  }
0x94: {  	_ =	strace s2  }
0x95: {  	s2 =	sld [smem:$0x3FFD];
	_ =	sdelay $0x3  }
0x96: {  	_ =	strace s2  }
0x97: {  	_ =	strace $0x8FFFFFFF  }
0x98: {  	s18 =	sld [smem:$0x3FDB];
	_ =	sdelay $0x1  }
0x99: {  	s19 =	simm.s32 $_scs_section_size  }
0x9a: {  	s4 =	simm.s32 $_size__tile_overlayer_lowered;
	s5 =	simm.s32 $_tile_overlayer_lowered  }
0x9b: {  	s22 =	simm.s32 $0x1BFF;
	s21 =	sshll.u32 s5, $0x1;
	s2 =	sadd.s32 s19, s18  }
0x9c: {  	s6 =	simm.s32 $0x0;
	s20 =	sshll.u32 s4, $0x1;
	s4 =	sadd.s32 s21, s2  }
0x9d: {  	[timem:s6], [sflag:s22] =	dma.local [hbm:s4], s20  }
0x9e: {  	_ =	swait.ge [sflag:s22], s20  }
0x9f: {  	s3 =	ssub.s32 $0x0, s20;
	[sflag:s22] =	ssyncset.done $0x0  }
0xa0: {  	[sflag:s22] =	ssyncadd.s32 s3;
	_ =	sdelay $0x1  }
0xa1: {  	s23 =	simm.s32 $0x1B8B  }
0xa2: {  	_ =	swait.ge [sflag:s23], $0x1  }
0xa3: {  	[sflag:s23] =	ssyncset.done $0x0  }
0xa4: {  	s25 =	simm.s32 $0x1B8E;
	s24 =	sld [smem:$0x3FFE];
	[sflag:s23] =	ssyncadd.s32 $0xFFFFFFFF  }
0xa5: {  	s26 =	simm.s32 $execute0_lowered;
	[smem:$0x3FD2] =	sst s25  }
0xa6: {  	s4 =	sshll.u32 s26, $0x1;
	_ =	strace $0x80000046;
	[dreg:$0x1] =	wrdreg $0xFFFFFFFF  }
0xa7: {  	s28 =	simm.s32 $_size_execute0_lowered;
	s2 =	sadd.s32 s2, s4;
	[dreg:$0x0] =	wrdreg $0x0  }
0xa8: {  	s4 =	sshll.u32 s28, $0x1;
	[dreg:$0x2] =	wrdreg s2  }
0xa9: {  	[dreg:$0x3] =	wrdreg s4  }
0xaa: {  	[dreg:$0x4] =	wrdreg $0xC0  }
0xab: {  	_ =	task [dreg:s6], $0x5FFFF  }
0xac: {  	[dreg:$0x1] =	wrdreg $0xFFFFFFFF  }
0xad: {  	[dreg:$0x0] =	wrdreg $0x60  }
0xae: {  	[dreg:$0x2] =	wrdreg s24  }
0xaf: {  	[dreg:$0x3] =	wrdreg $0xA  }
0xb0: {  	_ =	task.clear_ibuf [dreg:s6], $0x4FFFF;
	_ =	strace $0x90000046  }
0xb1: {  	s29 =	simm.s32 $0xA;
	_ =	strace $0x80000048  }
0xb2: {  	_ =	swait.ge [sflag:s29], $0x1  }
0xb3: {  	[sflag:s29] =	ssyncadd.s32 $0xFFFFFFFF  }
0xb4: {  	_ =	strace $0x90000048  }
0xb5: {  	_ =	sfence  }
0xb6: {  	s30 =	sld [smem:$0x0];
	_ =	sdelay $0x2  }
0xb7: {  	s31 =	sshll.u32 s1, $0xD;
	s1 =	sshrl.u32 s1, $0x2  }
0xb8: {  	s3 =	sand.u32 $0x4000, s31;
	s1 =	sadd.s32 s1, s30  }
0xb9: {  	s0 =	sor.u32 s3, s0;
	s1 =	sshll.u32 s1, $0x11  }
0xba: {  	s0 =	sor.u32 s1, s0  }
0xbb: {  	s0 =	sadd.s32 $0x8F2B, s0  }
0xbc: {  	[sflag:s0] =	ssyncadd.remote.s32 $0x1  }
0xbd: {  	_ =	sfence.sel $0xFFFF  }
0xbe: {  	[dreg:$0x0] =	wrdreg $0xFFFFFFFF;
	(pc) =	sbr.abs _section_cstart, $3  }
0xbf: {  	[dreg:$0x1] =	wrdreg $0xFFFFFFFF  }
0xc0: {  	_ =	task.clear_ibuf [dreg:s6], $0x2FFFF;
	_ =	strace $0x9FFFFFFF  }
0xc1: {  	(tm) =	ssettm $0x7FFFFFFF  }
tec
execute0_lowered:
.L_overlay_start_1:
0x0: {  	(tag) =	ssettag $0x1  }
0x1: {  	s4 =	rddreg [dreg:$0x0]  }
0x2: {  	s0 =	rddreg [dreg:$0x1];
	s2 =	simm.s32 $0x0;
	s1 =	stileid.u32  }
0x3: {  	s3 =	srdreg.scid;
	s10 =	simm.s32 $0x0;
	s6 =	smul.u32 $0x2800, s1  }
0x4: {  	[smem:$0x7FF] =	sst s2;
	s5 =	sand.u32 $0x1, s3;
	s8 =	smul.u32 $0xA000, s1  }
0x5: {  	s3 =	sadd.s32 $0x4800, s4;
	s7 =	smul.u32 $0x1400, s5;
	s9 =	ssub.s32 $0x2, s5  }
0x6: {  	_ =	strace $0x80000047;
	s5 =	smul.u32 $0x5000, s5;
	s31 =	sshrl.u32 s9, $0x1  }
0x7: {  	s8 =	sadd.s32 s8, s4;
	s6 =	sadd.s32 s7, s6;
	s7 =	ssub.s32 s9, s31  }
0x8: {  	s5 =	sadd.s32 s5, s8;
	s8 =	simm.s32 $0x80;
	s6 =	sshrl.u32 s6, $0x3  }
0x9: {  	s9 =	simm.s32 $0x1;
	s5 =	sadd.s32 $0x13600, s5;
	s6 =	sadd.s32 s6, s4  }
0xa: {  	s4 =	smax.u32 s7, $0x1;
	s7 =	simm.s32 $0x2;
	s6 =	sadd.s32 $0xE600, s6  }
.LBB2_1:
0xb: {  	s11 =	sadd.s32 $0x0, s6  }
0xc: {  	[tilespmem:s2], [sflag:$0x2] =	stream.linear.gather [hbm4b:s11+s2], $0x80, $0x38;
	[tilespmem:$0x1080] =	vst v63  }
0xd: {  	_ =	swait.ge [sflag:s7], $0x80  }
0xe: {  	[sflag:s7] =	ssyncset.done $0x0  }
0xf: {  	[sflag:s7] =	ssyncadd.s32 $0xFFFFFF80  }
0x10: {  	[tilespmem:s8], [sflag:$0x1] =	stream.indirect.gather [hbm4b:s3+s8], $0x20, s2, s8, $0xb8;
	[tilespmem:$0x1080] =	vst v63  }
0x11: {  	_ =	swait.ge [sflag:s9], $0x1000  }
0x12: {  	[sflag:s9] =	ssyncset.done $0x0  }
0x13: {  	[sflag:s9] =	ssyncadd.s32 $0xFFFFF000  }
0x14: {  	[hbm4b:s5+s2] =	stream.linear.scatter [tilespmem:s8], [sflag:$0x2], $0x1000, $0x38;
	[tilespmem:$0x1080] =	vst v63  }
0x15: {  	s12 =	simm.s32 $0x10;
	_ =	swait.ge [sflag:s7], $0x1000  }
0x16: {  	s13 =	simm.s32 $0x20;
	s11 =	sadd.s32 $0x200, s5;
	[sflag:s7] =	ssyncset.done $0x0  }
.LBB2_2:
0x17: {  	s14 =	sadd.s32 s12, s6  }
0x18: {  	[sflag:s7] =	ssyncadd.s32 $0xFFFFF000;
	s12 =	smov.u32 s13;
	s15 =	sadd.s32 $0x10, s13  }
0x19: {  	[tilespmem:s2], [sflag:$0x2] =	stream.linear.gather [hbm4b:s14+s2], $0x80, $0x38;
	[tilespmem:$0x1080] =	vst v63  }
0x1a: {  	p0 =	sne.s32 s13, $0x270;
	_ =	swait.ge [sflag:s7], $0x80  }
0x1b: {  	[sflag:s7] =	ssyncset.done $0x0  }
0x1c: {  	[sflag:s7] =	ssyncadd.s32 $0xFFFFFF80  }
0x1d: {  	[tilespmem:s8], [sflag:$0x1] =	stream.indirect.gather [hbm4b:s3+s8], $0x20, s2, s8, $0xb8;
	[tilespmem:$0x1080] =	vst v63  }
0x1e: {  	_ =	swait.ge [sflag:s9], $0x1000  }
.Ltmp0:
0x1f: {  	[sflag:s9] =	ssyncset.done $0x0;
	(pc) =	sbr.rel @p0 .LBB2_2-.Ltmp0, $4  }
0x20: {  	[sflag:s9] =	ssyncadd.s32 $0xFFFFF000  }
0x21: {  	[hbm4b:s11+s2] =	stream.linear.scatter [tilespmem:s8], [sflag:$0x2], $0x1000, $0x38;
	[tilespmem:$0x1080] =	vst v63  }
0x22: {  	_ =	swait.ge [sflag:s7], $0x1000  }
0x23: {  	s13 =	smov.u32 s15;
	s11 =	sadd.s32 $0x200, s11;
	[sflag:s7] =	ssyncset.done $0x0  }
0x24: {  	s12 =	sadd.s32 s12, s6;
	[sflag:s7] =	ssyncadd.s32 $0xFFFFF000  }
0x25: {  	[tilespmem:s2], [sflag:$0x2] =	stream.linear.gather [hbm4b:s12+s2], $0x80, $0x38;
	[tilespmem:$0x1080] =	vst v63  }
0x26: {  	_ =	swait.ge [sflag:s7], $0x80  }
0x27: {  	[sflag:s7] =	ssyncset.done $0x0  }
0x28: {  	[sflag:s7] =	ssyncadd.s32 $0xFFFFFF80  }
0x29: {  	[tilespmem:s8], [sflag:$0x1] =	stream.indirect.gather [hbm4b:s3+s8], $0x20, s2, s8, $0xb8;
	[tilespmem:$0x1080] =	vst v63  }
0x2a: {  	s10 =	sadd.s32 $0x1, s10;
	_ =	swait.ge [sflag:s9], $0x1000  }
0x2b: {  	p0 =	sne.s32 s10, s4;
	[sflag:s9] =	ssyncset.done $0x0  }
.Ltmp1:
0x2c: {  	[sflag:s9] =	ssyncadd.s32 $0xFFFFF000;
	(pc) =	sbr.rel @p0 .LBB2_1-.Ltmp1, $4  }
0x2d: {  	[hbm4b:s11+s2] =	stream.linear.scatter [tilespmem:s8], [sflag:$0x2], $0x1000, $0x38;
	[tilespmem:$0x1080] =	vst v63  }
0x2e: {  	_ =	swait.ge [sflag:s7], $0x1000  }
0x2f: {  	[sflag:s7] =	ssyncset.done $0x0  }
0x30: {  	[sflag:s7] =	ssyncadd.s32 $0xFFFFF000  }
0x31: {  	_ =	sfence.sel $0x180000  }
0x32: {  	[bflag:$0x0] =	sbarrier.arrive $0xFFFF  }
0x33: {  	p0 =	sne.s32 s1, $0x0;
	_ =	strace $0x90000047  }
0x34: {  	s0 =	sadd.s32 @!p0 $0x100000, s0;
	[bflag:$0x2] =	sbarrier.arrive $0xFFFF  }
0x35: {  	[sflag:s0] =	ssyncadd.tile.s32 @!p0 $0x1;
	_ =	shalt  }
.Lfunc_end2:
_tile_overlayer_lowered:
.L_overlay_start_2:
0x36: {  	(tag) =	ssettag $0x2  }
0x37: {  	s0 =	rddreg [dreg:$0x0];
	s2 =	stileid.u32  }
0x38: {  	s1 =	rddreg [dreg:$0x1];
	p0 =	sne.s32 s2, $0x0  }
0x39: {  	s3 =	rddreg [dreg:$0x2];
	[bflag:$0x3] =	sbarrier.arrive $0xFFFF;
	s2 =	simm.s32 @!p0 $0x1C02  }
0x3a: {  	[timem:s3], [sflag:s2] =	dma.local @!p0 [hbm:s0], s1  }
0x3b: {  	s0 =	simm.s32 @!p0 $0x2  }
0x3c: {  	_ =	swait.ge @!p0 [sflag:s0], s1  }
0x3d: {  	s1 =	ssub.s32 @!p0 $0x0, s1;
	[sflag:s0] =	ssyncset.done @!p0 $0x0  }
0x3e: {  	[sflag:s0] =	ssyncadd.s32 @!p0 s1  }
0x3f: {  	[bflag:$0x3] =	sbarrier.arrive $0xFFFF  }
0x40: {  	_ =	shalt  }

// kernel: kernel.28.cloned.1.call-start
scs
__scs_entry_jumppad:
0x0: {  	(pc) =	sbr.rel $0x88, $3  }
0x1: {  	(tag) =	ssettag $0x0;
	lr =	simm.s32 $0x1  }
0x2: {  	[smem:$0x3F7F] =	sst lr;
	_ =	strace $0xD0000000  }
0x3: {  	_ = 	snop  }
0x4: {  	_ = 	snop  }
0x5: {  	_ = 	snop  }
0x6: {  	_ = 	snop  }
0x7: {  	_ = 	snop  }
__scs_overlays_trampoline_lowered:
0x8: {  	[smem:$0x3F8E] =	sst s0  }
0x9: {  	[smem:$0x3F8F] =	sst s1  }
0xa: {  	[smem:$0x3F90] =	sst s2  }
0xb: {  	[smem:$0x3F91] =	sst s3  }
0xc: {  	[smem:$0x3F92] =	sst s4  }
0xd: {  	[smem:$0x3F93] =	sst s5  }
0xe: {  	[smem:$0x3F94] =	sst s6  }
0xf: {  	[smem:$0x3F95] =	sst s7  }
0x10: {  	[smem:$0x3F96] =	sst s8  }
0x11: {  	[smem:$0x3F97] =	sst s9;
	s0 =	simm.s32 @!p0 $0x0  }
0x12: {  	s1 =	sld [smem:$0x3F7D];
	s0 =	simm.s32 @p0 $0x1  }
0x13: {  	[smem:$0x3F98] =	sst s0;
	s0 =	simm.s32 @!p1 $0x0  }
0x14: {  	s2 =	sld [smem:$0x3F7C];
	s0 =	simm.s32 @p1 $0x1  }
0x15: {  	[smem:$0x3F99] =	sst s0;
	s0 =	simm.s32 @!p2 $0x0  }
0x16: {  	s3 =	sld [smem:$0x3FDB];
	s0 =	simm.s32 @p2 $0x1  }
0x17: {  	s4 =	simm.s32 $0x1BF5;
	[smem:$0x3F9B] =	sst s0  }
0x18: {  	s0 =	sld [smem:$0x3F7E];
	_ =	swait.ge [sflag:s4], $0x0  }
0x19: {  	s7 =	sld [smem:$0x3F7F]  }
0x1a: {  	s8 =	sadd.s32 $0xFFFFE003, lr  }
0x1b: {  	s9 =	sadd.s32 $0xFFFFFEF7, lr;
	s5 =	simm.s32 $0xFFFFFFFF;
	p2 =	slt.u32 s8, $0xFFFFF086  }
0x1c: {  	p1 =	slt.u32 s9, $0xF7A;
	s5 =	simm.s32 @!p2 $0x0  }
0x1d: {  	s5 =	simm.s32 @p1 $0x1;
	p0 =	seq.s32 s7, s2  }
0x1e: {  	s7 =	smul.u32 @!p0 $0xF7A, s2;
	p2 =	seq.s32 @!p0 s5, $0x0  }
0x1f: {  	s9 =	smul.u32 $0xF7A, s1;
	s8 =	simm.s32 @!p0 $0x1BF5;
	p2 =	por !p2, p0  }
0x20: {  	[sflag:s8] =	ssyncset.s32 @!p0 $0xFFFFF086;
	s6 =	sadd.s32 @!p0 s3, s7;
	s7 =	simm.s32 @!p0 $0x108  }
0x21: {  	s3 =	sadd.s32 s3, s9;
	s6 =	sadd.s32 @!p0 $0x88, s6;
	s7 =	simm.s32 @p2 $0x1082  }
0x22: {  	[simem:s7], [sflag:s8] =	dma.local @!p0 [hbm:s6], $0xF7A  }
0x23: {  	s9 =	sor.u32 $0xD0000000, s2;
	s6 =	simm.s32 $0x108;
	_ =	swait.ge @!p0 [sflag:s8], $0x0  }
0x24: {  	s3 =	sadd.s32 $0x88, s3;
	s6 =	simm.s32 @!p1 $0x1082;
	[sflag:s4] =	ssyncset.s32 $0xFFFFF086  }
0x25: {  	[simem:s6], [sflag:s4] =	dma.local [hbm:s3], $0xF7A  }
0x26: {  	[smem:$0x3F7F] =	sst s1;
	(tag) =	ssettag s2;
	_ =	strace s9  }
0x27: {  	s1 =	sld [smem:$0x3F8F]  }
0x28: {  	s2 =	sld [smem:$0x3F90]  }
0x29: {  	s4 =	sld [smem:$0x3F92]  }
0x2a: {  	p0 =	seq.s32 s5, $0x0;
	s5 =	sld [smem:$0x3F93]  }
0x2b: {  	s6 =	sld [smem:$0x3F94]  }
0x2c: {  	s7 =	sld [smem:$0x3F95]  }
0x2d: {  	s3 =	simm.s32 $0x108;
	s8 =	sld [smem:$0x3F96]  }
0x2e: {  	s3 =	simm.s32 @!p0 $0x1082;
	s9 =	sld [smem:$0x3F97]  }
0x2f: {  	lr =	sadd.s32 s0, s3;
	s0 =	sld [smem:$0x3F8E]  }
0x30: {  	s3 =	sld [smem:$0x3F91]  }
0x31: {  	[smem:$0x3F9A] =	sst s10  }
0x32: {  	s10 =	sld [smem:$0x3F98];
	_ =	sdelay $0x3  }
0x33: {  	p0 =	seq.s32 s10, $0x1;
	s10 =	sld [smem:$0x3F9A];
	_ =	sdelay $0x3  }
0x34: {  	[smem:$0x3F9A] =	sst s10  }
0x35: {  	s10 =	sld [smem:$0x3F99];
	_ =	sdelay $0x3  }
0x36: {  	p1 =	seq.s32 s10, $0x1;
	s10 =	sld [smem:$0x3F9A];
	_ =	sdelay $0x3  }
0x37: {  	[smem:$0x3F9A] =	sst s10  }
0x38: {  	s10 =	sld [smem:$0x3F9B]  }
0x39: {  	_ = 	snop;
	(pc) =	sbr.ind lr, $3  }
0x3a: {  	_ = 	snop  }
0x3b: {  	_ = 	snop  }
0x3c: {  	p2 =	seq.s32 s10, $0x1;
	s10 =	sld [smem:$0x3F9A]  }
0x3d: {  	_ =	shalt  }
0x3e: {  	_ =	shalt  }
0x3f: {  	_ =	shalt  }
0x40: {  	_ =	shalt  }
0x41: {  	_ =	shalt  }
0x42: {  	_ =	shalt  }
0x43: {  	_ =	shalt  }
0x44: {  	_ =	shalt  }
0x45: {  	_ =	shalt  }
0x46: {  	_ =	shalt  }
0x47: {  	_ =	shalt  }
0x48: {  	_ =	shalt  }
0x49: {  	_ =	shalt  }
0x4a: {  	_ =	shalt  }
0x4b: {  	_ =	shalt  }
0x4c: {  	_ =	shalt  }
0x4d: {  	_ =	shalt  }
0x4e: {  	_ =	shalt  }
0x4f: {  	_ =	shalt  }
0x50: {  	_ =	shalt  }
0x51: {  	_ =	shalt  }
0x52: {  	_ =	shalt  }
0x53: {  	_ =	shalt  }
0x54: {  	_ =	shalt  }
0x55: {  	_ =	shalt  }
0x56: {  	_ =	shalt  }
0x57: {  	_ =	shalt  }
0x58: {  	_ =	shalt  }
0x59: {  	_ =	shalt  }
0x5a: {  	_ =	shalt  }
0x5b: {  	_ =	shalt  }
0x5c: {  	_ =	shalt  }
0x5d: {  	_ =	shalt  }
0x5e: {  	_ =	shalt  }
0x5f: {  	_ =	shalt  }
0x60: {  	_ =	shalt  }
0x61: {  	_ =	shalt  }
0x62: {  	_ =	shalt  }
0x63: {  	_ =	shalt  }
0x64: {  	_ =	shalt  }
0x65: {  	_ =	shalt  }
0x66: {  	_ =	shalt  }
0x67: {  	_ =	shalt  }
0x68: {  	_ =	shalt  }
0x69: {  	_ =	shalt  }
0x6a: {  	_ =	shalt  }
0x6b: {  	_ =	shalt  }
0x6c: {  	_ =	shalt  }
0x6d: {  	_ =	shalt  }
0x6e: {  	_ =	shalt  }
0x6f: {  	_ =	shalt  }
0x70: {  	_ =	shalt  }
0x71: {  	_ =	shalt  }
0x72: {  	_ =	shalt  }
0x73: {  	_ =	shalt  }
0x74: {  	_ =	shalt  }
0x75: {  	_ =	shalt  }
0x76: {  	_ =	shalt  }
0x77: {  	_ =	shalt  }
0x78: {  	_ =	shalt  }
0x79: {  	_ =	shalt  }
0x7a: {  	_ =	shalt  }
0x7b: {  	_ =	shalt  }
0x7c: {  	_ =	shalt  }
0x7d: {  	_ =	shalt  }
0x7e: {  	_ =	shalt  }
0x7f: {  	_ =	shalt  }
0x80: {  	_ =	shalt  }
0x81: {  	_ =	shalt  }
0x82: {  	_ =	shalt  }
0x83: {  	_ =	shalt  }
0x84: {  	_ =	shalt  }
0x85: {  	_ =	shalt  }
0x86: {  	_ =	shalt  }
0x87: {  	_ =	shalt  }
.Lfunc_end0:
.L_simem_size_0:
called_computation.2_lowered:
.L_overlay_start_0:
0x88: {  	s2 =	sld [smem:$0x3FD9]  }
0x89: {  	s3 =	sld [smem:$0x3FFE];
	_ =	sdelay $0x1  }
0x8a: {  	s1 =	srdreg.scid  }
0x8b: {  	s0 =	sand.u32 $0x1, s1  }
0x8c: {  	s17 =	sshll.u32 s0, $0xA;
	s2 =	sadd.s32 s3, s2  }
0x8d: {  	s2 =	sadd.s32 s2, s17  }
0x8e: {  	[smem:$0x3FA6] =	sst s2  }
0x8f: {  	_ = 	snop  }
0x90: {  	(tm) =	ssettm $0x1  }
0x91: {  	s18 =	sld [smem:$0x3FFB];
	_ =	sdelay $0x3  }
0x92: {  	_ =	strace s18  }
0x93: {  	s2 =	sld [smem:$0x3FFC];
	_ =	sdelay $0x3  }
0x94: {  	_ =	strace s2  }
0x95: {  	s2 =	sld [smem:$0x3FFD];
	_ =	sdelay $0x3  }
0x96: {  	_ =	strace s2  }
0x97: {  	_ =	strace $0x8FFFFFFF  }
0x98: {  	s19 =	sld [smem:$0x3FDB];
	_ =	sdelay $0x1  }
0x99: {  	s20 =	simm.s32 $_scs_section_size  }
0x9a: {  	s4 =	simm.s32 $_size__tile_overlayer_lowered;
	s5 =	simm.s32 $_tile_overlayer_lowered  }
0x9b: {  	s6 =	simm.s32 $0x1BFF;
	s21 =	sshll.u32 s5, $0x1;
	s3 =	sadd.s32 s20, s19  }
0x9c: {  	s22 =	simm.s32 $0x0;
	s4 =	sshll.u32 s4, $0x1;
	s5 =	sadd.s32 s21, s3  }
0x9d: {  	[timem:s22], [sflag:s6] =	dma.local [hbm:s5], s4  }
0x9e: {  	_ =	swait.ge [sflag:s6], s4  }
0x9f: {  	s4 =	ssub.s32 $0x0, s4;
	[sflag:s6] =	ssyncset.done $0x0  }
0xa0: {  	[sflag:s6] =	ssyncadd.s32 s4;
	_ =	sdelay $0x1  }
0xa1: {  	s23 =	simm.s32 $0x1B8B  }
0xa2: {  	_ =	swait.ge [sflag:s23], $0x1  }
0xa3: {  	[sflag:s23] =	ssyncset.done $0x0  }
0xa4: {  	[sflag:s23] =	ssyncadd.s32 $0xFFFFFFFF  }
0xa5: {  	s4 =	sld [smem:$0x0]  }
0xa6: {  	s5 =	sand.u32 $0xFFFFFFFE, s1  }
0xa7: {  	p0 =	sne.s32 s1, s5  }
0xa8: {  	s5 =	sshll.u32 @p0 s5, $0xE  }
0xa9: {  	s5 =	sadd.s32 @p0 $0x11B8D, s5;
	s6 =	sshll.u32 @p0 s4, $0x11  }
0xaa: {  	s5 =	sor.u32 @p0 s6, s5  }
0xab: {  	[sflag:s5] =	ssyncadd.remote.s32 @p0 $0x1;
	_ =	sdelay $0x1  }
0xac: {  	s5 =	simm.s32 @p0 $0x1B8D  }
0xad: {  	_ =	swait.eq @p0 [sflag:s5], $0x1  }
0xae: {  	[sflag:s5] =	ssyncadd.s32 @p0 $0xFFFFFFFF  }
0xaf: {  	s6 =	sshll.u32 @!p0 s1, $0xE  }
0xb0: {  	s6 =	sor.u32 @!p0 $0x4000, s6;
	s5 =	simm.s32 @!p0 $0x1B8D  }
0xb1: {  	s4 =	sshll.u32 @!p0 s4, $0x11;
	s6 =	sadd.s32 @!p0 $0x11B8D, s6;
	_ =	swait.eq @!p0 [sflag:s5], $0x1  }
0xb2: {  	s4 =	sor.u32 @!p0 s4, s6;
	[sflag:s5] =	ssyncadd.s32 @!p0 $0xFFFFFFFF  }
0xb3: {  	s25 =	simm.s32 $0x1B8E;
	s24 =	sld [smem:$0x3FFE];
	[sflag:s4] =	ssyncadd.remote.s32 @!p0 $0x1  }
0xb4: {  	s26 =	simm.s32 $execute0_lowered;
	[smem:$0x3FD2] =	sst s25  }
0xb5: {  	s5 =	sshll.u32 s26, $0x1;
	_ =	strace $0x8000004C;
	[dreg:$0x1] =	wrdreg $0xFFFFFFFF  }
0xb6: {  	s28 =	simm.s32 $_size_execute0_lowered;
	s3 =	sadd.s32 s3, s5;
	[dreg:$0x0] =	wrdreg $0x0  }
0xb7: {  	s5 =	sshll.u32 s28, $0x1;
	[dreg:$0x2] =	wrdreg s3  }
0xb8: {  	[dreg:$0x3] =	wrdreg s5  }
0xb9: {  	[dreg:$0x4] =	wrdreg $0xC0  }
0xba: {  	_ =	task [dreg:s22], $0x5FFFF  }
0xbb: {  	[dreg:$0x1] =	wrdreg $0xFFFFFFFF  }
0xbc: {  	[dreg:$0x0] =	wrdreg $0x60  }
0xbd: {  	[dreg:$0x2] =	wrdreg s24  }
0xbe: {  	[dreg:$0x3] =	wrdreg $0x10800  }
0xbf: {  	[dreg:$0x4] =	wrdreg $0xA  }
0xc0: {  	_ =	task.clear_ibuf [dreg:s22], $0x5FFFF;
	_ =	strace $0x9000004C  }
0xc1: {  	s29 =	simm.s32 $0xA;
	_ =	strace $0x8000004E  }
0xc2: {  	_ =	swait.ge [sflag:s29], $0x1  }
0xc3: {  	[sflag:s29] =	ssyncadd.s32 $0xFFFFFFFF  }
0xc4: {  	_ =	strace $0x9000004E  }
0xc5: {  	_ =	sfence  }
0xc6: {  	s30 =	sld [smem:$0x0];
	_ =	sdelay $0x2  }
0xc7: {  	s31 =	sshll.u32 s1, $0xD;
	s1 =	sshrl.u32 s1, $0x2  }
0xc8: {  	s4 =	sand.u32 $0x4000, s31;
	s1 =	sadd.s32 s1, s30  }
0xc9: {  	s0 =	sor.u32 s4, s0;
	s1 =	sshll.u32 s1, $0x11  }
0xca: {  	s0 =	sor.u32 s1, s0  }
0xcb: {  	s0 =	sadd.s32 $0x8F2B, s0  }
0xcc: {  	[sflag:s0] =	ssyncadd.remote.s32 $0x1  }
0xcd: {  	_ =	sfence.sel $0xFFFF  }
0xce: {  	[dreg:$0x0] =	wrdreg $0xFFFFFFFF;
	(pc) =	sbr.abs _section_cstart, $3  }
0xcf: {  	[dreg:$0x1] =	wrdreg $0xFFFFFFFF  }
0xd0: {  	_ =	task.clear_ibuf [dreg:s22], $0x2FFFF;
	_ =	strace $0x9FFFFFFF  }
0xd1: {  	(tm) =	ssettm $0x7FFFFFFF  }
tec
execute0_lowered:
.L_overlay_start_1:
0x0: {  	(tag) =	ssettag $0x1  }
0x1: {  	s0 =	stileid.u32;
	s1 =	srdreg.scid  }
0x2: {  	s5 =	rddreg [dreg:$0x0];
	s4 =	smul.u32 $0xA000, s0  }
0x3: {  	s2 =	rddreg [dreg:$0x1];
	s3 =	simm.s32 $0x0;
	s7 =	smul.u32 $0x2800, s0  }
0x4: {  	s6 =	sand.u32 $0x1, s1;
	s1 =	rddreg [dreg:$0x2];
	s9 =	smul.u32 $0x5000, s0  }
0x5: {  	[smem:$0x7FF] =	sst s3;
	s30 =	sshll.u32 s0, $0x6;
	s8 =	smul.u32 $0x1400, s6  }
0x6: {  	s24 =	smul.u32 $0x50000, s6;
	_ =	strace $0x8000004D;
	s28 =	ssub.s32 $0x2, s6  }
0x7: {  	s13 =	smul.u32 $0x5000, s6;
	s10 =	sadd.s32 s4, s5;
	s26 =	sshrl.u32 s9, $0x3  }
0x8: {  	s29 =	sshrl.u32 s28, $0x1;
	s14 =	sadd.s32 s9, s2;
	s7 =	sadd.s32 s8, s7  }
0x9: {  	s25 =	sadd.s32 s9, s24;
	s8 =	ssub.s32 s28, s29;
	s31 =	sadd.s32 s13, s10  }
0xa: {  	s10 =	sshrl.u32 s14, $0x3;
	s13 =	simm.s32 $0x0;
	s7 =	sshrl.u32 s7, $0x3  }
0xb: {  	s4 =	sshrl.u32 s25, $0x3;
	s11 =	sadd.s32 s7, s5;
	s7 =	sadd.s32 s26, s5  }
0xc: {  	s12 =	sadd.s32 s4, s5;
	s5 =	sor.u32 $0x1C01, s30;
	s4 =	sadd.s32 $0x347800, s7  }
0xd: {  	s6 =	sadd.s32 $0x351800, s12;
	s7 =	smax.u32 s8, $0x1;
	s8 =	sadd.s32 $0x13600, s31  }
0xe: {  	s9 =	sadd.s32 $0xB3600, s11;
	s11 =	simm.s32 $0x1;
	s12 =	simm.s32 $0x80  }
.LBB2_1:
0xf: {  	[spmem:s10], [sflag:s5] =	dma.local [hbm:s4], $0xA00  }
0x10: {  	_ =	swait.ge [sflag:s11], $0xA00  }
0x11: {  	[sflag:s11] =	ssyncset.done $0x0  }
0x12: {  	[sflag:s11] =	ssyncadd.s32 $0xFFFFF600  }
0x13: {  	s14 =	sadd.s32 $0x0, s9;
	[bflag:$0x0] =	sbarrier.arrive $0xFFFF  }
0x14: {  	[tilespmem:s3], [sflag:$0x1] =	stream.linear.gather [hbm4b:s14+s3], $0x80, $0x38;
	[tilespmem:$0x6080] =	vst v63  }
0x15: {  	_ =	swait.ge [sflag:s11], $0x80  }
0x16: {  	[sflag:s11] =	ssyncset.done $0x0  }
0x17: {  	[sflag:s11] =	ssyncadd.s32 $0xFFFFFF80  }
0x18: {  	[tilespmem:s12], [sflag:$0x1] =	stream.linear.gather [hbm4b:s8+s3], $0x1000, $0x38;
	[tilespmem:$0x6080] =	vst v63  }
0x19: {  	_ =	swait.ge [sflag:s11], $0x1000  }
0x1a: {  	[sflag:s11] =	ssyncset.done $0x0  }
0x1b: {  	[sflag:s11] =	ssyncadd.s32 $0xFFFFF000  }
0x1c: {  	[spmem:s2] =	stream.indirect.scatter.add.f32 [tilespmem:s12], [sflag:$0x1], $0x20, s3, s12, $0xb8;
	[tilespmem:$0x6080] =	vst v63  }
0x1d: {  	s15 =	simm.s32 $0x10;
	_ =	swait.ge [sflag:s11], $0x1000  }
0x1e: {  	s16 =	simm.s32 $0x20;
	s14 =	sadd.s32 $0x200, s8;
	[sflag:s11] =	ssyncset.done $0x0  }
.LBB2_2:
0x1f: {  	s17 =	sadd.s32 s15, s9  }
0x20: {  	[sflag:s11] =	ssyncadd.s32 $0xFFFFF000;
	s15 =	smov.u32 s16;
	s18 =	sadd.s32 $0x10, s16  }
0x21: {  	[tilespmem:s3], [sflag:$0x1] =	stream.linear.gather [hbm4b:s17+s3], $0x80, $0x38;
	[tilespmem:$0x6080] =	vst v63  }
0x22: {  	p0 =	sne.s32 s16, $0x270;
	_ =	swait.ge [sflag:s11], $0x80  }
0x23: {  	[sflag:s11] =	ssyncset.done $0x0  }
0x24: {  	[sflag:s11] =	ssyncadd.s32 $0xFFFFFF80  }
0x25: {  	[tilespmem:s12], [sflag:$0x1] =	stream.linear.gather [hbm4b:s14+s3], $0x1000, $0x38;
	[tilespmem:$0x6080] =	vst v63  }
0x26: {  	_ =	swait.ge [sflag:s11], $0x1000  }
.Ltmp0:
0x27: {  	[sflag:s11] =	ssyncset.done $0x0;
	(pc) =	sbr.rel @p0 .LBB2_2-.Ltmp0, $4  }
0x28: {  	[sflag:s11] =	ssyncadd.s32 $0xFFFFF000  }
0x29: {  	[spmem:s2] =	stream.indirect.scatter.add.f32 [tilespmem:s12], [sflag:$0x1], $0x20, s3, s12, $0xb8;
	[tilespmem:$0x6080] =	vst v63  }
0x2a: {  	_ =	swait.ge [sflag:s11], $0x1000  }
0x2b: {  	s16 =	smov.u32 s18;
	s14 =	sadd.s32 $0x200, s14;
	[sflag:s11] =	ssyncset.done $0x0  }
0x2c: {  	s15 =	sadd.s32 s15, s9;
	[sflag:s11] =	ssyncadd.s32 $0xFFFFF000  }
0x2d: {  	[tilespmem:s3], [sflag:$0x1] =	stream.linear.gather [hbm4b:s15+s3], $0x80, $0x38;
	[tilespmem:$0x6080] =	vst v63  }
0x2e: {  	_ =	swait.ge [sflag:s11], $0x80  }
0x2f: {  	[sflag:s11] =	ssyncset.done $0x0  }
0x30: {  	[sflag:s11] =	ssyncadd.s32 $0xFFFFFF80  }
0x31: {  	[tilespmem:s12], [sflag:$0x1] =	stream.linear.gather [hbm4b:s14+s3], $0x1000, $0x38;
	[tilespmem:$0x6080] =	vst v63  }
0x32: {  	_ =	swait.ge [sflag:s11], $0x1000  }
0x33: {  	[sflag:s11] =	ssyncset.done $0x0  }
0x34: {  	[sflag:s11] =	ssyncadd.s32 $0xFFFFF000  }
0x35: {  	[spmem:s2] =	stream.indirect.scatter.add.f32 [tilespmem:s12], [sflag:$0x1], $0x20, s3, s12, $0xb8;
	[tilespmem:$0x6080] =	vst v63  }
0x36: {  	_ =	swait.ge [sflag:s11], $0x1000  }
0x37: {  	s13 =	sadd.s32 $0x1, s13;
	[sflag:s11] =	ssyncset.done $0x0  }
0x38: {  	p0 =	sne.s32 s13, s7;
	[sflag:s11] =	ssyncadd.s32 $0xFFFFF000  }
.Ltmp1:
0x39: {  	[bflag:$0x0] =	sbarrier.arrive $0xFFFF;
	(pc) =	sbr.rel @p0 .LBB2_1-.Ltmp1, $4  }
0x3a: {  	[hbm:s6], [sflag:s5] =	dma.local [spmem:s10], $0xA00  }
0x3b: {  	_ =	swait.ge [sflag:s11], $0xA00  }
0x3c: {  	[sflag:s11] =	ssyncset.done $0x0  }
0x3d: {  	[sflag:s11] =	ssyncadd.s32 $0xFFFFF600  }
0x3e: {  	_ =	sfence.sel $0x180000  }
0x3f: {  	[bflag:$0x0] =	sbarrier.arrive $0xFFFF  }
0x40: {  	p0 =	sne.s32 s0, $0x0;
	_ =	strace $0x9000004D  }
0x41: {  	s0 =	sadd.s32 @!p0 $0x100000, s1;
	[bflag:$0x2] =	sbarrier.arrive $0xFFFF  }
0x42: {  	[sflag:s0] =	ssyncadd.tile.s32 @!p0 $0x1;
	_ =	shalt  }
.Lfunc_end2:
_tile_overlayer_lowered:
.L_overlay_start_2:
0x43: {  	(tag) =	ssettag $0x2  }
0x44: {  	s0 =	rddreg [dreg:$0x0];
	s2 =	stileid.u32  }
0x45: {  	s1 =	rddreg [dreg:$0x1];
	p0 =	sne.s32 s2, $0x0  }
0x46: {  	s3 =	rddreg [dreg:$0x2];
	[bflag:$0x3] =	sbarrier.arrive $0xFFFF;
	s2 =	simm.s32 @!p0 $0x1C01  }
0x47: {  	[timem:s3], [sflag:s2] =	dma.local @!p0 [hbm:s0], s1  }
0x48: {  	s0 =	simm.s32 @!p0 $0x1  }
0x49: {  	_ =	swait.ge @!p0 [sflag:s0], s1  }
0x4a: {  	s1 =	ssub.s32 @!p0 $0x0, s1;
	[sflag:s0] =	ssyncset.done @!p0 $0x0  }
0x4b: {  	[sflag:s0] =	ssyncadd.s32 @!p0 s1  }
0x4c: {  	[bflag:$0x3] =	sbarrier.arrive $0xFFFF  }
0x4d: {  	_ =	shalt  }

// kernel: kernel.31.cloned.1.call-start
scs
__scs_entry_jumppad:
0x0: {  	(pc) =	sbr.rel $0x88, $3  }
0x1: {  	(tag) =	ssettag $0x0;
	lr =	simm.s32 $0x1  }
0x2: {  	[smem:$0x3F7F] =	sst lr;
	_ =	strace $0xD0000000  }
0x3: {  	_ = 	snop  }
0x4: {  	_ = 	snop  }
0x5: {  	_ = 	snop  }
0x6: {  	_ = 	snop  }
0x7: {  	_ = 	snop  }
__scs_overlays_trampoline_lowered:
0x8: {  	[smem:$0x3F8E] =	sst s0  }
0x9: {  	[smem:$0x3F8F] =	sst s1  }
0xa: {  	[smem:$0x3F90] =	sst s2  }
0xb: {  	[smem:$0x3F91] =	sst s3  }
0xc: {  	[smem:$0x3F92] =	sst s4  }
0xd: {  	[smem:$0x3F93] =	sst s5  }
0xe: {  	[smem:$0x3F94] =	sst s6  }
0xf: {  	[smem:$0x3F95] =	sst s7  }
0x10: {  	[smem:$0x3F96] =	sst s8  }
0x11: {  	[smem:$0x3F97] =	sst s9;
	s0 =	simm.s32 @!p0 $0x0  }
0x12: {  	s1 =	sld [smem:$0x3F7D];
	s0 =	simm.s32 @p0 $0x1  }
0x13: {  	[smem:$0x3F98] =	sst s0;
	s0 =	simm.s32 @!p1 $0x0  }
0x14: {  	s2 =	sld [smem:$0x3F7C];
	s0 =	simm.s32 @p1 $0x1  }
0x15: {  	[smem:$0x3F99] =	sst s0;
	s0 =	simm.s32 @!p2 $0x0  }
0x16: {  	s3 =	sld [smem:$0x3FDB];
	s0 =	simm.s32 @p2 $0x1  }
0x17: {  	s4 =	simm.s32 $0x1BF5;
	[smem:$0x3F9B] =	sst s0  }
0x18: {  	s0 =	sld [smem:$0x3F7E];
	_ =	swait.ge [sflag:s4], $0x0  }
0x19: {  	s7 =	sld [smem:$0x3F7F]  }
0x1a: {  	s8 =	sadd.s32 $0xFFFFE003, lr  }
0x1b: {  	s9 =	sadd.s32 $0xFFFFFEF7, lr;
	s5 =	simm.s32 $0xFFFFFFFF;
	p2 =	slt.u32 s8, $0xFFFFF086  }
0x1c: {  	p1 =	slt.u32 s9, $0xF7A;
	s5 =	simm.s32 @!p2 $0x0  }
0x1d: {  	s5 =	simm.s32 @p1 $0x1;
	p0 =	seq.s32 s7, s2  }
0x1e: {  	s7 =	smul.u32 @!p0 $0xF7A, s2;
	p2 =	seq.s32 @!p0 s5, $0x0  }
0x1f: {  	s9 =	smul.u32 $0xF7A, s1;
	s8 =	simm.s32 @!p0 $0x1BF5;
	p2 =	por !p2, p0  }
0x20: {  	[sflag:s8] =	ssyncset.s32 @!p0 $0xFFFFF086;
	s6 =	sadd.s32 @!p0 s3, s7;
	s7 =	simm.s32 @!p0 $0x108  }
0x21: {  	s3 =	sadd.s32 s3, s9;
	s6 =	sadd.s32 @!p0 $0x88, s6;
	s7 =	simm.s32 @p2 $0x1082  }
0x22: {  	[simem:s7], [sflag:s8] =	dma.local @!p0 [hbm:s6], $0xF7A  }
0x23: {  	s9 =	sor.u32 $0xD0000000, s2;
	s6 =	simm.s32 $0x108;
	_ =	swait.ge @!p0 [sflag:s8], $0x0  }
0x24: {  	s3 =	sadd.s32 $0x88, s3;
	s6 =	simm.s32 @!p1 $0x1082;
	[sflag:s4] =	ssyncset.s32 $0xFFFFF086  }
0x25: {  	[simem:s6], [sflag:s4] =	dma.local [hbm:s3], $0xF7A  }
0x26: {  	[smem:$0x3F7F] =	sst s1;
	(tag) =	ssettag s2;
	_ =	strace s9  }
0x27: {  	s1 =	sld [smem:$0x3F8F]  }
0x28: {  	s2 =	sld [smem:$0x3F90]  }
0x29: {  	s4 =	sld [smem:$0x3F92]  }
0x2a: {  	p0 =	seq.s32 s5, $0x0;
	s5 =	sld [smem:$0x3F93]  }
0x2b: {  	s6 =	sld [smem:$0x3F94]  }
0x2c: {  	s7 =	sld [smem:$0x3F95]  }
0x2d: {  	s3 =	simm.s32 $0x108;
	s8 =	sld [smem:$0x3F96]  }
0x2e: {  	s3 =	simm.s32 @!p0 $0x1082;
	s9 =	sld [smem:$0x3F97]  }
0x2f: {  	lr =	sadd.s32 s0, s3;
	s0 =	sld [smem:$0x3F8E]  }
0x30: {  	s3 =	sld [smem:$0x3F91]  }
0x31: {  	[smem:$0x3F9A] =	sst s10  }
0x32: {  	s10 =	sld [smem:$0x3F98];
	_ =	sdelay $0x3  }
0x33: {  	p0 =	seq.s32 s10, $0x1;
	s10 =	sld [smem:$0x3F9A];
	_ =	sdelay $0x3  }
0x34: {  	[smem:$0x3F9A] =	sst s10  }
0x35: {  	s10 =	sld [smem:$0x3F99];
	_ =	sdelay $0x3  }
0x36: {  	p1 =	seq.s32 s10, $0x1;
	s10 =	sld [smem:$0x3F9A];
	_ =	sdelay $0x3  }
0x37: {  	[smem:$0x3F9A] =	sst s10  }
0x38: {  	s10 =	sld [smem:$0x3F9B]  }
0x39: {  	_ = 	snop;
	(pc) =	sbr.ind lr, $3  }
0x3a: {  	_ = 	snop  }
0x3b: {  	_ = 	snop  }
0x3c: {  	p2 =	seq.s32 s10, $0x1;
	s10 =	sld [smem:$0x3F9A]  }
0x3d: {  	_ =	shalt  }
0x3e: {  	_ =	shalt  }
0x3f: {  	_ =	shalt  }
0x40: {  	_ =	shalt  }
0x41: {  	_ =	shalt  }
0x42: {  	_ =	shalt  }
0x43: {  	_ =	shalt  }
0x44: {  	_ =	shalt  }
0x45: {  	_ =	shalt  }
0x46: {  	_ =	shalt  }
0x47: {  	_ =	shalt  }
0x48: {  	_ =	shalt  }
0x49: {  	_ =	shalt  }
0x4a: {  	_ =	shalt  }
0x4b: {  	_ =	shalt  }
0x4c: {  	_ =	shalt  }
0x4d: {  	_ =	shalt  }
0x4e: {  	_ =	shalt  }
0x4f: {  	_ =	shalt  }
0x50: {  	_ =	shalt  }
0x51: {  	_ =	shalt  }
0x52: {  	_ =	shalt  }
0x53: {  	_ =	shalt  }
0x54: {  	_ =	shalt  }
0x55: {  	_ =	shalt  }
0x56: {  	_ =	shalt  }
0x57: {  	_ =	shalt  }
0x58: {  	_ =	shalt  }
0x59: {  	_ =	shalt  }
0x5a: {  	_ =	shalt  }
0x5b: {  	_ =	shalt  }
0x5c: {  	_ =	shalt  }
0x5d: {  	_ =	shalt  }
0x5e: {  	_ =	shalt  }
0x5f: {  	_ =	shalt  }
0x60: {  	_ =	shalt  }
0x61: {  	_ =	shalt  }
0x62: {  	_ =	shalt  }
0x63: {  	_ =	shalt  }
0x64: {  	_ =	shalt  }
0x65: {  	_ =	shalt  }
0x66: {  	_ =	shalt  }
0x67: {  	_ =	shalt  }
0x68: {  	_ =	shalt  }
0x69: {  	_ =	shalt  }
0x6a: {  	_ =	shalt  }
0x6b: {  	_ =	shalt  }
0x6c: {  	_ =	shalt  }
0x6d: {  	_ =	shalt  }
0x6e: {  	_ =	shalt  }
0x6f: {  	_ =	shalt  }
0x70: {  	_ =	shalt  }
0x71: {  	_ =	shalt  }
0x72: {  	_ =	shalt  }
0x73: {  	_ =	shalt  }
0x74: {  	_ =	shalt  }
0x75: {  	_ =	shalt  }
0x76: {  	_ =	shalt  }
0x77: {  	_ =	shalt  }
0x78: {  	_ =	shalt  }
0x79: {  	_ =	shalt  }
0x7a: {  	_ =	shalt  }
0x7b: {  	_ =	shalt  }
0x7c: {  	_ =	shalt  }
0x7d: {  	_ =	shalt  }
0x7e: {  	_ =	shalt  }
0x7f: {  	_ =	shalt  }
0x80: {  	_ =	shalt  }
0x81: {  	_ =	shalt  }
0x82: {  	_ =	shalt  }
0x83: {  	_ =	shalt  }
0x84: {  	_ =	shalt  }
0x85: {  	_ =	shalt  }
0x86: {  	_ =	shalt  }
0x87: {  	_ =	shalt  }
.Lfunc_end0:
.L_simem_size_0:
called_computation.3_lowered:
.L_overlay_start_0:
0x88: {  	s2 =	sld [smem:$0x3FD9]  }
0x89: {  	s3 =	sld [smem:$0x3FFE];
	_ =	sdelay $0x1  }
0x8a: {  	s1 =	srdreg.scid  }
0x8b: {  	s0 =	sand.u32 $0x1, s1  }
0x8c: {  	s16 =	sshll.u32 s0, $0xA;
	s2 =	sadd.s32 s3, s2  }
0x8d: {  	s2 =	sadd.s32 s2, s16  }
0x8e: {  	[smem:$0x3FA6] =	sst s2  }
0x8f: {  	_ = 	snop  }
0x90: {  	(tm) =	ssettm $0x1  }
0x91: {  	s17 =	sld [smem:$0x3FFB];
	_ =	sdelay $0x3  }
0x92: {  	_ =	strace s17  }
0x93: {  	s2 =	sld [smem:$0x3FFC];
	_ =	sdelay $0x3  }
0x94: {  	_ =	strace s2  }
0x95: {  	s2 =	sld [smem:$0x3FFD];
	_ =	sdelay $0x3  }
0x96: {  	_ =	strace s2  }
0x97: {  	_ =	strace $0x8FFFFFFF  }
0x98: {  	s18 =	sld [smem:$0x3FDB];
	_ =	sdelay $0x1  }
0x99: {  	s19 =	simm.s32 $_scs_section_size  }
0x9a: {  	s4 =	simm.s32 $_size__tile_overlayer_lowered;
	s5 =	simm.s32 $_tile_overlayer_lowered  }
0x9b: {  	s22 =	simm.s32 $0x1BFF;
	s21 =	sshll.u32 s5, $0x1;
	s2 =	sadd.s32 s19, s18  }
0x9c: {  	s6 =	simm.s32 $0x0;
	s20 =	sshll.u32 s4, $0x1;
	s4 =	sadd.s32 s21, s2  }
0x9d: {  	[timem:s6], [sflag:s22] =	dma.local [hbm:s4], s20  }
0x9e: {  	_ =	swait.ge [sflag:s22], s20  }
0x9f: {  	s3 =	ssub.s32 $0x0, s20;
	[sflag:s22] =	ssyncset.done $0x0  }
0xa0: {  	[sflag:s22] =	ssyncadd.s32 s3;
	_ =	sdelay $0x1  }
0xa1: {  	s23 =	simm.s32 $0x1B8B  }
0xa2: {  	_ =	swait.ge [sflag:s23], $0x1  }
0xa3: {  	[sflag:s23] =	ssyncset.done $0x0  }
0xa4: {  	s25 =	simm.s32 $0x1B8E;
	s24 =	sld [smem:$0x3FFE];
	[sflag:s23] =	ssyncadd.s32 $0xFFFFFFFF  }
0xa5: {  	s26 =	simm.s32 $execute0_lowered;
	[smem:$0x3FD2] =	sst s25  }
0xa6: {  	s4 =	sshll.u32 s26, $0x1;
	_ =	strace $0x8000004F;
	[dreg:$0x1] =	wrdreg $0xFFFFFFFF  }
0xa7: {  	s28 =	simm.s32 $_size_execute0_lowered;
	s2 =	sadd.s32 s2, s4;
	[dreg:$0x0] =	wrdreg $0x0  }
0xa8: {  	s4 =	sshll.u32 s28, $0x1;
	[dreg:$0x2] =	wrdreg s2  }
0xa9: {  	[dreg:$0x3] =	wrdreg s4  }
0xaa: {  	[dreg:$0x4] =	wrdreg $0xC0  }
0xab: {  	_ =	task [dreg:s6], $0x5FFFF  }
0xac: {  	[dreg:$0x1] =	wrdreg $0xFFFFFFFF  }
0xad: {  	[dreg:$0x0] =	wrdreg $0x60  }
0xae: {  	[dreg:$0x2] =	wrdreg s24  }
0xaf: {  	[dreg:$0x3] =	wrdreg $0x9  }
0xb0: {  	_ =	task.clear_ibuf [dreg:s6], $0x4FFFF;
	_ =	strace $0x9000004F  }
0xb1: {  	s29 =	simm.s32 $0x9;
	_ =	strace $0x80000051  }
0xb2: {  	_ =	swait.ge [sflag:s29], $0x1  }
0xb3: {  	[sflag:s29] =	ssyncadd.s32 $0xFFFFFFFF  }
0xb4: {  	_ =	strace $0x90000051  }
0xb5: {  	_ =	sfence  }
0xb6: {  	s30 =	sld [smem:$0x0];
	_ =	sdelay $0x2  }
0xb7: {  	s31 =	sshll.u32 s1, $0xD;
	s1 =	sshrl.u32 s1, $0x2  }
0xb8: {  	s3 =	sand.u32 $0x4000, s31;
	s1 =	sadd.s32 s1, s30  }
0xb9: {  	s0 =	sor.u32 s3, s0;
	s1 =	sshll.u32 s1, $0x11  }
0xba: {  	s0 =	sor.u32 s1, s0  }
0xbb: {  	s0 =	sadd.s32 $0x8F2B, s0  }
0xbc: {  	[sflag:s0] =	ssyncadd.remote.s32 $0x1  }
0xbd: {  	_ =	sfence.sel $0xFFFF  }
0xbe: {  	[dreg:$0x0] =	wrdreg $0xFFFFFFFF;
	(pc) =	sbr.abs _section_cstart, $3  }
0xbf: {  	[dreg:$0x1] =	wrdreg $0xFFFFFFFF  }
0xc0: {  	_ =	task.clear_ibuf [dreg:s6], $0x2FFFF;
	_ =	strace $0x9FFFFFFF  }
0xc1: {  	(tm) =	ssettm $0x7FFFFFFF  }
tec
execute0_lowered:
.L_overlay_start_1:
0x0: {  	(tag) =	ssettag $0x1  }
0x1: {  	s4 =	rddreg [dreg:$0x0]  }
0x2: {  	s0 =	rddreg [dreg:$0x1];
	s2 =	simm.s32 $0x0;
	s1 =	stileid.u32  }
0x3: {  	s3 =	srdreg.scid;
	s10 =	simm.s32 $0x0;
	s6 =	smul.u32 $0x2800, s1  }
0x4: {  	[smem:$0x7FF] =	sst s2;
	s5 =	sand.u32 $0x1, s3;
	s8 =	smul.u32 $0xA000, s1  }
0x5: {  	s3 =	sadd.s32 $0x4800, s4;
	s7 =	smul.u32 $0x1400, s5;
	s9 =	ssub.s32 $0x2, s5  }
0x6: {  	_ =	strace $0x80000050;
	s5 =	smul.u32 $0x5000, s5;
	s31 =	sshrl.u32 s9, $0x1  }
0x7: {  	s8 =	sadd.s32 s8, s4;
	s6 =	sadd.s32 s7, s6;
	s7 =	ssub.s32 s9, s31  }
0x8: {  	s5 =	sadd.s32 s5, s8;
	s8 =	simm.s32 $0x80;
	s6 =	sshrl.u32 s6, $0x3  }
0x9: {  	s9 =	simm.s32 $0x1;
	s5 =	sadd.s32 $0x13600, s5;
	s6 =	sadd.s32 s6, s4  }
0xa: {  	s4 =	smax.u32 s7, $0x1;
	s7 =	simm.s32 $0x2;
	s6 =	sadd.s32 $0xE600, s6  }
.LBB2_1:
0xb: {  	s11 =	sadd.s32 $0x0, s6  }
0xc: {  	[tilespmem:s2], [sflag:$0x2] =	stream.linear.gather [hbm4b:s11+s2], $0x80, $0x38;
	[tilespmem:$0x1080] =	vst v63  }
0xd: {  	_ =	swait.ge [sflag:s7], $0x80  }
0xe: {  	[sflag:s7] =	ssyncset.done $0x0  }
0xf: {  	[sflag:s7] =	ssyncadd.s32 $0xFFFFFF80  }
0x10: {  	[tilespmem:s8], [sflag:$0x1] =	stream.indirect.gather [hbm4b:s3+s8], $0x20, s2, s8, $0xb8;
	[tilespmem:$0x1080] =	vst v63  }
0x11: {  	_ =	swait.ge [sflag:s9], $0x1000  }
0x12: {  	[sflag:s9] =	ssyncset.done $0x0  }
0x13: {  	[sflag:s9] =	ssyncadd.s32 $0xFFFFF000  }
0x14: {  	[hbm4b:s5+s2] =	stream.linear.scatter [tilespmem:s8], [sflag:$0x2], $0x1000, $0x38;
	[tilespmem:$0x1080] =	vst v63  }
0x15: {  	s12 =	simm.s32 $0x10;
	_ =	swait.ge [sflag:s7], $0x1000  }
0x16: {  	s13 =	simm.s32 $0x20;
	s11 =	sadd.s32 $0x200, s5;
	[sflag:s7] =	ssyncset.done $0x0  }
.LBB2_2:
0x17: {  	s14 =	sadd.s32 s12, s6  }
0x18: {  	[sflag:s7] =	ssyncadd.s32 $0xFFFFF000;
	s12 =	smov.u32 s13;
	s15 =	sadd.s32 $0x10, s13  }
0x19: {  	[tilespmem:s2], [sflag:$0x2] =	stream.linear.gather [hbm4b:s14+s2], $0x80, $0x38;
	[tilespmem:$0x1080] =	vst v63  }
0x1a: {  	p0 =	sne.s32 s13, $0x270;
	_ =	swait.ge [sflag:s7], $0x80  }
0x1b: {  	[sflag:s7] =	ssyncset.done $0x0  }
0x1c: {  	[sflag:s7] =	ssyncadd.s32 $0xFFFFFF80  }
0x1d: {  	[tilespmem:s8], [sflag:$0x1] =	stream.indirect.gather [hbm4b:s3+s8], $0x20, s2, s8, $0xb8;
	[tilespmem:$0x1080] =	vst v63  }
0x1e: {  	_ =	swait.ge [sflag:s9], $0x1000  }
.Ltmp0:
0x1f: {  	[sflag:s9] =	ssyncset.done $0x0;
	(pc) =	sbr.rel @p0 .LBB2_2-.Ltmp0, $4  }
0x20: {  	[sflag:s9] =	ssyncadd.s32 $0xFFFFF000  }
0x21: {  	[hbm4b:s11+s2] =	stream.linear.scatter [tilespmem:s8], [sflag:$0x2], $0x1000, $0x38;
	[tilespmem:$0x1080] =	vst v63  }
0x22: {  	_ =	swait.ge [sflag:s7], $0x1000  }
0x23: {  	s13 =	smov.u32 s15;
	s11 =	sadd.s32 $0x200, s11;
	[sflag:s7] =	ssyncset.done $0x0  }
0x24: {  	s12 =	sadd.s32 s12, s6;
	[sflag:s7] =	ssyncadd.s32 $0xFFFFF000  }
0x25: {  	[tilespmem:s2], [sflag:$0x2] =	stream.linear.gather [hbm4b:s12+s2], $0x80, $0x38;
	[tilespmem:$0x1080] =	vst v63  }
0x26: {  	_ =	swait.ge [sflag:s7], $0x80  }
0x27: {  	[sflag:s7] =	ssyncset.done $0x0  }
0x28: {  	[sflag:s7] =	ssyncadd.s32 $0xFFFFFF80  }
0x29: {  	[tilespmem:s8], [sflag:$0x1] =	stream.indirect.gather [hbm4b:s3+s8], $0x20, s2, s8, $0xb8;
	[tilespmem:$0x1080] =	vst v63  }
0x2a: {  	s10 =	sadd.s32 $0x1, s10;
	_ =	swait.ge [sflag:s9], $0x1000  }
0x2b: {  	p0 =	sne.s32 s10, s4;
	[sflag:s9] =	ssyncset.done $0x0  }
.Ltmp1:
0x2c: {  	[sflag:s9] =	ssyncadd.s32 $0xFFFFF000;
	(pc) =	sbr.rel @p0 .LBB2_1-.Ltmp1, $4  }
0x2d: {  	[hbm4b:s11+s2] =	stream.linear.scatter [tilespmem:s8], [sflag:$0x2], $0x1000, $0x38;
	[tilespmem:$0x1080] =	vst v63  }
0x2e: {  	_ =	swait.ge [sflag:s7], $0x1000  }
0x2f: {  	[sflag:s7] =	ssyncset.done $0x0  }
0x30: {  	[sflag:s7] =	ssyncadd.s32 $0xFFFFF000  }
0x31: {  	_ =	sfence.sel $0x180000  }
0x32: {  	[bflag:$0x0] =	sbarrier.arrive $0xFFFF  }
0x33: {  	p0 =	sne.s32 s1, $0x0;
	_ =	strace $0x90000050  }
0x34: {  	s0 =	sadd.s32 @!p0 $0x100000, s0;
	[bflag:$0x2] =	sbarrier.arrive $0xFFFF  }
0x35: {  	[sflag:s0] =	ssyncadd.tile.s32 @!p0 $0x1;
	_ =	shalt  }
.Lfunc_end2:
_tile_overlayer_lowered:
.L_overlay_start_2:
0x36: {  	(tag) =	ssettag $0x2  }
0x37: {  	s0 =	rddreg [dreg:$0x0];
	s2 =	stileid.u32  }
0x38: {  	s1 =	rddreg [dreg:$0x1];
	p0 =	sne.s32 s2, $0x0  }
0x39: {  	s3 =	rddreg [dreg:$0x2];
	[bflag:$0x3] =	sbarrier.arrive $0xFFFF;
	s2 =	simm.s32 @!p0 $0x1C02  }
0x3a: {  	[timem:s3], [sflag:s2] =	dma.local @!p0 [hbm:s0], s1  }
0x3b: {  	s0 =	simm.s32 @!p0 $0x2  }
0x3c: {  	_ =	swait.ge @!p0 [sflag:s0], s1  }
0x3d: {  	s1 =	ssub.s32 @!p0 $0x0, s1;
	[sflag:s0] =	ssyncset.done @!p0 $0x0  }
0x3e: {  	[sflag:s0] =	ssyncadd.s32 @!p0 s1  }
0x3f: {  	[bflag:$0x3] =	sbarrier.arrive $0xFFFF  }
0x40: {  	_ =	shalt  }

// kernel: kernel.34.cloned.1.call-start
scs
__scs_entry_jumppad:
0x0: {  	(pc) =	sbr.rel $0x88, $3  }
0x1: {  	(tag) =	ssettag $0x0;
	lr =	simm.s32 $0x1  }
0x2: {  	[smem:$0x3F7F] =	sst lr;
	_ =	strace $0xD0000000  }
0x3: {  	_ = 	snop  }
0x4: {  	_ = 	snop  }
0x5: {  	_ = 	snop  }
0x6: {  	_ = 	snop  }
0x7: {  	_ = 	snop  }
__scs_overlays_trampoline_lowered:
0x8: {  	[smem:$0x3F8E] =	sst s0  }
0x9: {  	[smem:$0x3F8F] =	sst s1  }
0xa: {  	[smem:$0x3F90] =	sst s2  }
0xb: {  	[smem:$0x3F91] =	sst s3  }
0xc: {  	[smem:$0x3F92] =	sst s4  }
0xd: {  	[smem:$0x3F93] =	sst s5  }
0xe: {  	[smem:$0x3F94] =	sst s6  }
0xf: {  	[smem:$0x3F95] =	sst s7  }
0x10: {  	[smem:$0x3F96] =	sst s8  }
0x11: {  	[smem:$0x3F97] =	sst s9;
	s0 =	simm.s32 @!p0 $0x0  }
0x12: {  	s1 =	sld [smem:$0x3F7D];
	s0 =	simm.s32 @p0 $0x1  }
0x13: {  	[smem:$0x3F98] =	sst s0;
	s0 =	simm.s32 @!p1 $0x0  }
0x14: {  	s2 =	sld [smem:$0x3F7C];
	s0 =	simm.s32 @p1 $0x1  }
0x15: {  	[smem:$0x3F99] =	sst s0;
	s0 =	simm.s32 @!p2 $0x0  }
0x16: {  	s3 =	sld [smem:$0x3FDB];
	s0 =	simm.s32 @p2 $0x1  }
0x17: {  	s4 =	simm.s32 $0x1BF5;
	[smem:$0x3F9B] =	sst s0  }
0x18: {  	s0 =	sld [smem:$0x3F7E];
	_ =	swait.ge [sflag:s4], $0x0  }
0x19: {  	s7 =	sld [smem:$0x3F7F]  }
0x1a: {  	s8 =	sadd.s32 $0xFFFFE003, lr  }
0x1b: {  	s9 =	sadd.s32 $0xFFFFFEF7, lr;
	s5 =	simm.s32 $0xFFFFFFFF;
	p2 =	slt.u32 s8, $0xFFFFF086  }
0x1c: {  	p1 =	slt.u32 s9, $0xF7A;
	s5 =	simm.s32 @!p2 $0x0  }
0x1d: {  	s5 =	simm.s32 @p1 $0x1;
	p0 =	seq.s32 s7, s2  }
0x1e: {  	s7 =	smul.u32 @!p0 $0xF7A, s2;
	p2 =	seq.s32 @!p0 s5, $0x0  }
0x1f: {  	s9 =	smul.u32 $0xF7A, s1;
	s8 =	simm.s32 @!p0 $0x1BF5;
	p2 =	por !p2, p0  }
0x20: {  	[sflag:s8] =	ssyncset.s32 @!p0 $0xFFFFF086;
	s6 =	sadd.s32 @!p0 s3, s7;
	s7 =	simm.s32 @!p0 $0x108  }
0x21: {  	s3 =	sadd.s32 s3, s9;
	s6 =	sadd.s32 @!p0 $0x88, s6;
	s7 =	simm.s32 @p2 $0x1082  }
0x22: {  	[simem:s7], [sflag:s8] =	dma.local @!p0 [hbm:s6], $0xF7A  }
0x23: {  	s9 =	sor.u32 $0xD0000000, s2;
	s6 =	simm.s32 $0x108;
	_ =	swait.ge @!p0 [sflag:s8], $0x0  }
0x24: {  	s3 =	sadd.s32 $0x88, s3;
	s6 =	simm.s32 @!p1 $0x1082;
	[sflag:s4] =	ssyncset.s32 $0xFFFFF086  }
0x25: {  	[simem:s6], [sflag:s4] =	dma.local [hbm:s3], $0xF7A  }
0x26: {  	[smem:$0x3F7F] =	sst s1;
	(tag) =	ssettag s2;
	_ =	strace s9  }
0x27: {  	s1 =	sld [smem:$0x3F8F]  }
0x28: {  	s2 =	sld [smem:$0x3F90]  }
0x29: {  	s4 =	sld [smem:$0x3F92]  }
0x2a: {  	p0 =	seq.s32 s5, $0x0;
	s5 =	sld [smem:$0x3F93]  }
0x2b: {  	s6 =	sld [smem:$0x3F94]  }
0x2c: {  	s7 =	sld [smem:$0x3F95]  }
0x2d: {  	s3 =	simm.s32 $0x108;
	s8 =	sld [smem:$0x3F96]  }
0x2e: {  	s3 =	simm.s32 @!p0 $0x1082;
	s9 =	sld [smem:$0x3F97]  }
0x2f: {  	lr =	sadd.s32 s0, s3;
	s0 =	sld [smem:$0x3F8E]  }
0x30: {  	s3 =	sld [smem:$0x3F91]  }
0x31: {  	[smem:$0x3F9A] =	sst s10  }
0x32: {  	s10 =	sld [smem:$0x3F98];
	_ =	sdelay $0x3  }
0x33: {  	p0 =	seq.s32 s10, $0x1;
	s10 =	sld [smem:$0x3F9A];
	_ =	sdelay $0x3  }
0x34: {  	[smem:$0x3F9A] =	sst s10  }
0x35: {  	s10 =	sld [smem:$0x3F99];
	_ =	sdelay $0x3  }
0x36: {  	p1 =	seq.s32 s10, $0x1;
	s10 =	sld [smem:$0x3F9A];
	_ =	sdelay $0x3  }
0x37: {  	[smem:$0x3F9A] =	sst s10  }
0x38: {  	s10 =	sld [smem:$0x3F9B]  }
0x39: {  	_ = 	snop;
	(pc) =	sbr.ind lr, $3  }
0x3a: {  	_ = 	snop  }
0x3b: {  	_ = 	snop  }
0x3c: {  	p2 =	seq.s32 s10, $0x1;
	s10 =	sld [smem:$0x3F9A]  }
0x3d: {  	_ =	shalt  }
0x3e: {  	_ =	shalt  }
0x3f: {  	_ =	shalt  }
0x40: {  	_ =	shalt  }
0x41: {  	_ =	shalt  }
0x42: {  	_ =	shalt  }
0x43: {  	_ =	shalt  }
0x44: {  	_ =	shalt  }
0x45: {  	_ =	shalt  }
0x46: {  	_ =	shalt  }
0x47: {  	_ =	shalt  }
0x48: {  	_ =	shalt  }
0x49: {  	_ =	shalt  }
0x4a: {  	_ =	shalt  }
0x4b: {  	_ =	shalt  }
0x4c: {  	_ =	shalt  }
0x4d: {  	_ =	shalt  }
0x4e: {  	_ =	shalt  }
0x4f: {  	_ =	shalt  }
0x50: {  	_ =	shalt  }
0x51: {  	_ =	shalt  }
0x52: {  	_ =	shalt  }
0x53: {  	_ =	shalt  }
0x54: {  	_ =	shalt  }
0x55: {  	_ =	shalt  }
0x56: {  	_ =	shalt  }
0x57: {  	_ =	shalt  }
0x58: {  	_ =	shalt  }
0x59: {  	_ =	shalt  }
0x5a: {  	_ =	shalt  }
0x5b: {  	_ =	shalt  }
0x5c: {  	_ =	shalt  }
0x5d: {  	_ =	shalt  }
0x5e: {  	_ =	shalt  }
0x5f: {  	_ =	shalt  }
0x60: {  	_ =	shalt  }
0x61: {  	_ =	shalt  }
0x62: {  	_ =	shalt  }
0x63: {  	_ =	shalt  }
0x64: {  	_ =	shalt  }
0x65: {  	_ =	shalt  }
0x66: {  	_ =	shalt  }
0x67: {  	_ =	shalt  }
0x68: {  	_ =	shalt  }
0x69: {  	_ =	shalt  }
0x6a: {  	_ =	shalt  }
0x6b: {  	_ =	shalt  }
0x6c: {  	_ =	shalt  }
0x6d: {  	_ =	shalt  }
0x6e: {  	_ =	shalt  }
0x6f: {  	_ =	shalt  }
0x70: {  	_ =	shalt  }
0x71: {  	_ =	shalt  }
0x72: {  	_ =	shalt  }
0x73: {  	_ =	shalt  }
0x74: {  	_ =	shalt  }
0x75: {  	_ =	shalt  }
0x76: {  	_ =	shalt  }
0x77: {  	_ =	shalt  }
0x78: {  	_ =	shalt  }
0x79: {  	_ =	shalt  }
0x7a: {  	_ =	shalt  }
0x7b: {  	_ =	shalt  }
0x7c: {  	_ =	shalt  }
0x7d: {  	_ =	shalt  }
0x7e: {  	_ =	shalt  }
0x7f: {  	_ =	shalt  }
0x80: {  	_ =	shalt  }
0x81: {  	_ =	shalt  }
0x82: {  	_ =	shalt  }
0x83: {  	_ =	shalt  }
0x84: {  	_ =	shalt  }
0x85: {  	_ =	shalt  }
0x86: {  	_ =	shalt  }
0x87: {  	_ =	shalt  }
.Lfunc_end0:
.L_simem_size_0:
called_computation.4_lowered:
.L_overlay_start_0:
0x88: {  	s2 =	sld [smem:$0x3FD9]  }
0x89: {  	s3 =	sld [smem:$0x3FFE];
	_ =	sdelay $0x1  }
0x8a: {  	s1 =	srdreg.scid  }
0x8b: {  	s0 =	sand.u32 $0x1, s1  }
0x8c: {  	s16 =	sshll.u32 s0, $0xA;
	s2 =	sadd.s32 s3, s2  }
0x8d: {  	s2 =	sadd.s32 s2, s16  }
0x8e: {  	[smem:$0x3FA6] =	sst s2  }
0x8f: {  	_ = 	snop  }
0x90: {  	(tm) =	ssettm $0x1  }
0x91: {  	s17 =	sld [smem:$0x3FFB];
	_ =	sdelay $0x3  }
0x92: {  	_ =	strace s17  }
0x93: {  	s2 =	sld [smem:$0x3FFC];
	_ =	sdelay $0x3  }
0x94: {  	_ =	strace s2  }
0x95: {  	s2 =	sld [smem:$0x3FFD];
	_ =	sdelay $0x3  }
0x96: {  	_ =	strace s2  }
0x97: {  	_ =	strace $0x8FFFFFFF  }
0x98: {  	s18 =	sld [smem:$0x3FDB];
	_ =	sdelay $0x1  }
0x99: {  	s19 =	simm.s32 $_scs_section_size  }
0x9a: {  	s4 =	simm.s32 $_size__tile_overlayer_lowered;
	s5 =	simm.s32 $_tile_overlayer_lowered  }
0x9b: {  	s22 =	simm.s32 $0x1BFF;
	s21 =	sshll.u32 s5, $0x1;
	s2 =	sadd.s32 s19, s18  }
0x9c: {  	s6 =	simm.s32 $0x0;
	s20 =	sshll.u32 s4, $0x1;
	s4 =	sadd.s32 s21, s2  }
0x9d: {  	[timem:s6], [sflag:s22] =	dma.local [hbm:s4], s20  }
0x9e: {  	_ =	swait.ge [sflag:s22], s20  }
0x9f: {  	s3 =	ssub.s32 $0x0, s20;
	[sflag:s22] =	ssyncset.done $0x0  }
0xa0: {  	[sflag:s22] =	ssyncadd.s32 s3;
	_ =	sdelay $0x1  }
0xa1: {  	s23 =	simm.s32 $0x1B8B  }
0xa2: {  	_ =	swait.ge [sflag:s23], $0x1  }
0xa3: {  	[sflag:s23] =	ssyncset.done $0x0  }
0xa4: {  	s25 =	simm.s32 $0x1B8E;
	s24 =	sld [smem:$0x3FFE];
	[sflag:s23] =	ssyncadd.s32 $0xFFFFFFFF  }
0xa5: {  	s26 =	simm.s32 $execute0_lowered;
	[smem:$0x3FD2] =	sst s25  }
0xa6: {  	s4 =	sshll.u32 s26, $0x1;
	_ =	strace $0x80000052;
	[dreg:$0x1] =	wrdreg $0xFFFFFFFF  }
0xa7: {  	s28 =	simm.s32 $_size_execute0_lowered;
	s2 =	sadd.s32 s2, s4;
	[dreg:$0x0] =	wrdreg $0x0  }
0xa8: {  	s4 =	sshll.u32 s28, $0x1;
	[dreg:$0x2] =	wrdreg s2  }
0xa9: {  	[dreg:$0x3] =	wrdreg s4  }
0xaa: {  	[dreg:$0x4] =	wrdreg $0xC0  }
0xab: {  	_ =	task [dreg:s6], $0x5FFFF  }
0xac: {  	[dreg:$0x1] =	wrdreg $0xFFFFFFFF  }
0xad: {  	[dreg:$0x0] =	wrdreg $0x60  }
0xae: {  	[dreg:$0x2] =	wrdreg s24  }
0xaf: {  	[dreg:$0x3] =	wrdreg $0x10800  }
0xb0: {  	[dreg:$0x4] =	wrdreg $0x9  }
0xb1: {  	_ =	task.clear_ibuf [dreg:s6], $0x5FFFF;
	_ =	strace $0x90000052  }
0xb2: {  	s29 =	simm.s32 $0x9;
	_ =	strace $0x80000054  }
0xb3: {  	_ =	swait.ge [sflag:s29], $0x1  }
0xb4: {  	[sflag:s29] =	ssyncadd.s32 $0xFFFFFFFF  }
0xb5: {  	_ =	strace $0x90000054  }
0xb6: {  	_ =	sfence  }
0xb7: {  	s30 =	sld [smem:$0x0];
	_ =	sdelay $0x2  }
0xb8: {  	s31 =	sshll.u32 s1, $0xD;
	s1 =	sshrl.u32 s1, $0x2  }
0xb9: {  	s3 =	sand.u32 $0x4000, s31;
	s1 =	sadd.s32 s1, s30  }
0xba: {  	s0 =	sor.u32 s3, s0;
	s1 =	sshll.u32 s1, $0x11  }
0xbb: {  	s0 =	sor.u32 s1, s0  }
0xbc: {  	s0 =	sadd.s32 $0x8F2B, s0  }
0xbd: {  	[sflag:s0] =	ssyncadd.remote.s32 $0x1  }
0xbe: {  	_ =	sfence.sel $0xFFFF  }
0xbf: {  	[dreg:$0x0] =	wrdreg $0xFFFFFFFF;
	(pc) =	sbr.abs _section_cstart, $3  }
0xc0: {  	[dreg:$0x1] =	wrdreg $0xFFFFFFFF  }
0xc1: {  	_ =	task.clear_ibuf [dreg:s6], $0x2FFFF;
	_ =	strace $0x9FFFFFFF  }
0xc2: {  	(tm) =	ssettm $0x7FFFFFFF  }
0xc3: {  	_ =	shalt  }
tec
execute0_lowered:
.L_overlay_start_1:
0x0: {  	(tag) =	ssettag $0x1  }
0x1: {  	s0 =	stileid.u32;
	s1 =	srdreg.scid  }
0x2: {  	s5 =	rddreg [dreg:$0x0];
	s4 =	smul.u32 $0xA000, s0  }
0x3: {  	s2 =	rddreg [dreg:$0x1];
	s3 =	simm.s32 $0x0;
	s7 =	smul.u32 $0x2800, s0  }
0x4: {  	s6 =	sand.u32 $0x1, s1;
	s1 =	rddreg [dreg:$0x2];
	s9 =	smul.u32 $0x5000, s0  }
0x5: {  	[smem:$0x7FF] =	sst s3;
	s30 =	sshll.u32 s0, $0x6;
	s8 =	smul.u32 $0x1400, s6  }
0x6: {  	s24 =	smul.u32 $0x50000, s6;
	_ =	strace $0x80000053;
	s28 =	ssub.s32 $0x2, s6  }
0x7: {  	s13 =	smul.u32 $0x5000, s6;
	s10 =	sadd.s32 s4, s5;
	s26 =	sshrl.u32 s9, $0x3  }
0x8: {  	s29 =	sshrl.u32 s28, $0x1;
	s14 =	sadd.s32 s9, s2;
	s7 =	sadd.s32 s8, s7  }
0x9: {  	s25 =	sadd.s32 s9, s24;
	s8 =	ssub.s32 s28, s29;
	s31 =	sadd.s32 s13, s10  }
0xa: {  	s10 =	sshrl.u32 s14, $0x3;
	s13 =	simm.s32 $0x0;
	s7 =	sshrl.u32 s7, $0x3  }
0xb: {  	s4 =	sshrl.u32 s25, $0x3;
	s11 =	sadd.s32 s7, s5;
	s7 =	sadd.s32 s26, s5  }
0xc: {  	s12 =	sadd.s32 s4, s5;
	s5 =	sor.u32 $0x1C01, s30;
	s4 =	sadd.s32 $0x347800, s7  }
0xd: {  	s6 =	sadd.s32 $0x351800, s12;
	s7 =	smax.u32 s8, $0x1;
	s8 =	sadd.s32 $0x13600, s31  }
0xe: {  	s9 =	sadd.s32 $0xB3600, s11;
	s11 =	simm.s32 $0x1;
	s12 =	simm.s32 $0x80  }
.LBB2_1:
0xf: {  	[spmem:s10], [sflag:s5] =	dma.local [hbm:s4], $0xA00  }
0x10: {  	_ =	swait.ge [sflag:s11], $0xA00  }
0x11: {  	[sflag:s11] =	ssyncset.done $0x0  }
0x12: {  	[sflag:s11] =	ssyncadd.s32 $0xFFFFF600  }
0x13: {  	s14 =	sadd.s32 $0x0, s9;
	[bflag:$0x0] =	sbarrier.arrive $0xFFFF  }
0x14: {  	[tilespmem:s3], [sflag:$0x1] =	stream.linear.gather [hbm4b:s14+s3], $0x80, $0x38;
	[tilespmem:$0x6080] =	vst v63  }
0x15: {  	_ =	swait.ge [sflag:s11], $0x80  }
0x16: {  	[sflag:s11] =	ssyncset.done $0x0  }
0x17: {  	[sflag:s11] =	ssyncadd.s32 $0xFFFFFF80  }
0x18: {  	[tilespmem:s12], [sflag:$0x1] =	stream.linear.gather [hbm4b:s8+s3], $0x1000, $0x38;
	[tilespmem:$0x6080] =	vst v63  }
0x19: {  	_ =	swait.ge [sflag:s11], $0x1000  }
0x1a: {  	[sflag:s11] =	ssyncset.done $0x0  }
0x1b: {  	[sflag:s11] =	ssyncadd.s32 $0xFFFFF000  }
0x1c: {  	[spmem:s2] =	stream.indirect.scatter.add.f32 [tilespmem:s12], [sflag:$0x1], $0x20, s3, s12, $0xb8;
	[tilespmem:$0x6080] =	vst v63  }
0x1d: {  	s15 =	simm.s32 $0x10;
	_ =	swait.ge [sflag:s11], $0x1000  }
0x1e: {  	s16 =	simm.s32 $0x20;
	s14 =	sadd.s32 $0x200, s8;
	[sflag:s11] =	ssyncset.done $0x0  }
.LBB2_2:
0x1f: {  	s17 =	sadd.s32 s15, s9  }
0x20: {  	[sflag:s11] =	ssyncadd.s32 $0xFFFFF000;
	s15 =	smov.u32 s16;
	s18 =	sadd.s32 $0x10, s16  }
0x21: {  	[tilespmem:s3], [sflag:$0x1] =	stream.linear.gather [hbm4b:s17+s3], $0x80, $0x38;
	[tilespmem:$0x6080] =	vst v63  }
0x22: {  	p0 =	sne.s32 s16, $0x270;
	_ =	swait.ge [sflag:s11], $0x80  }
0x23: {  	[sflag:s11] =	ssyncset.done $0x0  }
0x24: {  	[sflag:s11] =	ssyncadd.s32 $0xFFFFFF80  }
0x25: {  	[tilespmem:s12], [sflag:$0x1] =	stream.linear.gather [hbm4b:s14+s3], $0x1000, $0x38;
	[tilespmem:$0x6080] =	vst v63  }
0x26: {  	_ =	swait.ge [sflag:s11], $0x1000  }
.Ltmp0:
0x27: {  	[sflag:s11] =	ssyncset.done $0x0;
	(pc) =	sbr.rel @p0 .LBB2_2-.Ltmp0, $4  }
0x28: {  	[sflag:s11] =	ssyncadd.s32 $0xFFFFF000  }
0x29: {  	[spmem:s2] =	stream.indirect.scatter.add.f32 [tilespmem:s12], [sflag:$0x1], $0x20, s3, s12, $0xb8;
	[tilespmem:$0x6080] =	vst v63  }
0x2a: {  	_ =	swait.ge [sflag:s11], $0x1000  }
0x2b: {  	s16 =	smov.u32 s18;
	s14 =	sadd.s32 $0x200, s14;
	[sflag:s11] =	ssyncset.done $0x0  }
0x2c: {  	s15 =	sadd.s32 s15, s9;
	[sflag:s11] =	ssyncadd.s32 $0xFFFFF000  }
0x2d: {  	[tilespmem:s3], [sflag:$0x1] =	stream.linear.gather [hbm4b:s15+s3], $0x80, $0x38;
	[tilespmem:$0x6080] =	vst v63  }
0x2e: {  	_ =	swait.ge [sflag:s11], $0x80  }
0x2f: {  	[sflag:s11] =	ssyncset.done $0x0  }
0x30: {  	[sflag:s11] =	ssyncadd.s32 $0xFFFFFF80  }
0x31: {  	[tilespmem:s12], [sflag:$0x1] =	stream.linear.gather [hbm4b:s14+s3], $0x1000, $0x38;
	[tilespmem:$0x6080] =	vst v63  }
0x32: {  	_ =	swait.ge [sflag:s11], $0x1000  }
0x33: {  	[sflag:s11] =	ssyncset.done $0x0  }
0x34: {  	[sflag:s11] =	ssyncadd.s32 $0xFFFFF000  }
0x35: {  	[spmem:s2] =	stream.indirect.scatter.add.f32 [tilespmem:s12], [sflag:$0x1], $0x20, s3, s12, $0xb8;
	[tilespmem:$0x6080] =	vst v63  }
0x36: {  	_ =	swait.ge [sflag:s11], $0x1000  }
0x37: {  	s13 =	sadd.s32 $0x1, s13;
	[sflag:s11] =	ssyncset.done $0x0  }
0x38: {  	p0 =	sne.s32 s13, s7;
	[sflag:s11] =	ssyncadd.s32 $0xFFFFF000  }
.Ltmp1:
0x39: {  	[bflag:$0x0] =	sbarrier.arrive $0xFFFF;
	(pc) =	sbr.rel @p0 .LBB2_1-.Ltmp1, $4  }
0x3a: {  	[hbm:s6], [sflag:s5] =	dma.local [spmem:s10], $0xA00  }
0x3b: {  	_ =	swait.ge [sflag:s11], $0xA00  }
0x3c: {  	[sflag:s11] =	ssyncset.done $0x0  }
0x3d: {  	[sflag:s11] =	ssyncadd.s32 $0xFFFFF600  }
0x3e: {  	_ =	sfence.sel $0x180000  }
0x3f: {  	[bflag:$0x0] =	sbarrier.arrive $0xFFFF  }
0x40: {  	p0 =	sne.s32 s0, $0x0;
	_ =	strace $0x90000053  }
0x41: {  	s0 =	sadd.s32 @!p0 $0x100000, s1;
	[bflag:$0x2] =	sbarrier.arrive $0xFFFF  }
0x42: {  	[sflag:s0] =	ssyncadd.tile.s32 @!p0 $0x1;
	_ =	shalt  }
.Lfunc_end2:
_tile_overlayer_lowered:
.L_overlay_start_2:
0x43: {  	(tag) =	ssettag $0x2  }
0x44: {  	s0 =	rddreg [dreg:$0x0];
	s2 =	stileid.u32  }
0x45: {  	s1 =	rddreg [dreg:$0x1];
	p0 =	sne.s32 s2, $0x0  }
0x46: {  	s3 =	rddreg [dreg:$0x2];
	[bflag:$0x3] =	sbarrier.arrive $0xFFFF;
	s2 =	simm.s32 @!p0 $0x1C01  }
0x47: {  	[timem:s3], [sflag:s2] =	dma.local @!p0 [hbm:s0], s1  }
0x48: {  	s0 =	simm.s32 @!p0 $0x1  }
0x49: {  	_ =	swait.ge @!p0 [sflag:s0], s1  }
0x4a: {  	s1 =	ssub.s32 @!p0 $0x0, s1;
	[sflag:s0] =	ssyncset.done @!p0 $0x0  }
0x4b: {  	[sflag:s0] =	ssyncadd.s32 @!p0 s1  }
0x4c: {  	[bflag:$0x3] =	sbarrier.arrive $0xFFFF  }
0x4d: {  	_ =	shalt  }

// kernel: kernel.37.cloned.1.call-start
scs
__scs_entry_jumppad:
0x0: {  	(pc) =	sbr.rel $0x88, $3  }
0x1: {  	(tag) =	ssettag $0x0;
	lr =	simm.s32 $0x1  }
0x2: {  	[smem:$0x3F7F] =	sst lr;
	_ =	strace $0xD0000000  }
0x3: {  	_ = 	snop  }
0x4: {  	_ = 	snop  }
0x5: {  	_ = 	snop  }
0x6: {  	_ = 	snop  }
0x7: {  	_ = 	snop  }
__scs_overlays_trampoline_lowered:
0x8: {  	[smem:$0x3F8E] =	sst s0  }
0x9: {  	[smem:$0x3F8F] =	sst s1  }
0xa: {  	[smem:$0x3F90] =	sst s2  }
0xb: {  	[smem:$0x3F91] =	sst s3  }
0xc: {  	[smem:$0x3F92] =	sst s4  }
0xd: {  	[smem:$0x3F93] =	sst s5  }
0xe: {  	[smem:$0x3F94] =	sst s6  }
0xf: {  	[smem:$0x3F95] =	sst s7  }
0x10: {  	[smem:$0x3F96] =	sst s8  }
0x11: {  	[smem:$0x3F97] =	sst s9;
	s0 =	simm.s32 @!p0 $0x0  }
0x12: {  	s1 =	sld [smem:$0x3F7D];
	s0 =	simm.s32 @p0 $0x1  }
0x13: {  	[smem:$0x3F98] =	sst s0;
	s0 =	simm.s32 @!p1 $0x0  }
0x14: {  	s2 =	sld [smem:$0x3F7C];
	s0 =	simm.s32 @p1 $0x1  }
0x15: {  	[smem:$0x3F99] =	sst s0;
	s0 =	simm.s32 @!p2 $0x0  }
0x16: {  	s3 =	sld [smem:$0x3FDB];
	s0 =	simm.s32 @p2 $0x1  }
0x17: {  	s4 =	simm.s32 $0x1BF5;
	[smem:$0x3F9B] =	sst s0  }
0x18: {  	s0 =	sld [smem:$0x3F7E];
	_ =	swait.ge [sflag:s4], $0x0  }
0x19: {  	s7 =	sld [smem:$0x3F7F]  }
0x1a: {  	s8 =	sadd.s32 $0xFFFFE003, lr  }
0x1b: {  	s9 =	sadd.s32 $0xFFFFFEF7, lr;
	s5 =	simm.s32 $0xFFFFFFFF;
	p2 =	slt.u32 s8, $0xFFFFF086  }
0x1c: {  	p1 =	slt.u32 s9, $0xF7A;
	s5 =	simm.s32 @!p2 $0x0  }
0x1d: {  	s5 =	simm.s32 @p1 $0x1;
	p0 =	seq.s32 s7, s2  }
0x1e: {  	s7 =	smul.u32 @!p0 $0xF7A, s2;
	p2 =	seq.s32 @!p0 s5, $0x0  }
0x1f: {  	s9 =	smul.u32 $0xF7A, s1;
	s8 =	simm.s32 @!p0 $0x1BF5;
	p2 =	por !p2, p0  }
0x20: {  	[sflag:s8] =	ssyncset.s32 @!p0 $0xFFFFF086;
	s6 =	sadd.s32 @!p0 s3, s7;
	s7 =	simm.s32 @!p0 $0x108  }
0x21: {  	s3 =	sadd.s32 s3, s9;
	s6 =	sadd.s32 @!p0 $0x88, s6;
	s7 =	simm.s32 @p2 $0x1082  }
0x22: {  	[simem:s7], [sflag:s8] =	dma.local @!p0 [hbm:s6], $0xF7A  }
0x23: {  	s9 =	sor.u32 $0xD0000000, s2;
	s6 =	simm.s32 $0x108;
	_ =	swait.ge @!p0 [sflag:s8], $0x0  }
0x24: {  	s3 =	sadd.s32 $0x88, s3;
	s6 =	simm.s32 @!p1 $0x1082;
	[sflag:s4] =	ssyncset.s32 $0xFFFFF086  }
0x25: {  	[simem:s6], [sflag:s4] =	dma.local [hbm:s3], $0xF7A  }
0x26: {  	[smem:$0x3F7F] =	sst s1;
	(tag) =	ssettag s2;
	_ =	strace s9  }
0x27: {  	s1 =	sld [smem:$0x3F8F]  }
0x28: {  	s2 =	sld [smem:$0x3F90]  }
0x29: {  	s4 =	sld [smem:$0x3F92]  }
0x2a: {  	p0 =	seq.s32 s5, $0x0;
	s5 =	sld [smem:$0x3F93]  }
0x2b: {  	s6 =	sld [smem:$0x3F94]  }
0x2c: {  	s7 =	sld [smem:$0x3F95]  }
0x2d: {  	s3 =	simm.s32 $0x108;
	s8 =	sld [smem:$0x3F96]  }
0x2e: {  	s3 =	simm.s32 @!p0 $0x1082;
	s9 =	sld [smem:$0x3F97]  }
0x2f: {  	lr =	sadd.s32 s0, s3;
	s0 =	sld [smem:$0x3F8E]  }
0x30: {  	s3 =	sld [smem:$0x3F91]  }
0x31: {  	[smem:$0x3F9A] =	sst s10  }
0x32: {  	s10 =	sld [smem:$0x3F98];
	_ =	sdelay $0x3  }
0x33: {  	p0 =	seq.s32 s10, $0x1;
	s10 =	sld [smem:$0x3F9A];
	_ =	sdelay $0x3  }
0x34: {  	[smem:$0x3F9A] =	sst s10  }
0x35: {  	s10 =	sld [smem:$0x3F99];
	_ =	sdelay $0x3  }
0x36: {  	p1 =	seq.s32 s10, $0x1;
	s10 =	sld [smem:$0x3F9A];
	_ =	sdelay $0x3  }
0x37: {  	[smem:$0x3F9A] =	sst s10  }
0x38: {  	s10 =	sld [smem:$0x3F9B]  }
0x39: {  	_ = 	snop;
	(pc) =	sbr.ind lr, $3  }
0x3a: {  	_ = 	snop  }
0x3b: {  	_ = 	snop  }
0x3c: {  	p2 =	seq.s32 s10, $0x1;
	s10 =	sld [smem:$0x3F9A]  }
0x3d: {  	_ =	shalt  }
0x3e: {  	_ =	shalt  }
0x3f: {  	_ =	shalt  }
0x40: {  	_ =	shalt  }
0x41: {  	_ =	shalt  }
0x42: {  	_ =	shalt  }
0x43: {  	_ =	shalt  }
0x44: {  	_ =	shalt  }
0x45: {  	_ =	shalt  }
0x46: {  	_ =	shalt  }
0x47: {  	_ =	shalt  }
0x48: {  	_ =	shalt  }
0x49: {  	_ =	shalt  }
0x4a: {  	_ =	shalt  }
0x4b: {  	_ =	shalt  }
0x4c: {  	_ =	shalt  }
0x4d: {  	_ =	shalt  }
0x4e: {  	_ =	shalt  }
0x4f: {  	_ =	shalt  }
0x50: {  	_ =	shalt  }
0x51: {  	_ =	shalt  }
0x52: {  	_ =	shalt  }
0x53: {  	_ =	shalt  }
0x54: {  	_ =	shalt  }
0x55: {  	_ =	shalt  }
0x56: {  	_ =	shalt  }
0x57: {  	_ =	shalt  }
0x58: {  	_ =	shalt  }
0x59: {  	_ =	shalt  }
0x5a: {  	_ =	shalt  }
0x5b: {  	_ =	shalt  }
0x5c: {  	_ =	shalt  }
0x5d: {  	_ =	shalt  }
0x5e: {  	_ =	shalt  }
0x5f: {  	_ =	shalt  }
0x60: {  	_ =	shalt  }
0x61: {  	_ =	shalt  }
0x62: {  	_ =	shalt  }
0x63: {  	_ =	shalt  }
0x64: {  	_ =	shalt  }
0x65: {  	_ =	shalt  }
0x66: {  	_ =	shalt  }
0x67: {  	_ =	shalt  }
0x68: {  	_ =	shalt  }
0x69: {  	_ =	shalt  }
0x6a: {  	_ =	shalt  }
0x6b: {  	_ =	shalt  }
0x6c: {  	_ =	shalt  }
0x6d: {  	_ =	shalt  }
0x6e: {  	_ =	shalt  }
0x6f: {  	_ =	shalt  }
0x70: {  	_ =	shalt  }
0x71: {  	_ =	shalt  }
0x72: {  	_ =	shalt  }
0x73: {  	_ =	shalt  }
0x74: {  	_ =	shalt  }
0x75: {  	_ =	shalt  }
0x76: {  	_ =	shalt  }
0x77: {  	_ =	shalt  }
0x78: {  	_ =	shalt  }
0x79: {  	_ =	shalt  }
0x7a: {  	_ =	shalt  }
0x7b: {  	_ =	shalt  }
0x7c: {  	_ =	shalt  }
0x7d: {  	_ =	shalt  }
0x7e: {  	_ =	shalt  }
0x7f: {  	_ =	shalt  }
0x80: {  	_ =	shalt  }
0x81: {  	_ =	shalt  }
0x82: {  	_ =	shalt  }
0x83: {  	_ =	shalt  }
0x84: {  	_ =	shalt  }
0x85: {  	_ =	shalt  }
0x86: {  	_ =	shalt  }
0x87: {  	_ =	shalt  }
.Lfunc_end0:
.L_simem_size_0:
called_computation.5_lowered:
.L_overlay_start_0:
0x88: {  	s2 =	sld [smem:$0x3FD9]  }
0x89: {  	s3 =	sld [smem:$0x3FFE];
	_ =	sdelay $0x1  }
0x8a: {  	s1 =	srdreg.scid  }
0x8b: {  	s0 =	sand.u32 $0x1, s1  }
0x8c: {  	s16 =	sshll.u32 s0, $0xA;
	s2 =	sadd.s32 s3, s2  }
0x8d: {  	s2 =	sadd.s32 s2, s16  }
0x8e: {  	[smem:$0x3FA6] =	sst s2  }
0x8f: {  	_ = 	snop  }
0x90: {  	(tm) =	ssettm $0x1  }
0x91: {  	s17 =	sld [smem:$0x3FFB];
	_ =	sdelay $0x3  }
0x92: {  	_ =	strace s17  }
0x93: {  	s2 =	sld [smem:$0x3FFC];
	_ =	sdelay $0x3  }
0x94: {  	_ =	strace s2  }
0x95: {  	s2 =	sld [smem:$0x3FFD];
	_ =	sdelay $0x3  }
0x96: {  	_ =	strace s2  }
0x97: {  	_ =	strace $0x8FFFFFFF  }
0x98: {  	s18 =	sld [smem:$0x3FDB];
	_ =	sdelay $0x1  }
0x99: {  	s19 =	simm.s32 $_scs_section_size  }
0x9a: {  	s4 =	simm.s32 $_size__tile_overlayer_lowered;
	s5 =	simm.s32 $_tile_overlayer_lowered  }
0x9b: {  	s22 =	simm.s32 $0x1BFF;
	s21 =	sshll.u32 s5, $0x1;
	s2 =	sadd.s32 s19, s18  }
0x9c: {  	s6 =	simm.s32 $0x0;
	s20 =	sshll.u32 s4, $0x1;
	s4 =	sadd.s32 s21, s2  }
0x9d: {  	[timem:s6], [sflag:s22] =	dma.local [hbm:s4], s20  }
0x9e: {  	_ =	swait.ge [sflag:s22], s20  }
0x9f: {  	s3 =	ssub.s32 $0x0, s20;
	[sflag:s22] =	ssyncset.done $0x0  }
0xa0: {  	[sflag:s22] =	ssyncadd.s32 s3;
	_ =	sdelay $0x1  }
0xa1: {  	s23 =	simm.s32 $0x1B8B  }
0xa2: {  	_ =	swait.ge [sflag:s23], $0x1  }
0xa3: {  	[sflag:s23] =	ssyncset.done $0x0  }
0xa4: {  	s25 =	simm.s32 $0x1B8E;
	s24 =	sld [smem:$0x3FFE];
	[sflag:s23] =	ssyncadd.s32 $0xFFFFFFFF  }
0xa5: {  	s26 =	simm.s32 $execute0_lowered;
	[smem:$0x3FD2] =	sst s25  }
0xa6: {  	s4 =	sshll.u32 s26, $0x1;
	_ =	strace $0x80000055;
	[dreg:$0x1] =	wrdreg $0xFFFFFFFF  }
0xa7: {  	s28 =	simm.s32 $_size_execute0_lowered;
	s2 =	sadd.s32 s2, s4;
	[dreg:$0x0] =	wrdreg $0x0  }
0xa8: {  	s4 =	sshll.u32 s28, $0x1;
	[dreg:$0x2] =	wrdreg s2  }
0xa9: {  	[dreg:$0x3] =	wrdreg s4  }
0xaa: {  	[dreg:$0x4] =	wrdreg $0xC0  }
0xab: {  	_ =	task [dreg:s6], $0x5FFFF  }
0xac: {  	[dreg:$0x1] =	wrdreg $0xFFFFFFFF  }
0xad: {  	[dreg:$0x0] =	wrdreg $0x60  }
0xae: {  	[dreg:$0x2] =	wrdreg s24  }
0xaf: {  	[dreg:$0x3] =	wrdreg $0x9  }
0xb0: {  	_ =	task.clear_ibuf [dreg:s6], $0x4FFFF;
	_ =	strace $0x90000055  }
0xb1: {  	s29 =	simm.s32 $0x9;
	_ =	strace $0x80000057  }
0xb2: {  	_ =	swait.ge [sflag:s29], $0x1  }
0xb3: {  	[sflag:s29] =	ssyncadd.s32 $0xFFFFFFFF  }
0xb4: {  	_ =	strace $0x90000057  }
0xb5: {  	_ =	sfence  }
0xb6: {  	s30 =	sld [smem:$0x0];
	_ =	sdelay $0x2  }
0xb7: {  	s31 =	sshll.u32 s1, $0xD;
	s1 =	sshrl.u32 s1, $0x2  }
0xb8: {  	s3 =	sand.u32 $0x4000, s31;
	s1 =	sadd.s32 s1, s30  }
0xb9: {  	s0 =	sor.u32 s3, s0;
	s1 =	sshll.u32 s1, $0x11  }
0xba: {  	s0 =	sor.u32 s1, s0  }
0xbb: {  	s0 =	sadd.s32 $0x8F2B, s0  }
0xbc: {  	[sflag:s0] =	ssyncadd.remote.s32 $0x1  }
0xbd: {  	_ =	sfence.sel $0xFFFF  }
0xbe: {  	[dreg:$0x0] =	wrdreg $0xFFFFFFFF;
	(pc) =	sbr.abs _section_cstart, $3  }
0xbf: {  	[dreg:$0x1] =	wrdreg $0xFFFFFFFF  }
0xc0: {  	_ =	task.clear_ibuf [dreg:s6], $0x2FFFF;
	_ =	strace $0x9FFFFFFF  }
0xc1: {  	(tm) =	ssettm $0x7FFFFFFF  }
tec
execute0_lowered:
.L_overlay_start_1:
0x0: {  	(tag) =	ssettag $0x1  }
0x1: {  	s4 =	rddreg [dreg:$0x0]  }
0x2: {  	s0 =	rddreg [dreg:$0x1];
	s2 =	simm.s32 $0x0;
	s1 =	stileid.u32  }
0x3: {  	s3 =	srdreg.scid;
	s10 =	simm.s32 $0x0;
	s6 =	smul.u32 $0x2800, s1  }
0x4: {  	[smem:$0x7FF] =	sst s2;
	s5 =	sand.u32 $0x1, s3;
	s8 =	smul.u32 $0xA000, s1  }
0x5: {  	s3 =	sadd.s32 $0x4800, s4;
	s7 =	smul.u32 $0x1400, s5;
	s9 =	ssub.s32 $0x2, s5  }
0x6: {  	_ =	strace $0x80000056;
	s5 =	smul.u32 $0x5000, s5;
	s31 =	sshrl.u32 s9, $0x1  }
0x7: {  	s8 =	sadd.s32 s8, s4;
	s6 =	sadd.s32 s7, s6;
	s7 =	ssub.s32 s9, s31  }
0x8: {  	s5 =	sadd.s32 s5, s8;
	s8 =	simm.s32 $0x80;
	s6 =	sshrl.u32 s6, $0x3  }
0x9: {  	s9 =	simm.s32 $0x1;
	s5 =	sadd.s32 $0x13600, s5;
	s6 =	sadd.s32 s6, s4  }
0xa: {  	s4 =	smax.u32 s7, $0x1;
	s7 =	simm.s32 $0x2;
	s6 =	sadd.s32 $0xE600, s6  }
.LBB2_1:
0xb: {  	s11 =	sadd.s32 $0x0, s6  }
0xc: {  	[tilespmem:s2], [sflag:$0x2] =	stream.linear.gather [hbm4b:s11+s2], $0x80, $0x38;
	[tilespmem:$0x1080] =	vst v63  }
0xd: {  	_ =	swait.ge [sflag:s7], $0x80  }
0xe: {  	[sflag:s7] =	ssyncset.done $0x0  }
0xf: {  	[sflag:s7] =	ssyncadd.s32 $0xFFFFFF80  }
0x10: {  	[tilespmem:s8], [sflag:$0x1] =	stream.indirect.gather [hbm4b:s3+s8], $0x20, s2, s8, $0xb8;
	[tilespmem:$0x1080] =	vst v63  }
0x11: {  	_ =	swait.ge [sflag:s9], $0x1000  }
0x12: {  	[sflag:s9] =	ssyncset.done $0x0  }
0x13: {  	[sflag:s9] =	ssyncadd.s32 $0xFFFFF000  }
0x14: {  	[hbm4b:s5+s2] =	stream.linear.scatter [tilespmem:s8], [sflag:$0x2], $0x1000, $0x38;
	[tilespmem:$0x1080] =	vst v63  }
0x15: {  	s12 =	simm.s32 $0x10;
	_ =	swait.ge [sflag:s7], $0x1000  }
0x16: {  	s13 =	simm.s32 $0x20;
	s11 =	sadd.s32 $0x200, s5;
	[sflag:s7] =	ssyncset.done $0x0  }
.LBB2_2:
0x17: {  	s14 =	sadd.s32 s12, s6  }
0x18: {  	[sflag:s7] =	ssyncadd.s32 $0xFFFFF000;
	s12 =	smov.u32 s13;
	s15 =	sadd.s32 $0x10, s13  }
0x19: {  	[tilespmem:s2], [sflag:$0x2] =	stream.linear.gather [hbm4b:s14+s2], $0x80, $0x38;
	[tilespmem:$0x1080] =	vst v63  }
0x1a: {  	p0 =	sne.s32 s13, $0x270;
	_ =	swait.ge [sflag:s7], $0x80  }
0x1b: {  	[sflag:s7] =	ssyncset.done $0x0  }
0x1c: {  	[sflag:s7] =	ssyncadd.s32 $0xFFFFFF80  }
0x1d: {  	[tilespmem:s8], [sflag:$0x1] =	stream.indirect.gather [hbm4b:s3+s8], $0x20, s2, s8, $0xb8;
	[tilespmem:$0x1080] =	vst v63  }
0x1e: {  	_ =	swait.ge [sflag:s9], $0x1000  }
.Ltmp0:
0x1f: {  	[sflag:s9] =	ssyncset.done $0x0;
	(pc) =	sbr.rel @p0 .LBB2_2-.Ltmp0, $4  }
0x20: {  	[sflag:s9] =	ssyncadd.s32 $0xFFFFF000  }
0x21: {  	[hbm4b:s11+s2] =	stream.linear.scatter [tilespmem:s8], [sflag:$0x2], $0x1000, $0x38;
	[tilespmem:$0x1080] =	vst v63  }
0x22: {  	_ =	swait.ge [sflag:s7], $0x1000  }
0x23: {  	s13 =	smov.u32 s15;
	s11 =	sadd.s32 $0x200, s11;
	[sflag:s7] =	ssyncset.done $0x0  }
0x24: {  	s12 =	sadd.s32 s12, s6;
	[sflag:s7] =	ssyncadd.s32 $0xFFFFF000  }
0x25: {  	[tilespmem:s2], [sflag:$0x2] =	stream.linear.gather [hbm4b:s12+s2], $0x80, $0x38;
	[tilespmem:$0x1080] =	vst v63  }
0x26: {  	_ =	swait.ge [sflag:s7], $0x80  }
0x27: {  	[sflag:s7] =	ssyncset.done $0x0  }
0x28: {  	[sflag:s7] =	ssyncadd.s32 $0xFFFFFF80  }
0x29: {  	[tilespmem:s8], [sflag:$0x1] =	stream.indirect.gather [hbm4b:s3+s8], $0x20, s2, s8, $0xb8;
	[tilespmem:$0x1080] =	vst v63  }
0x2a: {  	s10 =	sadd.s32 $0x1, s10;
	_ =	swait.ge [sflag:s9], $0x1000  }
0x2b: {  	p0 =	sne.s32 s10, s4;
	[sflag:s9] =	ssyncset.done $0x0  }
.Ltmp1:
0x2c: {  	[sflag:s9] =	ssyncadd.s32 $0xFFFFF000;
	(pc) =	sbr.rel @p0 .LBB2_1-.Ltmp1, $4  }
0x2d: {  	[hbm4b:s11+s2] =	stream.linear.scatter [tilespmem:s8], [sflag:$0x2], $0x1000, $0x38;
	[tilespmem:$0x1080] =	vst v63  }
0x2e: {  	_ =	swait.ge [sflag:s7], $0x1000  }
0x2f: {  	[sflag:s7] =	ssyncset.done $0x0  }
0x30: {  	[sflag:s7] =	ssyncadd.s32 $0xFFFFF000  }
0x31: {  	_ =	sfence.sel $0x180000  }
0x32: {  	[bflag:$0x0] =	sbarrier.arrive $0xFFFF  }
0x33: {  	p0 =	sne.s32 s1, $0x0;
	_ =	strace $0x90000056  }
0x34: {  	s0 =	sadd.s32 @!p0 $0x100000, s0;
	[bflag:$0x2] =	sbarrier.arrive $0xFFFF  }
0x35: {  	[sflag:s0] =	ssyncadd.tile.s32 @!p0 $0x1;
	_ =	shalt  }
.Lfunc_end2:
_tile_overlayer_lowered:
.L_overlay_start_2:
0x36: {  	(tag) =	ssettag $0x2  }
0x37: {  	s0 =	rddreg [dreg:$0x0];
	s2 =	stileid.u32  }
0x38: {  	s1 =	rddreg [dreg:$0x1];
	p0 =	sne.s32 s2, $0x0  }
0x39: {  	s3 =	rddreg [dreg:$0x2];
	[bflag:$0x3] =	sbarrier.arrive $0xFFFF;
	s2 =	simm.s32 @!p0 $0x1C02  }
0x3a: {  	[timem:s3], [sflag:s2] =	dma.local @!p0 [hbm:s0], s1  }
0x3b: {  	s0 =	simm.s32 @!p0 $0x2  }
0x3c: {  	_ =	swait.ge @!p0 [sflag:s0], s1  }
0x3d: {  	s1 =	ssub.s32 @!p0 $0x0, s1;
	[sflag:s0] =	ssyncset.done @!p0 $0x0  }
0x3e: {  	[sflag:s0] =	ssyncadd.s32 @!p0 s1  }
0x3f: {  	[bflag:$0x3] =	sbarrier.arrive $0xFFFF  }
0x40: {  	_ =	shalt  }

// kernel: kernel.40.cloned.1.call-start
scs
__scs_entry_jumppad:
0x0: {  	(pc) =	sbr.rel $0x88, $3  }
0x1: {  	(tag) =	ssettag $0x0;
	lr =	simm.s32 $0x1  }
0x2: {  	[smem:$0x3F7F] =	sst lr;
	_ =	strace $0xD0000000  }
0x3: {  	_ = 	snop  }
0x4: {  	_ = 	snop  }
0x5: {  	_ = 	snop  }
0x6: {  	_ = 	snop  }
0x7: {  	_ = 	snop  }
__scs_overlays_trampoline_lowered:
0x8: {  	[smem:$0x3F8E] =	sst s0  }
0x9: {  	[smem:$0x3F8F] =	sst s1  }
0xa: {  	[smem:$0x3F90] =	sst s2  }
0xb: {  	[smem:$0x3F91] =	sst s3  }
0xc: {  	[smem:$0x3F92] =	sst s4  }
0xd: {  	[smem:$0x3F93] =	sst s5  }
0xe: {  	[smem:$0x3F94] =	sst s6  }
0xf: {  	[smem:$0x3F95] =	sst s7  }
0x10: {  	[smem:$0x3F96] =	sst s8  }
0x11: {  	[smem:$0x3F97] =	sst s9;
	s0 =	simm.s32 @!p0 $0x0  }
0x12: {  	s1 =	sld [smem:$0x3F7D];
	s0 =	simm.s32 @p0 $0x1  }
0x13: {  	[smem:$0x3F98] =	sst s0;
	s0 =	simm.s32 @!p1 $0x0  }
0x14: {  	s2 =	sld [smem:$0x3F7C];
	s0 =	simm.s32 @p1 $0x1  }
0x15: {  	[smem:$0x3F99] =	sst s0;
	s0 =	simm.s32 @!p2 $0x0  }
0x16: {  	s3 =	sld [smem:$0x3FDB];
	s0 =	simm.s32 @p2 $0x1  }
0x17: {  	s4 =	simm.s32 $0x1BF5;
	[smem:$0x3F9B] =	sst s0  }
0x18: {  	s0 =	sld [smem:$0x3F7E];
	_ =	swait.ge [sflag:s4], $0x0  }
0x19: {  	s7 =	sld [smem:$0x3F7F]  }
0x1a: {  	s8 =	sadd.s32 $0xFFFFE003, lr  }
0x1b: {  	s9 =	sadd.s32 $0xFFFFFEF7, lr;
	s5 =	simm.s32 $0xFFFFFFFF;
	p2 =	slt.u32 s8, $0xFFFFF086  }
0x1c: {  	p1 =	slt.u32 s9, $0xF7A;
	s5 =	simm.s32 @!p2 $0x0  }
0x1d: {  	s5 =	simm.s32 @p1 $0x1;
	p0 =	seq.s32 s7, s2  }
0x1e: {  	s7 =	smul.u32 @!p0 $0xF7A, s2;
	p2 =	seq.s32 @!p0 s5, $0x0  }
0x1f: {  	s9 =	smul.u32 $0xF7A, s1;
	s8 =	simm.s32 @!p0 $0x1BF5;
	p2 =	por !p2, p0  }
0x20: {  	[sflag:s8] =	ssyncset.s32 @!p0 $0xFFFFF086;
	s6 =	sadd.s32 @!p0 s3, s7;
	s7 =	simm.s32 @!p0 $0x108  }
0x21: {  	s3 =	sadd.s32 s3, s9;
	s6 =	sadd.s32 @!p0 $0x88, s6;
	s7 =	simm.s32 @p2 $0x1082  }
0x22: {  	[simem:s7], [sflag:s8] =	dma.local @!p0 [hbm:s6], $0xF7A  }
0x23: {  	s9 =	sor.u32 $0xD0000000, s2;
	s6 =	simm.s32 $0x108;
	_ =	swait.ge @!p0 [sflag:s8], $0x0  }
0x24: {  	s3 =	sadd.s32 $0x88, s3;
	s6 =	simm.s32 @!p1 $0x1082;
	[sflag:s4] =	ssyncset.s32 $0xFFFFF086  }
0x25: {  	[simem:s6], [sflag:s4] =	dma.local [hbm:s3], $0xF7A  }
0x26: {  	[smem:$0x3F7F] =	sst s1;
	(tag) =	ssettag s2;
	_ =	strace s9  }
0x27: {  	s1 =	sld [smem:$0x3F8F]  }
0x28: {  	s2 =	sld [smem:$0x3F90]  }
0x29: {  	s4 =	sld [smem:$0x3F92]  }
0x2a: {  	p0 =	seq.s32 s5, $0x0;
	s5 =	sld [smem:$0x3F93]  }
0x2b: {  	s6 =	sld [smem:$0x3F94]  }
0x2c: {  	s7 =	sld [smem:$0x3F95]  }
0x2d: {  	s3 =	simm.s32 $0x108;
	s8 =	sld [smem:$0x3F96]  }
0x2e: {  	s3 =	simm.s32 @!p0 $0x1082;
	s9 =	sld [smem:$0x3F97]  }
0x2f: {  	lr =	sadd.s32 s0, s3;
	s0 =	sld [smem:$0x3F8E]  }
0x30: {  	s3 =	sld [smem:$0x3F91]  }
0x31: {  	[smem:$0x3F9A] =	sst s10  }
0x32: {  	s10 =	sld [smem:$0x3F98];
	_ =	sdelay $0x3  }
0x33: {  	p0 =	seq.s32 s10, $0x1;
	s10 =	sld [smem:$0x3F9A];
	_ =	sdelay $0x3  }
0x34: {  	[smem:$0x3F9A] =	sst s10  }
0x35: {  	s10 =	sld [smem:$0x3F99];
	_ =	sdelay $0x3  }
0x36: {  	p1 =	seq.s32 s10, $0x1;
	s10 =	sld [smem:$0x3F9A];
	_ =	sdelay $0x3  }
0x37: {  	[smem:$0x3F9A] =	sst s10  }
0x38: {  	s10 =	sld [smem:$0x3F9B]  }
0x39: {  	_ = 	snop;
	(pc) =	sbr.ind lr, $3  }
0x3a: {  	_ = 	snop  }
0x3b: {  	_ = 	snop  }
0x3c: {  	p2 =	seq.s32 s10, $0x1;
	s10 =	sld [smem:$0x3F9A]  }
0x3d: {  	_ =	shalt  }
0x3e: {  	_ =	shalt  }
0x3f: {  	_ =	shalt  }
0x40: {  	_ =	shalt  }
0x41: {  	_ =	shalt  }
0x42: {  	_ =	shalt  }
0x43: {  	_ =	shalt  }
0x44: {  	_ =	shalt  }
0x45: {  	_ =	shalt  }
0x46: {  	_ =	shalt  }
0x47: {  	_ =	shalt  }
0x48: {  	_ =	shalt  }
0x49: {  	_ =	shalt  }
0x4a: {  	_ =	shalt  }
0x4b: {  	_ =	shalt  }
0x4c: {  	_ =	shalt  }
0x4d: {  	_ =	shalt  }
0x4e: {  	_ =	shalt  }
0x4f: {  	_ =	shalt  }
0x50: {  	_ =	shalt  }
0x51: {  	_ =	shalt  }
0x52: {  	_ =	shalt  }
0x53: {  	_ =	shalt  }
0x54: {  	_ =	shalt  }
0x55: {  	_ =	shalt  }
0x56: {  	_ =	shalt  }
0x57: {  	_ =	shalt  }
0x58: {  	_ =	shalt  }
0x59: {  	_ =	shalt  }
0x5a: {  	_ =	shalt  }
0x5b: {  	_ =	shalt  }
0x5c: {  	_ =	shalt  }
0x5d: {  	_ =	shalt  }
0x5e: {  	_ =	shalt  }
0x5f: {  	_ =	shalt  }
0x60: {  	_ =	shalt  }
0x61: {  	_ =	shalt  }
0x62: {  	_ =	shalt  }
0x63: {  	_ =	shalt  }
0x64: {  	_ =	shalt  }
0x65: {  	_ =	shalt  }
0x66: {  	_ =	shalt  }
0x67: {  	_ =	shalt  }
0x68: {  	_ =	shalt  }
0x69: {  	_ =	shalt  }
0x6a: {  	_ =	shalt  }
0x6b: {  	_ =	shalt  }
0x6c: {  	_ =	shalt  }
0x6d: {  	_ =	shalt  }
0x6e: {  	_ =	shalt  }
0x6f: {  	_ =	shalt  }
0x70: {  	_ =	shalt  }
0x71: {  	_ =	shalt  }
0x72: {  	_ =	shalt  }
0x73: {  	_ =	shalt  }
0x74: {  	_ =	shalt  }
0x75: {  	_ =	shalt  }
0x76: {  	_ =	shalt  }
0x77: {  	_ =	shalt  }
0x78: {  	_ =	shalt  }
0x79: {  	_ =	shalt  }
0x7a: {  	_ =	shalt  }
0x7b: {  	_ =	shalt  }
0x7c: {  	_ =	shalt  }
0x7d: {  	_ =	shalt  }
0x7e: {  	_ =	shalt  }
0x7f: {  	_ =	shalt  }
0x80: {  	_ =	shalt  }
0x81: {  	_ =	shalt  }
0x82: {  	_ =	shalt  }
0x83: {  	_ =	shalt  }
0x84: {  	_ =	shalt  }
0x85: {  	_ =	shalt  }
0x86: {  	_ =	shalt  }
0x87: {  	_ =	shalt  }
.Lfunc_end0:
.L_simem_size_0:
called_computation.6_lowered:
.L_overlay_start_0:
0x88: {  	s2 =	sld [smem:$0x3FD9]  }
0x89: {  	s3 =	sld [smem:$0x3FFE];
	_ =	sdelay $0x1  }
0x8a: {  	s1 =	srdreg.scid  }
0x8b: {  	s0 =	sand.u32 $0x1, s1  }
0x8c: {  	s16 =	sshll.u32 s0, $0xA;
	s2 =	sadd.s32 s3, s2  }
0x8d: {  	s2 =	sadd.s32 s2, s16  }
0x8e: {  	[smem:$0x3FA6] =	sst s2  }
0x8f: {  	_ = 	snop  }
0x90: {  	(tm) =	ssettm $0x1  }
0x91: {  	s17 =	sld [smem:$0x3FFB];
	_ =	sdelay $0x3  }
0x92: {  	_ =	strace s17  }
0x93: {  	s2 =	sld [smem:$0x3FFC];
	_ =	sdelay $0x3  }
0x94: {  	_ =	strace s2  }
0x95: {  	s2 =	sld [smem:$0x3FFD];
	_ =	sdelay $0x3  }
0x96: {  	_ =	strace s2  }
0x97: {  	_ =	strace $0x8FFFFFFF  }
0x98: {  	s18 =	sld [smem:$0x3FDB];
	_ =	sdelay $0x1  }
0x99: {  	s19 =	simm.s32 $_scs_section_size  }
0x9a: {  	s4 =	simm.s32 $_size__tile_overlayer_lowered;
	s5 =	simm.s32 $_tile_overlayer_lowered  }
0x9b: {  	s22 =	simm.s32 $0x1BFF;
	s21 =	sshll.u32 s5, $0x1;
	s2 =	sadd.s32 s19, s18  }
0x9c: {  	s6 =	simm.s32 $0x0;
	s20 =	sshll.u32 s4, $0x1;
	s4 =	sadd.s32 s21, s2  }
0x9d: {  	[timem:s6], [sflag:s22] =	dma.local [hbm:s4], s20  }
0x9e: {  	_ =	swait.ge [sflag:s22], s20  }
0x9f: {  	s3 =	ssub.s32 $0x0, s20;
	[sflag:s22] =	ssyncset.done $0x0  }
0xa0: {  	[sflag:s22] =	ssyncadd.s32 s3;
	_ =	sdelay $0x1  }
0xa1: {  	s23 =	simm.s32 $0x1B8B  }
0xa2: {  	_ =	swait.ge [sflag:s23], $0x1  }
0xa3: {  	[sflag:s23] =	ssyncset.done $0x0  }
0xa4: {  	s25 =	simm.s32 $0x1B8E;
	s24 =	sld [smem:$0x3FFE];
	[sflag:s23] =	ssyncadd.s32 $0xFFFFFFFF  }
0xa5: {  	s26 =	simm.s32 $execute0_lowered;
	[smem:$0x3FD2] =	sst s25  }
0xa6: {  	s4 =	sshll.u32 s26, $0x1;
	_ =	strace $0x80000058;
	[dreg:$0x1] =	wrdreg $0xFFFFFFFF  }
0xa7: {  	s28 =	simm.s32 $_size_execute0_lowered;
	s2 =	sadd.s32 s2, s4;
	[dreg:$0x0] =	wrdreg $0x0  }
0xa8: {  	s4 =	sshll.u32 s28, $0x1;
	[dreg:$0x2] =	wrdreg s2  }
0xa9: {  	[dreg:$0x3] =	wrdreg s4  }
0xaa: {  	[dreg:$0x4] =	wrdreg $0xC0  }
0xab: {  	_ =	task [dreg:s6], $0x5FFFF  }
0xac: {  	[dreg:$0x1] =	wrdreg $0xFFFFFFFF  }
0xad: {  	[dreg:$0x0] =	wrdreg $0x60  }
0xae: {  	[dreg:$0x2] =	wrdreg s24  }
0xaf: {  	[dreg:$0x3] =	wrdreg $0x10800  }
0xb0: {  	[dreg:$0x4] =	wrdreg $0x9  }
0xb1: {  	_ =	task.clear_ibuf [dreg:s6], $0x5FFFF;
	_ =	strace $0x90000058  }
0xb2: {  	s29 =	simm.s32 $0x9;
	_ =	strace $0x8000005A  }
0xb3: {  	_ =	swait.ge [sflag:s29], $0x1  }
0xb4: {  	[sflag:s29] =	ssyncadd.s32 $0xFFFFFFFF  }
0xb5: {  	_ =	strace $0x9000005A  }
0xb6: {  	_ =	sfence  }
0xb7: {  	s30 =	sld [smem:$0x0];
	_ =	sdelay $0x2  }
0xb8: {  	s31 =	sshll.u32 s1, $0xD;
	s1 =	sshrl.u32 s1, $0x2  }
0xb9: {  	s3 =	sand.u32 $0x4000, s31;
	s1 =	sadd.s32 s1, s30  }
0xba: {  	s0 =	sor.u32 s3, s0;
	s1 =	sshll.u32 s1, $0x11  }
0xbb: {  	s0 =	sor.u32 s1, s0  }
0xbc: {  	s0 =	sadd.s32 $0x8F2B, s0  }
0xbd: {  	[sflag:s0] =	ssyncadd.remote.s32 $0x1  }
0xbe: {  	_ =	sfence.sel $0xFFFF  }
0xbf: {  	[dreg:$0x0] =	wrdreg $0xFFFFFFFF;
	(pc) =	sbr.abs _section_cstart, $3  }
0xc0: {  	[dreg:$0x1] =	wrdreg $0xFFFFFFFF  }
0xc1: {  	_ =	task.clear_ibuf [dreg:s6], $0x2FFFF;
	_ =	strace $0x9FFFFFFF  }
0xc2: {  	(tm) =	ssettm $0x7FFFFFFF  }
0xc3: {  	_ =	shalt  }
tec
execute0_lowered:
.L_overlay_start_1:
0x0: {  	(tag) =	ssettag $0x1  }
0x1: {  	s0 =	stileid.u32;
	s1 =	srdreg.scid  }
0x2: {  	s5 =	rddreg [dreg:$0x0];
	s4 =	smul.u32 $0xA000, s0  }
0x3: {  	s2 =	rddreg [dreg:$0x1];
	s3 =	simm.s32 $0x0;
	s7 =	smul.u32 $0x2800, s0  }
0x4: {  	s6 =	sand.u32 $0x1, s1;
	s1 =	rddreg [dreg:$0x2];
	s9 =	smul.u32 $0x5000, s0  }
0x5: {  	[smem:$0x7FF] =	sst s3;
	s30 =	sshll.u32 s0, $0x6;
	s8 =	smul.u32 $0x1400, s6  }
0x6: {  	s24 =	smul.u32 $0x50000, s6;
	_ =	strace $0x80000059;
	s28 =	ssub.s32 $0x2, s6  }
0x7: {  	s13 =	smul.u32 $0x5000, s6;
	s10 =	sadd.s32 s4, s5;
	s26 =	sshrl.u32 s9, $0x3  }
0x8: {  	s29 =	sshrl.u32 s28, $0x1;
	s14 =	sadd.s32 s9, s2;
	s7 =	sadd.s32 s8, s7  }
0x9: {  	s25 =	sadd.s32 s9, s24;
	s8 =	ssub.s32 s28, s29;
	s31 =	sadd.s32 s13, s10  }
0xa: {  	s10 =	sshrl.u32 s14, $0x3;
	s13 =	simm.s32 $0x0;
	s7 =	sshrl.u32 s7, $0x3  }
0xb: {  	s4 =	sshrl.u32 s25, $0x3;
	s11 =	sadd.s32 s7, s5;
	s7 =	sadd.s32 s26, s5  }
0xc: {  	s12 =	sadd.s32 s4, s5;
	s5 =	sor.u32 $0x1C01, s30;
	s4 =	sadd.s32 $0x347800, s7  }
0xd: {  	s6 =	sadd.s32 $0x351800, s12;
	s7 =	smax.u32 s8, $0x1;
	s8 =	sadd.s32 $0x4800, s31  }
0xe: {  	s9 =	sadd.s32 $0xB3600, s11;
	s11 =	simm.s32 $0x1;
	s12 =	simm.s32 $0x80  }
.LBB2_1:
0xf: {  	[spmem:s10], [sflag:s5] =	dma.local [hbm:s4], $0xA00  }
0x10: {  	_ =	swait.ge [sflag:s11], $0xA00  }
0x11: {  	[sflag:s11] =	ssyncset.done $0x0  }
0x12: {  	[sflag:s11] =	ssyncadd.s32 $0xFFFFF600  }
0x13: {  	s14 =	sadd.s32 $0x0, s9;
	[bflag:$0x0] =	sbarrier.arrive $0xFFFF  }
0x14: {  	[tilespmem:s3], [sflag:$0x1] =	stream.linear.gather [hbm4b:s14+s3], $0x80, $0x38;
	[tilespmem:$0x6080] =	vst v63  }
0x15: {  	_ =	swait.ge [sflag:s11], $0x80  }
0x16: {  	[sflag:s11] =	ssyncset.done $0x0  }
0x17: {  	[sflag:s11] =	ssyncadd.s32 $0xFFFFFF80  }
0x18: {  	[tilespmem:s12], [sflag:$0x1] =	stream.linear.gather [hbm4b:s8+s3], $0x1000, $0x38;
	[tilespmem:$0x6080] =	vst v63  }
0x19: {  	_ =	swait.ge [sflag:s11], $0x1000  }
0x1a: {  	[sflag:s11] =	ssyncset.done $0x0  }
0x1b: {  	[sflag:s11] =	ssyncadd.s32 $0xFFFFF000  }
0x1c: {  	[spmem:s2] =	stream.indirect.scatter.add.f32 [tilespmem:s12], [sflag:$0x1], $0x20, s3, s12, $0xb8;
	[tilespmem:$0x6080] =	vst v63  }
0x1d: {  	s15 =	simm.s32 $0x10;
	_ =	swait.ge [sflag:s11], $0x1000  }
0x1e: {  	s16 =	simm.s32 $0x20;
	s14 =	sadd.s32 $0x200, s8;
	[sflag:s11] =	ssyncset.done $0x0  }
.LBB2_2:
0x1f: {  	s17 =	sadd.s32 s15, s9  }
0x20: {  	[sflag:s11] =	ssyncadd.s32 $0xFFFFF000;
	s15 =	smov.u32 s16;
	s18 =	sadd.s32 $0x10, s16  }
0x21: {  	[tilespmem:s3], [sflag:$0x1] =	stream.linear.gather [hbm4b:s17+s3], $0x80, $0x38;
	[tilespmem:$0x6080] =	vst v63  }
0x22: {  	p0 =	sne.s32 s16, $0x270;
	_ =	swait.ge [sflag:s11], $0x80  }
0x23: {  	[sflag:s11] =	ssyncset.done $0x0  }
0x24: {  	[sflag:s11] =	ssyncadd.s32 $0xFFFFFF80  }
0x25: {  	[tilespmem:s12], [sflag:$0x1] =	stream.linear.gather [hbm4b:s14+s3], $0x1000, $0x38;
	[tilespmem:$0x6080] =	vst v63  }
0x26: {  	_ =	swait.ge [sflag:s11], $0x1000  }
.Ltmp0:
0x27: {  	[sflag:s11] =	ssyncset.done $0x0;
	(pc) =	sbr.rel @p0 .LBB2_2-.Ltmp0, $4  }
0x28: {  	[sflag:s11] =	ssyncadd.s32 $0xFFFFF000  }
0x29: {  	[spmem:s2] =	stream.indirect.scatter.add.f32 [tilespmem:s12], [sflag:$0x1], $0x20, s3, s12, $0xb8;
	[tilespmem:$0x6080] =	vst v63  }
0x2a: {  	_ =	swait.ge [sflag:s11], $0x1000  }
0x2b: {  	s16 =	smov.u32 s18;
	s14 =	sadd.s32 $0x200, s14;
	[sflag:s11] =	ssyncset.done $0x0  }
0x2c: {  	s15 =	sadd.s32 s15, s9;
	[sflag:s11] =	ssyncadd.s32 $0xFFFFF000  }
0x2d: {  	[tilespmem:s3], [sflag:$0x1] =	stream.linear.gather [hbm4b:s15+s3], $0x80, $0x38;
	[tilespmem:$0x6080] =	vst v63  }
0x2e: {  	_ =	swait.ge [sflag:s11], $0x80  }
0x2f: {  	[sflag:s11] =	ssyncset.done $0x0  }
0x30: {  	[sflag:s11] =	ssyncadd.s32 $0xFFFFFF80  }
0x31: {  	[tilespmem:s12], [sflag:$0x1] =	stream.linear.gather [hbm4b:s14+s3], $0x1000, $0x38;
	[tilespmem:$0x6080] =	vst v63  }
0x32: {  	_ =	swait.ge [sflag:s11], $0x1000  }
0x33: {  	[sflag:s11] =	ssyncset.done $0x0  }
0x34: {  	[sflag:s11] =	ssyncadd.s32 $0xFFFFF000  }
0x35: {  	[spmem:s2] =	stream.indirect.scatter.add.f32 [tilespmem:s12], [sflag:$0x1], $0x20, s3, s12, $0xb8;
	[tilespmem:$0x6080] =	vst v63  }
0x36: {  	_ =	swait.ge [sflag:s11], $0x1000  }
0x37: {  	s13 =	sadd.s32 $0x1, s13;
	[sflag:s11] =	ssyncset.done $0x0  }
0x38: {  	p0 =	sne.s32 s13, s7;
	[sflag:s11] =	ssyncadd.s32 $0xFFFFF000  }
.Ltmp1:
0x39: {  	[bflag:$0x0] =	sbarrier.arrive $0xFFFF;
	(pc) =	sbr.rel @p0 .LBB2_1-.Ltmp1, $4  }
0x3a: {  	[hbm:s6], [sflag:s5] =	dma.local [spmem:s10], $0xA00  }
0x3b: {  	_ =	swait.ge [sflag:s11], $0xA00  }
0x3c: {  	[sflag:s11] =	ssyncset.done $0x0  }
0x3d: {  	[sflag:s11] =	ssyncadd.s32 $0xFFFFF600  }
0x3e: {  	_ =	sfence.sel $0x180000  }
0x3f: {  	[bflag:$0x0] =	sbarrier.arrive $0xFFFF  }
0x40: {  	p0 =	sne.s32 s0, $0x0;
	_ =	strace $0x90000059  }
0x41: {  	s0 =	sadd.s32 @!p0 $0x100000, s1;
	[bflag:$0x2] =	sbarrier.arrive $0xFFFF  }
0x42: {  	[sflag:s0] =	ssyncadd.tile.s32 @!p0 $0x1;
	_ =	shalt  }
.Lfunc_end2:
_tile_overlayer_lowered:
.L_overlay_start_2:
0x43: {  	(tag) =	ssettag $0x2  }
0x44: {  	s0 =	rddreg [dreg:$0x0];
	s2 =	stileid.u32  }
0x45: {  	s1 =	rddreg [dreg:$0x1];
	p0 =	sne.s32 s2, $0x0  }
0x46: {  	s3 =	rddreg [dreg:$0x2];
	[bflag:$0x3] =	sbarrier.arrive $0xFFFF;
	s2 =	simm.s32 @!p0 $0x1C01  }
0x47: {  	[timem:s3], [sflag:s2] =	dma.local @!p0 [hbm:s0], s1  }
0x48: {  	s0 =	simm.s32 @!p0 $0x1  }
0x49: {  	_ =	swait.ge @!p0 [sflag:s0], s1  }
0x4a: {  	s1 =	ssub.s32 @!p0 $0x0, s1;
	[sflag:s0] =	ssyncset.done @!p0 $0x0  }
0x4b: {  	[sflag:s0] =	ssyncadd.s32 @!p0 s1  }
0x4c: {  	[bflag:$0x3] =	sbarrier.arrive $0xFFFF  }
0x4d: {  	_ =	shalt  }

</sc_bundles>
